<compile_context>
chip_gen: v7x
topology: tpu7x:2x2x1
jax: 0.10.2.dev20260603
libtpu: 0.0.44.dev20260713+nightly
codegen_flags: <defaults>
</compile_context>

<pallas_src>
import dataclasses
import functools

import jax
import jax.numpy as jnp
from jax import lax
from jax.experimental import pallas as pl
from jax.experimental.pallas import tpu as pltpu
from jax.experimental.pallas import tpu_sc as plsc

N = 10000
E = 320000
D = 128
NC, NS = 2, 16
WIN = 128
SLABR = 157
EPAD = NS * SLABR * WIN
NCHUNK = SLABR * WIN // 16
CAP = 160
HN = N // NC
NACC = 5120
ZROWS = NACC // NS
DEGW = 128


@functools.lru_cache(maxsize=None)
def _sc_params():
    cp = pltpu.CompilerParams()
    if "needs_layout_passes" in pltpu.CompilerParams.__dataclass_fields__:
        cp = dataclasses.replace(cp, needs_layout_passes=False)
    return cp


@functools.lru_cache(maxsize=None)
def _mesh():
    return plsc.VectorSubcoreMesh(
        core_axis_name="c", subcore_axis_name="s",
        num_cores=NC, num_subcores=NS,
    )



def _sc_part_body(src_hbm, dst_hbm, src_out, dst_out, cnt_out,
                  src_v, dst_v, osrc_v, odst_v, cnt_v, sem):
    cid = lax.axis_index("c")
    sid = lax.axis_index("s")
    lo = cid * HN

    pltpu.sync_copy(src_hbm.at[sid], src_v)
    pltpu.sync_copy(dst_hbm.at[sid], dst_v)

    it16 = lax.iota(jnp.int32, 16)

    def chunk(i, off):
        r = i >> 3
        c = (i & 7) * 16
        s = src_v[r, pl.ds(c, 16)]
        d = dst_v[r, pl.ds(c, 16)]
        ok = jnp.logical_and(d >= lo, d < lo + HN)
        pref = plsc.cumsum(jnp.where(ok, 1, 0))
        pos = off + pref - 1
        row = lax.shift_right_logical(pos, 7)
        col = jnp.bitwise_and(pos, 127)
        plsc.store_scatter(osrc_v, [row, col], s, mask=ok)
        plsc.store_scatter(odst_v, [row, col], d - lo, mask=ok)
        return off + jnp.max(pref)

    off = lax.fori_loop(0, NCHUNK, chunk, jnp.int32(0))

    padded = jnp.maximum(
        lax.shift_left(lax.shift_right_logical(off + 255, 8), 8), 256)
    zero16 = jnp.zeros((16,), jnp.int32)
    dummy16 = jnp.full((16,), HN, jnp.int32)
    for k in range(16):
        idx = off + k * 16 + it16
        mk = idx < padded
        row = lax.shift_right_logical(idx, 7)
        col = jnp.bitwise_and(idx, 127)
        plsc.store_scatter(osrc_v, [row, col], zero16, mask=mk)
        plsc.store_scatter(odst_v, [row, col], dummy16, mask=mk)

    nwin = lax.shift_right_logical(padded, 7)
    for k in range(8):
        cnt_v[pl.ds(k * 16, 16)] = jnp.broadcast_to(nwin, (16,))

    pltpu.sync_copy(osrc_v, src_out.at[cid, sid])
    pltpu.sync_copy(odst_v, dst_out.at[cid, sid])
    pltpu.sync_copy(cnt_v, cnt_out.at[cid, sid])


@functools.lru_cache(maxsize=None)
def _sc_part():
    return pl.kernel(
        _sc_part_body,
        out_type=(
            jax.ShapeDtypeStruct((NC, NS, CAP, WIN), jnp.int32),
            jax.ShapeDtypeStruct((NC, NS, CAP, WIN), jnp.int32),
            jax.ShapeDtypeStruct((NC, NS, 128), jnp.int32),
        ),
        mesh=_mesh(),
        scratch_types=[
            pltpu.VMEM((SLABR, WIN), jnp.int32),
            pltpu.VMEM((SLABR, WIN), jnp.int32),
            pltpu.VMEM((CAP, WIN), jnp.int32),
            pltpu.VMEM((CAP, WIN), jnp.int32),
            pltpu.VMEM((128,), jnp.int32),
            pltpu.SemaphoreType.DMA,
        ],
        compiler_params=_sc_params(),
    )


def _nwin_of(cnt_v):
    return jnp.max(cnt_v[pl.ds(0, 16)])



def _sc_degree_body(dstp_hbm, cnt_hbm, zeros_hbm, ones_hbm, out_hbm,
                    dst_v, cnt_v, ones_v, acc, sem):
    cid = lax.axis_index("c")
    sid = lax.axis_index("s")

    pltpu.sync_copy(zeros_hbm, acc.at[pl.ds(sid * ZROWS, ZROWS)])
    pltpu.sync_copy(dstp_hbm.at[cid, sid], dst_v)
    pltpu.sync_copy(cnt_hbm.at[cid, sid], cnt_v)
    pltpu.sync_copy(ones_hbm, ones_v)
    plsc.subcore_barrier()

    nwin = _nwin_of(cnt_v)

    def body(w, _):
        pltpu.sync_copy(ones_v, acc.at[dst_v.at[w]], add=True)
        return 0

    lax.fori_loop(0, nwin, body, 0)

    plsc.subcore_barrier()
    pltpu.sync_copy(
        acc.at[pl.ds(sid * ZROWS, ZROWS)],
        out_hbm.at[cid, pl.ds(sid * ZROWS, ZROWS)],
    )


@functools.lru_cache(maxsize=None)
def _sc_degree():
    return pl.kernel(
        _sc_degree_body,
        out_type=jax.ShapeDtypeStruct((NC, NACC, DEGW), jnp.float32),
        mesh=_mesh(),
        scratch_types=[
            pltpu.VMEM((CAP, WIN), jnp.int32),
            pltpu.VMEM((128,), jnp.int32),
            pltpu.VMEM((WIN, DEGW), jnp.float32),
            pltpu.VMEM_SHARED((NACC, DEGW), jnp.float32),
            pltpu.SemaphoreType.DMA,
        ],
        compiler_params=_sc_params(),
    )



def _sc_spmm_body(g_hbm, srcp_hbm, dstp_hbm, cnt_hbm, zeros_hbm, out_hbm,
                  src_v, dst_v, cnt_v, rows0, rows1, acc, sem0, sem1):
    cid = lax.axis_index("c")
    sid = lax.axis_index("s")

    pltpu.sync_copy(zeros_hbm, acc.at[pl.ds(sid * ZROWS, ZROWS)])
    pltpu.sync_copy(srcp_hbm.at[cid, sid], src_v)
    pltpu.sync_copy(dstp_hbm.at[cid, sid], dst_v)
    pltpu.sync_copy(cnt_hbm.at[cid, sid], cnt_v)
    plsc.subcore_barrier()

    nwin = _nwin_of(cnt_v)

    def issue(w, buf, sem):
        pltpu.async_copy(g_hbm.at[src_v.at[w]], buf, sem)

    def wait(w, buf, sem):
        pltpu.make_async_copy(g_hbm.at[src_v.at[w]], buf, sem).wait()

    def scatter(w, buf):
        pltpu.sync_copy(buf, acc.at[dst_v.at[w]], add=True)

    issue(0, rows0, sem0)

    def body(i, _):
        w = 2 * i
        issue(w + 1, rows1, sem1)
        wait(w, rows0, sem0)
        scatter(w, rows0)
        issue(w + 2, rows0, sem0)
        wait(w + 1, rows1, sem1)
        scatter(w + 1, rows1)
        return 0

    lax.fori_loop(0, lax.shift_right_logical(nwin - 2, 1), body, 0)

    issue(nwin - 1, rows1, sem1)
    wait(nwin - 2, rows0, sem0)
    scatter(nwin - 2, rows0)
    wait(nwin - 1, rows1, sem1)
    scatter(nwin - 1, rows1)

    plsc.subcore_barrier()
    pltpu.sync_copy(
        acc.at[pl.ds(sid * ZROWS, ZROWS)],
        out_hbm.at[cid, pl.ds(sid * ZROWS, ZROWS)],
    )


@functools.lru_cache(maxsize=None)
def _sc_spmm():
    return pl.kernel(
        _sc_spmm_body,
        out_type=jax.ShapeDtypeStruct((NC, NACC, D), jnp.float32),
        mesh=_mesh(),
        scratch_types=[
            pltpu.VMEM((CAP, WIN), jnp.int32),
            pltpu.VMEM((CAP, WIN), jnp.int32),
            pltpu.VMEM((128,), jnp.int32),
            pltpu.VMEM((WIN, D), jnp.float32),
            pltpu.VMEM((WIN, D), jnp.float32),
            pltpu.VMEM_SHARED((NACC, D), jnp.float32),
            pltpu.SemaphoreType.DMA,
            pltpu.SemaphoreType.DMA,
        ],
        compiler_params=_sc_params(),
    )



BR = 1000
GRID = N // BR
_CB = HN // BR


def _dis_from(degp):
    deg = degp[0, :, 0] + 1.0
    return lax.rsqrt(deg)[:, None]


def _ln_elu(h, w, b):
    mu = jnp.mean(h, axis=-1, keepdims=True)
    var = jnp.mean((h - mu) ** 2, axis=-1, keepdims=True)
    t = (h - mu) * lax.rsqrt(var + 1e-5) * w + b
    return jnp.where(t > 0.0, t, jnp.exp(t) - 1.0)


def _tc_h1_body(x_ref, w1_ref, h1_ref):
    h1_ref[...] = jnp.dot(x_ref[...], w1_ref[...],
                          preferred_element_type=jnp.float32,
                          precision=lax.Precision.HIGHEST)


def _tc_g1_body(degp_ref, h1_ref, g1_ref):
    g1_ref[...] = _dis_from(degp_ref[...]) * h1_ref[...]


def _tc_mid_body(degp_ref, p_ref, g1_ref, b1_ref, lnw_ref, lnb_ref, w2_ref,
                 g2_ref):
    dis = _dis_from(degp_ref[...])
    pre = dis * (p_ref[0] + g1_ref[...]) + b1_ref[...]
    t = _ln_elu(pre, lnw_ref[...], lnb_ref[...])
    h2 = jnp.dot(t, w2_ref[...],
                 preferred_element_type=jnp.float32,
                 precision=lax.Precision.HIGHEST)
    g2_ref[...] = dis * h2


def _tc_out_body(degp_ref, p_ref, g2_ref, b2_ref, lnw_ref, lnb_ref, out_ref):
    dis = _dis_from(degp_ref[...])
    pre = dis * (p_ref[0] + g2_ref[...]) + b2_ref[...]
    out_ref[...] = _ln_elu(pre, lnw_ref[...], lnb_ref[...])



def _rowspec():
    return pl.BlockSpec((BR, D), lambda i: (i, 0))


def _degspec():
    return pl.BlockSpec((1, BR, DEGW), lambda i: (i // _CB, i % _CB, 0))


def _pspec():
    return pl.BlockSpec((1, BR, D), lambda i: (i // _CB, i % _CB, 0))


def _fullspec(shape):
    return pl.BlockSpec(shape, lambda i: (0,) * len(shape))


def _tc_h1(x, W1):
    return pl.pallas_call(
        _tc_h1_body,
        grid=(GRID,),
        in_specs=[_rowspec(), _fullspec((D, D))],
        out_specs=_rowspec(),
        out_shape=jax.ShapeDtypeStruct((N, D), jnp.float32),
    )(x, W1)


def _tc_g1(degp, h1):
    return pl.pallas_call(
        _tc_g1_body,
        grid=(GRID,),
        in_specs=[_degspec(), _rowspec()],
        out_specs=_rowspec(),
        out_shape=jax.ShapeDtypeStruct((N, D), jnp.float32),
    )(degp, h1)


def _tc_mid(degp, p, g1, b1, lnw, lnb, W2):
    return pl.pallas_call(
        _tc_mid_body,
        grid=(GRID,),
        in_specs=[_degspec(), _pspec(), _rowspec(), _fullspec((1, D)),
                  _fullspec((1, D)), _fullspec((1, D)), _fullspec((D, D))],
        out_specs=_rowspec(),
        out_shape=jax.ShapeDtypeStruct((N, D), jnp.float32),
    )(degp, p, g1, b1, lnw, lnb, W2)


def _tc_out(degp, p, g2, b2, lnw, lnb):
    return pl.pallas_call(
        _tc_out_body,
        grid=(GRID,),
        in_specs=[_degspec(), _pspec(), _rowspec(), _fullspec((1, D)),
                  _fullspec((1, D)), _fullspec((1, D))],
        out_specs=_rowspec(),
        out_shape=jax.ShapeDtypeStruct((N, D), jnp.float32),
    )(degp, p, g2, b2, lnw, lnb)



def kernel(x, edge_index, W1, b1, ln1_w, ln1_b, W2, b2, ln2_w, ln2_b):
    pad = EPAD - E
    src = jnp.concatenate([edge_index[0], jnp.zeros((pad,), jnp.int32)])
    dst = jnp.concatenate([edge_index[1], jnp.full((pad,), N, jnp.int32)])
    src_slab = src.reshape(NS, SLABR, WIN)
    dst_slab = dst.reshape(NS, SLABR, WIN)

    zeros_d = jnp.zeros((ZROWS, D), jnp.float32)
    zeros_deg = jnp.zeros((ZROWS, DEGW), jnp.float32)
    ones_deg = jnp.ones((WIN, DEGW), jnp.float32)

    b1 = b1.reshape(1, D)
    b2 = b2.reshape(1, D)
    ln1_w = ln1_w.reshape(1, D)
    ln1_b = ln1_b.reshape(1, D)
    ln2_w = ln2_w.reshape(1, D)
    ln2_b = ln2_b.reshape(1, D)

    srcp, dstp, cnt = _sc_part()(src_slab, dst_slab)
    h1 = _tc_h1(x, W1)
    degp = _sc_degree()(dstp, cnt, zeros_deg, ones_deg)
    g1 = _tc_g1(degp, h1)
    p1 = _sc_spmm()(g1, srcp, dstp, cnt, zeros_d)
    g2 = _tc_mid(degp, p1, g1, b1, ln1_w, ln1_b, W2)
    p2 = _sc_spmm()(g2, srcp, dstp, cnt, zeros_d)
    return _tc_out(degp, p2, g2, b2, ln2_w, ln2_b)

# --- scband reference (transcript-rebuilt; emitter-appended) ---
"""Pipeline reference for scband-gcnblock-32667521253433 (READ-ONLY COPY).

The authoritative reference and input builder live on the scoring server;
editing this copy changes nothing except your own understanding.
"""

import jax, jax.numpy as jnp
import numpy as np

N_NODES = 10000
N_EDGES = 320000
D_IN, D_HID, D_OUT = 128, 128, 128


def setup_inputs(seed: int = 0) -> dict:
    key = jax.random.key(seed)
    ks = jax.random.split(key, 8)
    x = jax.random.normal(ks[0], (N_NODES, D_IN), dtype=jnp.float32)
    edge_index = jax.random.randint(ks[1], (2, N_EDGES), 0, N_NODES, dtype=jnp.int32)
    W1 = jax.random.normal(ks[2], (D_IN, D_HID), dtype=jnp.float32) * (1.0 / np.sqrt(D_IN))
    b1 = jnp.zeros((D_HID,), dtype=jnp.float32)
    W2 = jax.random.normal(ks[3], (D_HID, D_OUT), dtype=jnp.float32) * (1.0 / np.sqrt(D_HID))
    b2 = jnp.zeros((D_OUT,), dtype=jnp.float32)
    ln1_w = jnp.ones((D_HID,), dtype=jnp.float32)
    ln1_b = jnp.zeros((D_HID,), dtype=jnp.float32)
    ln2_w = jnp.ones((D_OUT,), dtype=jnp.float32)
    ln2_b = jnp.zeros((D_OUT,), dtype=jnp.float32)
    return {"x": x, "edge_index": edge_index, "W1": W1, "b1": b1,
            "ln1_w": ln1_w, "ln1_b": ln1_b, "W2": W2, "b2": b2,
            "ln2_w": ln2_w, "ln2_b": ln2_b}


def _gcn_conv(x, edge_index, W, b):
    # PyG GCNConv: add self-loops, symmetric normalization D^-1/2 A_hat D^-1/2 X W + b
    N = x.shape[0]
    loops = jnp.arange(N, dtype=edge_index.dtype)
    src = jnp.concatenate([edge_index[0], loops])
    dst = jnp.concatenate([edge_index[1], loops])
    deg = jnp.zeros((N,), dtype=x.dtype).at[dst].add(1.0)
    deg_inv_sqrt = jnp.where(deg > 0, jax.lax.rsqrt(jnp.maximum(deg, 1e-12)), 0.0)
    norm = deg_inv_sqrt[src] * deg_inv_sqrt[dst]
    h = x @ W
    msg = h[src] * norm[:, None]
    out = jnp.zeros((N, W.shape[1]), dtype=x.dtype).at[dst].add(msg)
    return out + b


def _layer_norm(h, w, b, eps=1e-5):
    mu = jnp.mean(h, axis=-1, keepdims=True)
    var = jnp.var(h, axis=-1, keepdims=True)
    return (h - mu) / jnp.sqrt(var + eps) * w + b


def reference(x, edge_index, W1, b1, ln1_w, ln1_b, W2, b2, ln2_w, ln2_b):
    h = _gcn_conv(x, edge_index, W1, b1)
    h = jax.nn.elu(_layer_norm(h, ln1_w, ln1_b))
    h = _gcn_conv(h, edge_index, W2, b2)
    h = jax.nn.elu(_layer_norm(h, ln2_w, ln2_b))
    return h

if __name__ == "__main__":
    import jax
    _d = setup_inputs()
    print(jax.jit(kernel)(*tuple(_d.values())))

</pallas_src>

<mosaic_0001>
#map = affine_map<(d0, d1) -> (0, 0, 0)>
#map1 = affine_map<(d0, d1) -> (0, 0, 0, 0)>
module attributes {stable_mosaic.version = 14 : i64} {
  func.func @_sc_part_body(%arg0: i32, %arg1: i32, %arg2: memref<16x157x128xi32, #tpu.memory_space<hbm>>, %arg3: memref<16x157x128xi32, #tpu.memory_space<hbm>>, %arg4: memref<2x16x160x128xi32, #tpu.memory_space<hbm>>, %arg5: memref<2x16x160x128xi32, #tpu.memory_space<hbm>>, %arg6: memref<2x16x128xi32, #tpu.memory_space<hbm>>, %arg7: memref<157x128xi32, #tpu.memory_space<vmem>>, %arg8: memref<157x128xi32, #tpu.memory_space<vmem>>, %arg9: memref<160x128xi32, #tpu.memory_space<vmem>>, %arg10: memref<160x128xi32, #tpu.memory_space<vmem>>, %arg11: memref<128xi32, #tpu.memory_space<vmem>>, %arg12: memref<!tpu.dma_semaphore, #tpu.memory_space<semaphore_mem>>) attributes {dimension_semantics = [#tpu.dimension_semantics<core_parallel>, #tpu.dimension_semantics<subcore_parallel>], iteration_bounds = array<i64: 2, 16>, scalar_prefetch = 0 : i64, scratch_operands = 6 : i64, tpu.core_type = #tpu.core_type<sc_vector_subcore>, window_params = [{transform_indices = #map}, {transform_indices = #map}, {transform_indices = #map1}, {transform_indices = #map1}, {transform_indices = #map}]} {
    %mul3A = arith.constant 5000 : i32
    %mul3A_0 = arith.muli %arg0, %mul3A : i32
    "tpu.region"() ({
      %run_scoped3A = tpu.sem_alloc : memref<!tpu.dma_semaphore, #tpu.memory_space<semaphore_mem>>
      %dma_start3A = arith.constant 0 : i32
      %dma_start3A_229 = arith.constant 0 : i32
      %dma_start3A_230 = tpu.memref_slice %arg2[%arg1, %dma_start3A, %dma_start3A_229] : memref<16x157x128xi32, #tpu.memory_space<hbm>> -> memref<1x157x128xi32, #tpu.memory_space<hbm>>
      %dma_start3A_231 = tpu.memref_squeeze %dma_start3A_230 : memref<1x157x128xi32, #tpu.memory_space<hbm>> -> memref<157x128xi32, #tpu.memory_space<hbm>>
      %dma_start3A_232 = arith.constant 0 : i32
      %dma_start3A_233 = arith.constant 0 : i32
      %dma_start3A_234 = tpu.memref_slice %arg2[%arg1, %dma_start3A_232, %dma_start3A_233] : memref<16x157x128xi32, #tpu.memory_space<hbm>> -> memref<1x157x128xi32, #tpu.memory_space<hbm>>
      %dma_start3A_235 = tpu.memref_squeeze %dma_start3A_234 : memref<1x157x128xi32, #tpu.memory_space<hbm>> -> memref<157x128xi32, #tpu.memory_space<hbm>>
      tpu.enqueue_dma source(%dma_start3A_235 : memref<157x128xi32, #tpu.memory_space<hbm>>) target(%arg7 : memref<157x128xi32, #tpu.memory_space<vmem>>) target_semaphore(%run_scoped3A : memref<!tpu.dma_semaphore, #tpu.memory_space<semaphore_mem>>)
      %dma_wait3A = arith.constant 0 : i32
      %dma_wait3A_236 = arith.constant 0 : i32
      %dma_wait3A_237 = tpu.memref_slice %arg2[%arg1, %dma_wait3A, %dma_wait3A_236] : memref<16x157x128xi32, #tpu.memory_space<hbm>> -> memref<1x157x128xi32, #tpu.memory_space<hbm>>
      %dma_wait3A_238 = tpu.memref_squeeze %dma_wait3A_237 : memref<1x157x128xi32, #tpu.memory_space<hbm>> -> memref<157x128xi32, #tpu.memory_space<hbm>>
      %dma_wait3A_239 = arith.constant 0 : i32
      %dma_wait3A_240 = arith.constant 0 : i32
      %dma_wait3A_241 = tpu.memref_slice %arg2[%arg1, %dma_wait3A_239, %dma_wait3A_240] : memref<16x157x128xi32, #tpu.memory_space<hbm>> -> memref<1x157x128xi32, #tpu.memory_space<hbm>>
      %dma_wait3A_242 = tpu.memref_squeeze %dma_wait3A_241 : memref<1x157x128xi32, #tpu.memory_space<hbm>> -> memref<157x128xi32, #tpu.memory_space<hbm>>
      tpu.wait_dma2 semaphore(%run_scoped3A : memref<!tpu.dma_semaphore, #tpu.memory_space<semaphore_mem>>) src(%dma_wait3A_242 : memref<157x128xi32, #tpu.memory_space<hbm>>) dst(%arg7 : memref<157x128xi32, #tpu.memory_space<vmem>>)
      tpu.yield
    }) : () -> ()
    "tpu.region"() ({
      %run_scoped3A = tpu.sem_alloc : memref<!tpu.dma_semaphore, #tpu.memory_space<semaphore_mem>>
      %dma_start3A = arith.constant 0 : i32
      %dma_start3A_229 = arith.constant 0 : i32
      %dma_start3A_230 = tpu.memref_slice %arg3[%arg1, %dma_start3A, %dma_start3A_229] : memref<16x157x128xi32, #tpu.memory_space<hbm>> -> memref<1x157x128xi32, #tpu.memory_space<hbm>>
      %dma_start3A_231 = tpu.memref_squeeze %dma_start3A_230 : memref<1x157x128xi32, #tpu.memory_space<hbm>> -> memref<157x128xi32, #tpu.memory_space<hbm>>
      %dma_start3A_232 = arith.constant 0 : i32
      %dma_start3A_233 = arith.constant 0 : i32
      %dma_start3A_234 = tpu.memref_slice %arg3[%arg1, %dma_start3A_232, %dma_start3A_233] : memref<16x157x128xi32, #tpu.memory_space<hbm>> -> memref<1x157x128xi32, #tpu.memory_space<hbm>>
      %dma_start3A_235 = tpu.memref_squeeze %dma_start3A_234 : memref<1x157x128xi32, #tpu.memory_space<hbm>> -> memref<157x128xi32, #tpu.memory_space<hbm>>
      tpu.enqueue_dma source(%dma_start3A_235 : memref<157x128xi32, #tpu.memory_space<hbm>>) target(%arg8 : memref<157x128xi32, #tpu.memory_space<vmem>>) target_semaphore(%run_scoped3A : memref<!tpu.dma_semaphore, #tpu.memory_space<semaphore_mem>>)
      %dma_wait3A = arith.constant 0 : i32
      %dma_wait3A_236 = arith.constant 0 : i32
      %dma_wait3A_237 = tpu.memref_slice %arg3[%arg1, %dma_wait3A, %dma_wait3A_236] : memref<16x157x128xi32, #tpu.memory_space<hbm>> -> memref<1x157x128xi32, #tpu.memory_space<hbm>>
      %dma_wait3A_238 = tpu.memref_squeeze %dma_wait3A_237 : memref<1x157x128xi32, #tpu.memory_space<hbm>> -> memref<157x128xi32, #tpu.memory_space<hbm>>
      %dma_wait3A_239 = arith.constant 0 : i32
      %dma_wait3A_240 = arith.constant 0 : i32
      %dma_wait3A_241 = tpu.memref_slice %arg3[%arg1, %dma_wait3A_239, %dma_wait3A_240] : memref<16x157x128xi32, #tpu.memory_space<hbm>> -> memref<1x157x128xi32, #tpu.memory_space<hbm>>
      %dma_wait3A_242 = tpu.memref_squeeze %dma_wait3A_241 : memref<1x157x128xi32, #tpu.memory_space<hbm>> -> memref<157x128xi32, #tpu.memory_space<hbm>>
      tpu.wait_dma2 semaphore(%run_scoped3A : memref<!tpu.dma_semaphore, #tpu.memory_space<semaphore_mem>>) src(%dma_wait3A_242 : memref<157x128xi32, #tpu.memory_space<hbm>>) dst(%arg8 : memref<157x128xi32, #tpu.memory_space<vmem>>)
      tpu.yield
    }) : () -> ()
    %iota3A = tpu.iota {dimensions = array<i32: 0>} : vector<16xi32>
    %scan3A = arith.constant 0 : i32
    %scan3A_1 = arith.constant 0 : i32
    %scan3A_2 = arith.constant 1256 : i32
    %scan3A_3 = arith.addi %scan3A_1, %scan3A_2 : i32
    %scan3A_4 = arith.constant 1 : i32
    %scan3A_5 = scf.for %scan3A_229 = %scan3A_1 to %scan3A_3 step %scan3A_4 iter_args(%scan3A_230 = %scan3A) -> (i32)  : i32 {
      %shift_right_arithmetic3A = arith.constant 3 : i32
      %shift_right_arithmetic3A_231 = arith.shrsi %scan3A_229, %shift_right_arithmetic3A : i32
      %and3A_232 = arith.constant 7 : i32
      %and3A_233 = arith.andi %scan3A_229, %and3A_232 : i32
      %mul3A_234 = arith.constant 16 : i32
      %mul3A_235 = arith.muli %and3A_233, %mul3A_234 : i32
      %get3A = arith.index_cast %shift_right_arithmetic3A_231 : i32 to index
      %get3A_236 = arith.index_cast %mul3A_235 : i32 to index
      %get3A_237 = tpu.vector_load %arg7[%get3A, %get3A_236] {strides = array<i32>} : memref<157x128xi32, #tpu.memory_space<vmem>>, vector<16xi32>,
      %get3A_238 = arith.index_cast %shift_right_arithmetic3A_231 : i32 to index
      %get3A_239 = arith.index_cast %mul3A_235 : i32 to index
      %get3A_240 = tpu.vector_load %arg8[%get3A_238, %get3A_239] {strides = array<i32>} : memref<157x128xi32, #tpu.memory_space<vmem>>, vector<16xi32>,
      %ge3A = vector.broadcast %mul3A_0 : i32 to vector<16xi32>
      %ge3A_241 = arith.cmpi sge, %get3A_240, %ge3A : vector<16xi32>
      %add3A_242 = arith.constant 5000 : i32
      %add3A_243 = arith.addi %mul3A_0, %add3A_242 : i32
      %lt3A_244 = vector.broadcast %add3A_243 : i32 to vector<16xi32>
      %lt3A_245 = arith.cmpi slt, %get3A_240, %lt3A_244 : vector<16xi32>
      %and3A_246 = arith.andi %ge3A_241, %lt3A_245 : vector<16xi1>
      %jit3A = arith.constant 1 : i32
      %jit3A_247 = arith.constant 0 : i32
      %broadcast_in_dim3A_248 = vector.broadcast %jit3A : i32 to vector<16xi32>
      %broadcast_in_dim3A_249 = vector.broadcast %jit3A_247 : i32 to vector<16xi32>
      %select_n3A = arith.select %and3A_246, %broadcast_in_dim3A_248, %broadcast_in_dim3A_249 : vector<16xi1>, vector<16xi32>
      %broadcast_in_dim3A_250 = arith.constant true
      %broadcast_in_dim3A_251 = vector.broadcast %broadcast_in_dim3A_250 : i1 to vector<16xi1>
      %masked_cumsum3A = tpu.scan <sum>, %select_n3A masked %broadcast_in_dim3A_251 : vector<16xi32>, vector<16xi1> -> vector<16xi32>
      %add3A_252 = vector.broadcast %scan3A_230 : i32 to vector<16xi32>
      %add3A_253 = arith.addi %add3A_252, %masked_cumsum3A : vector<16xi32>
      %sub3A = arith.constant 1 : i32
      %sub3A_254 = vector.broadcast %sub3A : i32 to vector<16xi32>
      %sub3A_255 = arith.subi %add3A_253, %sub3A_254 : vector<16xi32>
      %shift_right_logical3A_256 = arith.constant 7 : i32
      %shift_right_logical3A_257 = vector.broadcast %shift_right_logical3A_256 : i32 to vector<16xi32>
      %shift_right_logical3A_258 = arith.shrui %sub3A_255, %shift_right_logical3A_257 : vector<16xi32>
      %and3A_259 = arith.constant 127 : i32
      %and3A_260 = vector.broadcast %and3A_259 : i32 to vector<16xi32>
      %and3A_261 = arith.andi %sub3A_255, %and3A_260 : vector<16xi32>
      tpu.vector_store_idx %arg9[%shift_right_logical3A_258, %and3A_261], %get3A_237 masked %and3A_246 : memref<160x128xi32, #tpu.memory_space<vmem>>[vector<16xi32>, vector<16xi32>], vector<16xi32>, vector<16xi1>
      %sub3A_262 = vector.broadcast %mul3A_0 : i32 to vector<16xi32>
      %sub3A_263 = arith.subi %get3A_240, %sub3A_262 : vector<16xi32>
      tpu.vector_store_idx %arg10[%shift_right_logical3A_258, %and3A_261], %sub3A_263 masked %and3A_246 : memref<160x128xi32, #tpu.memory_space<vmem>>[vector<16xi32>, vector<16xi32>], vector<16xi32>, vector<16xi1>
      %reduce_max3A = arith.constant true
      %reduce_max3A_264 = vector.broadcast %reduce_max3A : i1 to vector<16xi1>
      %reduce_max3A_265 = arith.constant -2147483648 : i32
      %reduce_max3A_266 = vector.broadcast %reduce_max3A_265 : i32 to vector<16xi32>
      %reduce_max3A_267 = arith.xori %masked_cumsum3A, %reduce_max3A_266 : vector<16xi32>
      %reduce_max3A_268 = tpu.scan <max>, %reduce_max3A_267 masked %reduce_max3A_264 : vector<16xi32>, vector<16xi1> -> vector<16xi32>
      %reduce_max3A_269 = arith.xori %reduce_max3A_268, %reduce_max3A_266 : vector<16xi32>
      %reduce_max3A_270 = vector.extract %reduce_max3A_269[15] : i32 from vector<16xi32>
      %add3A_271 = arith.addi %scan3A_230, %reduce_max3A_270 : i32
      scf.yield %add3A_271 : i32
    }
    %scan3A_6 = arith.constant 1256 : i32
    %add3A = arith.constant 255 : i32
    %add3A_7 = arith.addi %scan3A_5, %add3A : i32
    %shift_right_logical3A = arith.constant 8 : i32
    %shift_right_logical3A_8 = arith.shrui %add3A_7, %shift_right_logical3A : i32
    %shift_left3A = arith.constant 8 : i32
    %shift_left3A_9 = arith.shli %shift_right_logical3A_8, %shift_left3A : i32
    %max3A = arith.constant 256 : i32
    %max3A_10 = arith.maxsi %shift_left3A_9, %max3A : i32
    %broadcast_in_dim3A = arith.constant 0 : i32
    %broadcast_in_dim3A_11 = vector.broadcast %broadcast_in_dim3A : i32 to vector<16xi32>
    %broadcast_in_dim3A_12 = arith.constant 5000 : i32
    %broadcast_in_dim3A_13 = vector.broadcast %broadcast_in_dim3A_12 : i32 to vector<16xi32>
    %add3A_14 = arith.constant 0 : i32
    %add3A_15 = arith.addi %scan3A_5, %add3A_14 : i32
    %add3A_16 = vector.broadcast %add3A_15 : i32 to vector<16xi32>
    %add3A_17 = arith.addi %add3A_16, %iota3A : vector<16xi32>
    %lt3A = vector.broadcast %max3A_10 : i32 to vector<16xi32>
    %lt3A_18 = arith.cmpi slt, %add3A_17, %lt3A : vector<16xi32>
    %shift_right_logical3A_19 = arith.constant 7 : i32
    %shift_right_logical3A_20 = vector.broadcast %shift_right_logical3A_19 : i32 to vector<16xi32>
    %shift_right_logical3A_21 = arith.shrui %add3A_17, %shift_right_logical3A_20 : vector<16xi32>
    %and3A = arith.constant 127 : i32
    %and3A_22 = vector.broadcast %and3A : i32 to vector<16xi32>
    %and3A_23 = arith.andi %add3A_17, %and3A_22 : vector<16xi32>
    tpu.vector_store_idx %arg9[%shift_right_logical3A_21, %and3A_23], %broadcast_in_dim3A_11 masked %lt3A_18 : memref<160x128xi32, #tpu.memory_space<vmem>>[vector<16xi32>, vector<16xi32>], vector<16xi32>, vector<16xi1>
    tpu.vector_store_idx %arg10[%shift_right_logical3A_21, %and3A_23], %broadcast_in_dim3A_13 masked %lt3A_18 : memref<160x128xi32, #tpu.memory_space<vmem>>[vector<16xi32>, vector<16xi32>], vector<16xi32>, vector<16xi1>
    %add3A_24 = arith.constant 16 : i32
    %add3A_25 = arith.addi %scan3A_5, %add3A_24 : i32
    %add3A_26 = vector.broadcast %add3A_25 : i32 to vector<16xi32>
    %add3A_27 = arith.addi %add3A_26, %iota3A : vector<16xi32>
    %lt3A_28 = vector.broadcast %max3A_10 : i32 to vector<16xi32>
    %lt3A_29 = arith.cmpi slt, %add3A_27, %lt3A_28 : vector<16xi32>
    %shift_right_logical3A_30 = arith.constant 7 : i32
    %shift_right_logical3A_31 = vector.broadcast %shift_right_logical3A_30 : i32 to vector<16xi32>
    %shift_right_logical3A_32 = arith.shrui %add3A_27, %shift_right_logical3A_31 : vector<16xi32>
    %and3A_33 = arith.constant 127 : i32
    %and3A_34 = vector.broadcast %and3A_33 : i32 to vector<16xi32>
    %and3A_35 = arith.andi %add3A_27, %and3A_34 : vector<16xi32>
    tpu.vector_store_idx %arg9[%shift_right_logical3A_32, %and3A_35], %broadcast_in_dim3A_11 masked %lt3A_29 : memref<160x128xi32, #tpu.memory_space<vmem>>[vector<16xi32>, vector<16xi32>], vector<16xi32>, vector<16xi1>
    tpu.vector_store_idx %arg10[%shift_right_logical3A_32, %and3A_35], %broadcast_in_dim3A_13 masked %lt3A_29 : memref<160x128xi32, #tpu.memory_space<vmem>>[vector<16xi32>, vector<16xi32>], vector<16xi32>, vector<16xi1>
    %add3A_36 = arith.constant 32 : i32
    %add3A_37 = arith.addi %scan3A_5, %add3A_36 : i32
    %add3A_38 = vector.broadcast %add3A_37 : i32 to vector<16xi32>
    %add3A_39 = arith.addi %add3A_38, %iota3A : vector<16xi32>
    %lt3A_40 = vector.broadcast %max3A_10 : i32 to vector<16xi32>
    %lt3A_41 = arith.cmpi slt, %add3A_39, %lt3A_40 : vector<16xi32>
    %shift_right_logical3A_42 = arith.constant 7 : i32
    %shift_right_logical3A_43 = vector.broadcast %shift_right_logical3A_42 : i32 to vector<16xi32>
    %shift_right_logical3A_44 = arith.shrui %add3A_39, %shift_right_logical3A_43 : vector<16xi32>
    %and3A_45 = arith.constant 127 : i32
    %and3A_46 = vector.broadcast %and3A_45 : i32 to vector<16xi32>
    %and3A_47 = arith.andi %add3A_39, %and3A_46 : vector<16xi32>
    tpu.vector_store_idx %arg9[%shift_right_logical3A_44, %and3A_47], %broadcast_in_dim3A_11 masked %lt3A_41 : memref<160x128xi32, #tpu.memory_space<vmem>>[vector<16xi32>, vector<16xi32>], vector<16xi32>, vector<16xi1>
    tpu.vector_store_idx %arg10[%shift_right_logical3A_44, %and3A_47], %broadcast_in_dim3A_13 masked %lt3A_41 : memref<160x128xi32, #tpu.memory_space<vmem>>[vector<16xi32>, vector<16xi32>], vector<16xi32>, vector<16xi1>
    %add3A_48 = arith.constant 48 : i32
    %add3A_49 = arith.addi %scan3A_5, %add3A_48 : i32
    %add3A_50 = vector.broadcast %add3A_49 : i32 to vector<16xi32>
    %add3A_51 = arith.addi %add3A_50, %iota3A : vector<16xi32>
    %lt3A_52 = vector.broadcast %max3A_10 : i32 to vector<16xi32>
    %lt3A_53 = arith.cmpi slt, %add3A_51, %lt3A_52 : vector<16xi32>
    %shift_right_logical3A_54 = arith.constant 7 : i32
    %shift_right_logical3A_55 = vector.broadcast %shift_right_logical3A_54 : i32 to vector<16xi32>
    %shift_right_logical3A_56 = arith.shrui %add3A_51, %shift_right_logical3A_55 : vector<16xi32>
    %and3A_57 = arith.constant 127 : i32
    %and3A_58 = vector.broadcast %and3A_57 : i32 to vector<16xi32>
    %and3A_59 = arith.andi %add3A_51, %and3A_58 : vector<16xi32>
    tpu.vector_store_idx %arg9[%shift_right_logical3A_56, %and3A_59], %broadcast_in_dim3A_11 masked %lt3A_53 : memref<160x128xi32, #tpu.memory_space<vmem>>[vector<16xi32>, vector<16xi32>], vector<16xi32>, vector<16xi1>
    tpu.vector_store_idx %arg10[%shift_right_logical3A_56, %and3A_59], %broadcast_in_dim3A_13 masked %lt3A_53 : memref<160x128xi32, #tpu.memory_space<vmem>>[vector<16xi32>, vector<16xi32>], vector<16xi32>, vector<16xi1>
    %add3A_60 = arith.constant 64 : i32
    %add3A_61 = arith.addi %scan3A_5, %add3A_60 : i32
    %add3A_62 = vector.broadcast %add3A_61 : i32 to vector<16xi32>
    %add3A_63 = arith.addi %add3A_62, %iota3A : vector<16xi32>
    %lt3A_64 = vector.broadcast %max3A_10 : i32 to vector<16xi32>
    %lt3A_65 = arith.cmpi slt, %add3A_63, %lt3A_64 : vector<16xi32>
    %shift_right_logical3A_66 = arith.constant 7 : i32
    %shift_right_logical3A_67 = vector.broadcast %shift_right_logical3A_66 : i32 to vector<16xi32>
    %shift_right_logical3A_68 = arith.shrui %add3A_63, %shift_right_logical3A_67 : vector<16xi32>
    %and3A_69 = arith.constant 127 : i32
    %and3A_70 = vector.broadcast %and3A_69 : i32 to vector<16xi32>
    %and3A_71 = arith.andi %add3A_63, %and3A_70 : vector<16xi32>
    tpu.vector_store_idx %arg9[%shift_right_logical3A_68, %and3A_71], %broadcast_in_dim3A_11 masked %lt3A_65 : memref<160x128xi32, #tpu.memory_space<vmem>>[vector<16xi32>, vector<16xi32>], vector<16xi32>, vector<16xi1>
    tpu.vector_store_idx %arg10[%shift_right_logical3A_68, %and3A_71], %broadcast_in_dim3A_13 masked %lt3A_65 : memref<160x128xi32, #tpu.memory_space<vmem>>[vector<16xi32>, vector<16xi32>], vector<16xi32>, vector<16xi1>
    %add3A_72 = arith.constant 80 : i32
    %add3A_73 = arith.addi %scan3A_5, %add3A_72 : i32
    %add3A_74 = vector.broadcast %add3A_73 : i32 to vector<16xi32>
    %add3A_75 = arith.addi %add3A_74, %iota3A : vector<16xi32>
    %lt3A_76 = vector.broadcast %max3A_10 : i32 to vector<16xi32>
    %lt3A_77 = arith.cmpi slt, %add3A_75, %lt3A_76 : vector<16xi32>
    %shift_right_logical3A_78 = arith.constant 7 : i32
    %shift_right_logical3A_79 = vector.broadcast %shift_right_logical3A_78 : i32 to vector<16xi32>
    %shift_right_logical3A_80 = arith.shrui %add3A_75, %shift_right_logical3A_79 : vector<16xi32>
    %and3A_81 = arith.constant 127 : i32
    %and3A_82 = vector.broadcast %and3A_81 : i32 to vector<16xi32>
    %and3A_83 = arith.andi %add3A_75, %and3A_82 : vector<16xi32>
    tpu.vector_store_idx %arg9[%shift_right_logical3A_80, %and3A_83], %broadcast_in_dim3A_11 masked %lt3A_77 : memref<160x128xi32, #tpu.memory_space<vmem>>[vector<16xi32>, vector<16xi32>], vector<16xi32>, vector<16xi1>
    tpu.vector_store_idx %arg10[%shift_right_logical3A_80, %and3A_83], %broadcast_in_dim3A_13 masked %lt3A_77 : memref<160x128xi32, #tpu.memory_space<vmem>>[vector<16xi32>, vector<16xi32>], vector<16xi32>, vector<16xi1>
    %add3A_84 = arith.constant 96 : i32
    %add3A_85 = arith.addi %scan3A_5, %add3A_84 : i32
    %add3A_86 = vector.broadcast %add3A_85 : i32 to vector<16xi32>
    %add3A_87 = arith.addi %add3A_86, %iota3A : vector<16xi32>
    %lt3A_88 = vector.broadcast %max3A_10 : i32 to vector<16xi32>
    %lt3A_89 = arith.cmpi slt, %add3A_87, %lt3A_88 : vector<16xi32>
    %shift_right_logical3A_90 = arith.constant 7 : i32
    %shift_right_logical3A_91 = vector.broadcast %shift_right_logical3A_90 : i32 to vector<16xi32>
    %shift_right_logical3A_92 = arith.shrui %add3A_87, %shift_right_logical3A_91 : vector<16xi32>
    %and3A_93 = arith.constant 127 : i32
    %and3A_94 = vector.broadcast %and3A_93 : i32 to vector<16xi32>
    %and3A_95 = arith.andi %add3A_87, %and3A_94 : vector<16xi32>
    tpu.vector_store_idx %arg9[%shift_right_logical3A_92, %and3A_95], %broadcast_in_dim3A_11 masked %lt3A_89 : memref<160x128xi32, #tpu.memory_space<vmem>>[vector<16xi32>, vector<16xi32>], vector<16xi32>, vector<16xi1>
    tpu.vector_store_idx %arg10[%shift_right_logical3A_92, %and3A_95], %broadcast_in_dim3A_13 masked %lt3A_89 : memref<160x128xi32, #tpu.memory_space<vmem>>[vector<16xi32>, vector<16xi32>], vector<16xi32>, vector<16xi1>
    %add3A_96 = arith.constant 112 : i32
    %add3A_97 = arith.addi %scan3A_5, %add3A_96 : i32
    %add3A_98 = vector.broadcast %add3A_97 : i32 to vector<16xi32>
    %add3A_99 = arith.addi %add3A_98, %iota3A : vector<16xi32>
    %lt3A_100 = vector.broadcast %max3A_10 : i32 to vector<16xi32>
    %lt3A_101 = arith.cmpi slt, %add3A_99, %lt3A_100 : vector<16xi32>
    %shift_right_logical3A_102 = arith.constant 7 : i32
    %shift_right_logical3A_103 = vector.broadcast %shift_right_logical3A_102 : i32 to vector<16xi32>
    %shift_right_logical3A_104 = arith.shrui %add3A_99, %shift_right_logical3A_103 : vector<16xi32>
    %and3A_105 = arith.constant 127 : i32
    %and3A_106 = vector.broadcast %and3A_105 : i32 to vector<16xi32>
    %and3A_107 = arith.andi %add3A_99, %and3A_106 : vector<16xi32>
    tpu.vector_store_idx %arg9[%shift_right_logical3A_104, %and3A_107], %broadcast_in_dim3A_11 masked %lt3A_101 : memref<160x128xi32, #tpu.memory_space<vmem>>[vector<16xi32>, vector<16xi32>], vector<16xi32>, vector<16xi1>
    tpu.vector_store_idx %arg10[%shift_right_logical3A_104, %and3A_107], %broadcast_in_dim3A_13 masked %lt3A_101 : memref<160x128xi32, #tpu.memory_space<vmem>>[vector<16xi32>, vector<16xi32>], vector<16xi32>, vector<16xi1>
    %add3A_108 = arith.constant 128 : i32
    %add3A_109 = arith.addi %scan3A_5, %add3A_108 : i32
    %add3A_110 = vector.broadcast %add3A_109 : i32 to vector<16xi32>
    %add3A_111 = arith.addi %add3A_110, %iota3A : vector<16xi32>
    %lt3A_112 = vector.broadcast %max3A_10 : i32 to vector<16xi32>
    %lt3A_113 = arith.cmpi slt, %add3A_111, %lt3A_112 : vector<16xi32>
    %shift_right_logical3A_114 = arith.constant 7 : i32
    %shift_right_logical3A_115 = vector.broadcast %shift_right_logical3A_114 : i32 to vector<16xi32>
    %shift_right_logical3A_116 = arith.shrui %add3A_111, %shift_right_logical3A_115 : vector<16xi32>
    %and3A_117 = arith.constant 127 : i32
    %and3A_118 = vector.broadcast %and3A_117 : i32 to vector<16xi32>
    %and3A_119 = arith.andi %add3A_111, %and3A_118 : vector<16xi32>
    tpu.vector_store_idx %arg9[%shift_right_logical3A_116, %and3A_119], %broadcast_in_dim3A_11 masked %lt3A_113 : memref<160x128xi32, #tpu.memory_space<vmem>>[vector<16xi32>, vector<16xi32>], vector<16xi32>, vector<16xi1>
    tpu.vector_store_idx %arg10[%shift_right_logical3A_116, %and3A_119], %broadcast_in_dim3A_13 masked %lt3A_113 : memref<160x128xi32, #tpu.memory_space<vmem>>[vector<16xi32>, vector<16xi32>], vector<16xi32>, vector<16xi1>
    %add3A_120 = arith.constant 144 : i32
    %add3A_121 = arith.addi %scan3A_5, %add3A_120 : i32
    %add3A_122 = vector.broadcast %add3A_121 : i32 to vector<16xi32>
    %add3A_123 = arith.addi %add3A_122, %iota3A : vector<16xi32>
    %lt3A_124 = vector.broadcast %max3A_10 : i32 to vector<16xi32>
    %lt3A_125 = arith.cmpi slt, %add3A_123, %lt3A_124 : vector<16xi32>
    %shift_right_logical3A_126 = arith.constant 7 : i32
    %shift_right_logical3A_127 = vector.broadcast %shift_right_logical3A_126 : i32 to vector<16xi32>
    %shift_right_logical3A_128 = arith.shrui %add3A_123, %shift_right_logical3A_127 : vector<16xi32>
    %and3A_129 = arith.constant 127 : i32
    %and3A_130 = vector.broadcast %and3A_129 : i32 to vector<16xi32>
    %and3A_131 = arith.andi %add3A_123, %and3A_130 : vector<16xi32>
    tpu.vector_store_idx %arg9[%shift_right_logical3A_128, %and3A_131], %broadcast_in_dim3A_11 masked %lt3A_125 : memref<160x128xi32, #tpu.memory_space<vmem>>[vector<16xi32>, vector<16xi32>], vector<16xi32>, vector<16xi1>
    tpu.vector_store_idx %arg10[%shift_right_logical3A_128, %and3A_131], %broadcast_in_dim3A_13 masked %lt3A_125 : memref<160x128xi32, #tpu.memory_space<vmem>>[vector<16xi32>, vector<16xi32>], vector<16xi32>, vector<16xi1>
    %add3A_132 = arith.constant 160 : i32
    %add3A_133 = arith.addi %scan3A_5, %add3A_132 : i32
    %add3A_134 = vector.broadcast %add3A_133 : i32 to vector<16xi32>
    %add3A_135 = arith.addi %add3A_134, %iota3A : vector<16xi32>
    %lt3A_136 = vector.broadcast %max3A_10 : i32 to vector<16xi32>
    %lt3A_137 = arith.cmpi slt, %add3A_135, %lt3A_136 : vector<16xi32>
    %shift_right_logical3A_138 = arith.constant 7 : i32
    %shift_right_logical3A_139 = vector.broadcast %shift_right_logical3A_138 : i32 to vector<16xi32>
    %shift_right_logical3A_140 = arith.shrui %add3A_135, %shift_right_logical3A_139 : vector<16xi32>
    %and3A_141 = arith.constant 127 : i32
    %and3A_142 = vector.broadcast %and3A_141 : i32 to vector<16xi32>
    %and3A_143 = arith.andi %add3A_135, %and3A_142 : vector<16xi32>
    tpu.vector_store_idx %arg9[%shift_right_logical3A_140, %and3A_143], %broadcast_in_dim3A_11 masked %lt3A_137 : memref<160x128xi32, #tpu.memory_space<vmem>>[vector<16xi32>, vector<16xi32>], vector<16xi32>, vector<16xi1>
    tpu.vector_store_idx %arg10[%shift_right_logical3A_140, %and3A_143], %broadcast_in_dim3A_13 masked %lt3A_137 : memref<160x128xi32, #tpu.memory_space<vmem>>[vector<16xi32>, vector<16xi32>], vector<16xi32>, vector<16xi1>
    %add3A_144 = arith.constant 176 : i32
    %add3A_145 = arith.addi %scan3A_5, %add3A_144 : i32
    %add3A_146 = vector.broadcast %add3A_145 : i32 to vector<16xi32>
    %add3A_147 = arith.addi %add3A_146, %iota3A : vector<16xi32>
    %lt3A_148 = vector.broadcast %max3A_10 : i32 to vector<16xi32>
    %lt3A_149 = arith.cmpi slt, %add3A_147, %lt3A_148 : vector<16xi32>
    %shift_right_logical3A_150 = arith.constant 7 : i32
    %shift_right_logical3A_151 = vector.broadcast %shift_right_logical3A_150 : i32 to vector<16xi32>
    %shift_right_logical3A_152 = arith.shrui %add3A_147, %shift_right_logical3A_151 : vector<16xi32>
    %and3A_153 = arith.constant 127 : i32
    %and3A_154 = vector.broadcast %and3A_153 : i32 to vector<16xi32>
    %and3A_155 = arith.andi %add3A_147, %and3A_154 : vector<16xi32>
    tpu.vector_store_idx %arg9[%shift_right_logical3A_152, %and3A_155], %broadcast_in_dim3A_11 masked %lt3A_149 : memref<160x128xi32, #tpu.memory_space<vmem>>[vector<16xi32>, vector<16xi32>], vector<16xi32>, vector<16xi1>
    tpu.vector_store_idx %arg10[%shift_right_logical3A_152, %and3A_155], %broadcast_in_dim3A_13 masked %lt3A_149 : memref<160x128xi32, #tpu.memory_space<vmem>>[vector<16xi32>, vector<16xi32>], vector<16xi32>, vector<16xi1>
    %add3A_156 = arith.constant 192 : i32
    %add3A_157 = arith.addi %scan3A_5, %add3A_156 : i32
    %add3A_158 = vector.broadcast %add3A_157 : i32 to vector<16xi32>
    %add3A_159 = arith.addi %add3A_158, %iota3A : vector<16xi32>
    %lt3A_160 = vector.broadcast %max3A_10 : i32 to vector<16xi32>
    %lt3A_161 = arith.cmpi slt, %add3A_159, %lt3A_160 : vector<16xi32>
    %shift_right_logical3A_162 = arith.constant 7 : i32
    %shift_right_logical3A_163 = vector.broadcast %shift_right_logical3A_162 : i32 to vector<16xi32>
    %shift_right_logical3A_164 = arith.shrui %add3A_159, %shift_right_logical3A_163 : vector<16xi32>
    %and3A_165 = arith.constant 127 : i32
    %and3A_166 = vector.broadcast %and3A_165 : i32 to vector<16xi32>
    %and3A_167 = arith.andi %add3A_159, %and3A_166 : vector<16xi32>
    tpu.vector_store_idx %arg9[%shift_right_logical3A_164, %and3A_167], %broadcast_in_dim3A_11 masked %lt3A_161 : memref<160x128xi32, #tpu.memory_space<vmem>>[vector<16xi32>, vector<16xi32>], vector<16xi32>, vector<16xi1>
    tpu.vector_store_idx %arg10[%shift_right_logical3A_164, %and3A_167], %broadcast_in_dim3A_13 masked %lt3A_161 : memref<160x128xi32, #tpu.memory_space<vmem>>[vector<16xi32>, vector<16xi32>], vector<16xi32>, vector<16xi1>
    %add3A_168 = arith.constant 208 : i32
    %add3A_169 = arith.addi %scan3A_5, %add3A_168 : i32
    %add3A_170 = vector.broadcast %add3A_169 : i32 to vector<16xi32>
    %add3A_171 = arith.addi %add3A_170, %iota3A : vector<16xi32>
    %lt3A_172 = vector.broadcast %max3A_10 : i32 to vector<16xi32>
    %lt3A_173 = arith.cmpi slt, %add3A_171, %lt3A_172 : vector<16xi32>
    %shift_right_logical3A_174 = arith.constant 7 : i32
    %shift_right_logical3A_175 = vector.broadcast %shift_right_logical3A_174 : i32 to vector<16xi32>
    %shift_right_logical3A_176 = arith.shrui %add3A_171, %shift_right_logical3A_175 : vector<16xi32>
    %and3A_177 = arith.constant 127 : i32
    %and3A_178 = vector.broadcast %and3A_177 : i32 to vector<16xi32>
    %and3A_179 = arith.andi %add3A_171, %and3A_178 : vector<16xi32>
    tpu.vector_store_idx %arg9[%shift_right_logical3A_176, %and3A_179], %broadcast_in_dim3A_11 masked %lt3A_173 : memref<160x128xi32, #tpu.memory_space<vmem>>[vector<16xi32>, vector<16xi32>], vector<16xi32>, vector<16xi1>
    tpu.vector_store_idx %arg10[%shift_right_logical3A_176, %and3A_179], %broadcast_in_dim3A_13 masked %lt3A_173 : memref<160x128xi32, #tpu.memory_space<vmem>>[vector<16xi32>, vector<16xi32>], vector<16xi32>, vector<16xi1>
    %add3A_180 = arith.constant 224 : i32
    %add3A_181 = arith.addi %scan3A_5, %add3A_180 : i32
    %add3A_182 = vector.broadcast %add3A_181 : i32 to vector<16xi32>
    %add3A_183 = arith.addi %add3A_182, %iota3A : vector<16xi32>
    %lt3A_184 = vector.broadcast %max3A_10 : i32 to vector<16xi32>
    %lt3A_185 = arith.cmpi slt, %add3A_183, %lt3A_184 : vector<16xi32>
    %shift_right_logical3A_186 = arith.constant 7 : i32
    %shift_right_logical3A_187 = vector.broadcast %shift_right_logical3A_186 : i32 to vector<16xi32>
    %shift_right_logical3A_188 = arith.shrui %add3A_183, %shift_right_logical3A_187 : vector<16xi32>
    %and3A_189 = arith.constant 127 : i32
    %and3A_190 = vector.broadcast %and3A_189 : i32 to vector<16xi32>
    %and3A_191 = arith.andi %add3A_183, %and3A_190 : vector<16xi32>
    tpu.vector_store_idx %arg9[%shift_right_logical3A_188, %and3A_191], %broadcast_in_dim3A_11 masked %lt3A_185 : memref<160x128xi32, #tpu.memory_space<vmem>>[vector<16xi32>, vector<16xi32>], vector<16xi32>, vector<16xi1>
    tpu.vector_store_idx %arg10[%shift_right_logical3A_188, %and3A_191], %broadcast_in_dim3A_13 masked %lt3A_185 : memref<160x128xi32, #tpu.memory_space<vmem>>[vector<16xi32>, vector<16xi32>], vector<16xi32>, vector<16xi1>
    %add3A_192 = arith.constant 240 : i32
    %add3A_193 = arith.addi %scan3A_5, %add3A_192 : i32
    %add3A_194 = vector.broadcast %add3A_193 : i32 to vector<16xi32>
    %add3A_195 = arith.addi %add3A_194, %iota3A : vector<16xi32>
    %lt3A_196 = vector.broadcast %max3A_10 : i32 to vector<16xi32>
    %lt3A_197 = arith.cmpi slt, %add3A_195, %lt3A_196 : vector<16xi32>
    %shift_right_logical3A_198 = arith.constant 7 : i32
    %shift_right_logical3A_199 = vector.broadcast %shift_right_logical3A_198 : i32 to vector<16xi32>
    %shift_right_logical3A_200 = arith.shrui %add3A_195, %shift_right_logical3A_199 : vector<16xi32>
    %and3A_201 = arith.constant 127 : i32
    %and3A_202 = vector.broadcast %and3A_201 : i32 to vector<16xi32>
    %and3A_203 = arith.andi %add3A_195, %and3A_202 : vector<16xi32>
    tpu.vector_store_idx %arg9[%shift_right_logical3A_200, %and3A_203], %broadcast_in_dim3A_11 masked %lt3A_197 : memref<160x128xi32, #tpu.memory_space<vmem>>[vector<16xi32>, vector<16xi32>], vector<16xi32>, vector<16xi1>
    tpu.vector_store_idx %arg10[%shift_right_logical3A_200, %and3A_203], %broadcast_in_dim3A_13 masked %lt3A_197 : memref<160x128xi32, #tpu.memory_space<vmem>>[vector<16xi32>, vector<16xi32>], vector<16xi32>, vector<16xi1>
    %shift_right_logical3A_204 = arith.constant 7 : i32
    %shift_right_logical3A_205 = arith.shrui %max3A_10, %shift_right_logical3A_204 : i32
    %broadcast_in_dim3A_206 = vector.broadcast %shift_right_logical3A_205 : i32 to vector<16xi32>
    %swap3A = arith.constant 0 : index
    %swap3A_207 = tpu.vector_load %arg11[%swap3A] {strides = array<i32>} : memref<128xi32, #tpu.memory_space<vmem>>, vector<16xi32>,
    tpu.vector_store %arg11[%swap3A], %broadcast_in_dim3A_206 {strides = array<i32>} : memref<128xi32, #tpu.memory_space<vmem>>, vector<16xi32>,
    %broadcast_in_dim3A_208 = vector.broadcast %shift_right_logical3A_205 : i32 to vector<16xi32>
    %swap3A_209 = arith.constant 16 : index
    %swap3A_210 = tpu.vector_load %arg11[%swap3A_209] {strides = array<i32>} : memref<128xi32, #tpu.memory_space<vmem>>, vector<16xi32>,
    tpu.vector_store %arg11[%swap3A_209], %broadcast_in_dim3A_208 {strides = array<i32>} : memref<128xi32, #tpu.memory_space<vmem>>, vector<16xi32>,
    %broadcast_in_dim3A_211 = vector.broadcast %shift_right_logical3A_205 : i32 to vector<16xi32>
    %swap3A_212 = arith.constant 32 : index
    %swap3A_213 = tpu.vector_load %arg11[%swap3A_212] {strides = array<i32>} : memref<128xi32, #tpu.memory_space<vmem>>, vector<16xi32>,
    tpu.vector_store %arg11[%swap3A_212], %broadcast_in_dim3A_211 {strides = array<i32>} : memref<128xi32, #tpu.memory_space<vmem>>, vector<16xi32>,
    %broadcast_in_dim3A_214 = vector.broadcast %shift_right_logical3A_205 : i32 to vector<16xi32>
    %swap3A_215 = arith.constant 48 : index
    %swap3A_216 = tpu.vector_load %arg11[%swap3A_215] {strides = array<i32>} : memref<128xi32, #tpu.memory_space<vmem>>, vector<16xi32>,
    tpu.vector_store %arg11[%swap3A_215], %broadcast_in_dim3A_214 {strides = array<i32>} : memref<128xi32, #tpu.memory_space<vmem>>, vector<16xi32>,
    %broadcast_in_dim3A_217 = vector.broadcast %shift_right_logical3A_205 : i32 to vector<16xi32>
    %swap3A_218 = arith.constant 64 : index
    %swap3A_219 = tpu.vector_load %arg11[%swap3A_218] {strides = array<i32>} : memref<128xi32, #tpu.memory_space<vmem>>, vector<16xi32>,
    tpu.vector_store %arg11[%swap3A_218], %broadcast_in_dim3A_217 {strides = array<i32>} : memref<128xi32, #tpu.memory_space<vmem>>, vector<16xi32>,
    %broadcast_in_dim3A_220 = vector.broadcast %shift_right_logical3A_205 : i32 to vector<16xi32>
    %swap3A_221 = arith.constant 80 : index
    %swap3A_222 = tpu.vector_load %arg11[%swap3A_221] {strides = array<i32>} : memref<128xi32, #tpu.memory_space<vmem>>, vector<16xi32>,
    tpu.vector_store %arg11[%swap3A_221], %broadcast_in_dim3A_220 {strides = array<i32>} : memref<128xi32, #tpu.memory_space<vmem>>, vector<16xi32>,
    %broadcast_in_dim3A_223 = vector.broadcast %shift_right_logical3A_205 : i32 to vector<16xi32>
    %swap3A_224 = arith.constant 96 : index
    %swap3A_225 = tpu.vector_load %arg11[%swap3A_224] {strides = array<i32>} : memref<128xi32, #tpu.memory_space<vmem>>, vector<16xi32>,
    tpu.vector_store %arg11[%swap3A_224], %broadcast_in_dim3A_223 {strides = array<i32>} : memref<128xi32, #tpu.memory_space<vmem>>, vector<16xi32>,
    %broadcast_in_dim3A_226 = vector.broadcast %shift_right_logical3A_205 : i32 to vector<16xi32>
    %swap3A_227 = arith.constant 112 : index
    %swap3A_228 = tpu.vector_load %arg11[%swap3A_227] {strides = array<i32>} : memref<128xi32, #tpu.memory_space<vmem>>, vector<16xi32>,
    tpu.vector_store %arg11[%swap3A_227], %broadcast_in_dim3A_226 {strides = array<i32>} : memref<128xi32, #tpu.memory_space<vmem>>, vector<16xi32>,
    "tpu.region"() ({
      %run_scoped3A = tpu.sem_alloc : memref<!tpu.dma_semaphore, #tpu.memory_space<semaphore_mem>>
      %dma_start3A = arith.constant 0 : i32
      %dma_start3A_229 = arith.constant 0 : i32
      %dma_start3A_230 = tpu.memref_slice %arg4[%arg0, %arg1, %dma_start3A, %dma_start3A_229] : memref<2x16x160x128xi32, #tpu.memory_space<hbm>> -> memref<1x1x160x128xi32, #tpu.memory_space<hbm>>
      %dma_start3A_231 = tpu.memref_squeeze %dma_start3A_230 : memref<1x1x160x128xi32, #tpu.memory_space<hbm>> -> memref<160x128xi32, #tpu.memory_space<hbm>>
      %dma_start3A_232 = arith.constant 0 : i32
      %dma_start3A_233 = arith.constant 0 : i32
      %dma_start3A_234 = tpu.memref_slice %arg4[%arg0, %arg1, %dma_start3A_232, %dma_start3A_233] : memref<2x16x160x128xi32, #tpu.memory_space<hbm>> -> memref<1x1x160x128xi32, #tpu.memory_space<hbm>>
      %dma_start3A_235 = tpu.memref_squeeze %dma_start3A_234 : memref<1x1x160x128xi32, #tpu.memory_space<hbm>> -> memref<160x128xi32, #tpu.memory_space<hbm>>
      tpu.enqueue_dma source(%arg9 : memref<160x128xi32, #tpu.memory_space<vmem>>) target(%dma_start3A_235 : memref<160x128xi32, #tpu.memory_space<hbm>>) target_semaphore(%run_scoped3A : memref<!tpu.dma_semaphore, #tpu.memory_space<semaphore_mem>>)
      %dma_wait3A = arith.constant 0 : i32
      %dma_wait3A_236 = arith.constant 0 : i32
      %dma_wait3A_237 = tpu.memref_slice %arg4[%arg0, %arg1, %dma_wait3A, %dma_wait3A_236] : memref<2x16x160x128xi32, #tpu.memory_space<hbm>> -> memref<1x1x160x128xi32, #tpu.memory_space<hbm>>
      %dma_wait3A_238 = tpu.memref_squeeze %dma_wait3A_237 : memref<1x1x160x128xi32, #tpu.memory_space<hbm>> -> memref<160x128xi32, #tpu.memory_space<hbm>>
      %dma_wait3A_239 = arith.constant 0 : i32
      %dma_wait3A_240 = arith.constant 0 : i32
      %dma_wait3A_241 = tpu.memref_slice %arg4[%arg0, %arg1, %dma_wait3A_239, %dma_wait3A_240] : memref<2x16x160x128xi32, #tpu.memory_space<hbm>> -> memref<1x1x160x128xi32, #tpu.memory_space<hbm>>
      %dma_wait3A_242 = tpu.memref_squeeze %dma_wait3A_241 : memref<1x1x160x128xi32, #tpu.memory_space<hbm>> -> memref<160x128xi32, #tpu.memory_space<hbm>>
      tpu.wait_dma2 semaphore(%run_scoped3A : memref<!tpu.dma_semaphore, #tpu.memory_space<semaphore_mem>>) src(%arg9 : memref<160x128xi32, #tpu.memory_space<vmem>>) dst(%dma_wait3A_242 : memref<160x128xi32, #tpu.memory_space<hbm>>)
      tpu.yield
    }) : () -> ()
    "tpu.region"() ({
      %run_scoped3A = tpu.sem_alloc : memref<!tpu.dma_semaphore, #tpu.memory_space<semaphore_mem>>
      %dma_start3A = arith.constant 0 : i32
      %dma_start3A_229 = arith.constant 0 : i32
      %dma_start3A_230 = tpu.memref_slice %arg5[%arg0, %arg1, %dma_start3A, %dma_start3A_229] : memref<2x16x160x128xi32, #tpu.memory_space<hbm>> -> memref<1x1x160x128xi32, #tpu.memory_space<hbm>>
      %dma_start3A_231 = tpu.memref_squeeze %dma_start3A_230 : memref<1x1x160x128xi32, #tpu.memory_space<hbm>> -> memref<160x128xi32, #tpu.memory_space<hbm>>
      %dma_start3A_232 = arith.constant 0 : i32
      %dma_start3A_233 = arith.constant 0 : i32
      %dma_start3A_234 = tpu.memref_slice %arg5[%arg0, %arg1, %dma_start3A_232, %dma_start3A_233] : memref<2x16x160x128xi32, #tpu.memory_space<hbm>> -> memref<1x1x160x128xi32, #tpu.memory_space<hbm>>
      %dma_start3A_235 = tpu.memref_squeeze %dma_start3A_234 : memref<1x1x160x128xi32, #tpu.memory_space<hbm>> -> memref<160x128xi32, #tpu.memory_space<hbm>>
      tpu.enqueue_dma source(%arg10 : memref<160x128xi32, #tpu.memory_space<vmem>>) target(%dma_start3A_235 : memref<160x128xi32, #tpu.memory_space<hbm>>) target_semaphore(%run_scoped3A : memref<!tpu.dma_semaphore, #tpu.memory_space<semaphore_mem>>)
      %dma_wait3A = arith.constant 0 : i32
      %dma_wait3A_236 = arith.constant 0 : i32
      %dma_wait3A_237 = tpu.memref_slice %arg5[%arg0, %arg1, %dma_wait3A, %dma_wait3A_236] : memref<2x16x160x128xi32, #tpu.memory_space<hbm>> -> memref<1x1x160x128xi32, #tpu.memory_space<hbm>>
      %dma_wait3A_238 = tpu.memref_squeeze %dma_wait3A_237 : memref<1x1x160x128xi32, #tpu.memory_space<hbm>> -> memref<160x128xi32, #tpu.memory_space<hbm>>
      %dma_wait3A_239 = arith.constant 0 : i32
      %dma_wait3A_240 = arith.constant 0 : i32
      %dma_wait3A_241 = tpu.memref_slice %arg5[%arg0, %arg1, %dma_wait3A_239, %dma_wait3A_240] : memref<2x16x160x128xi32, #tpu.memory_space<hbm>> -> memref<1x1x160x128xi32, #tpu.memory_space<hbm>>
      %dma_wait3A_242 = tpu.memref_squeeze %dma_wait3A_241 : memref<1x1x160x128xi32, #tpu.memory_space<hbm>> -> memref<160x128xi32, #tpu.memory_space<hbm>>
      tpu.wait_dma2 semaphore(%run_scoped3A : memref<!tpu.dma_semaphore, #tpu.memory_space<semaphore_mem>>) src(%arg10 : memref<160x128xi32, #tpu.memory_space<vmem>>) dst(%dma_wait3A_242 : memref<160x128xi32, #tpu.memory_space<hbm>>)
      tpu.yield
    }) : () -> ()
    "tpu.region"() ({
      %run_scoped3A = tpu.sem_alloc : memref<!tpu.dma_semaphore, #tpu.memory_space<semaphore_mem>>
      %dma_start3A = arith.constant 0 : i32
      %dma_start3A_229 = tpu.memref_slice %arg6[%arg0, %arg1, %dma_start3A] : memref<2x16x128xi32, #tpu.memory_space<hbm>> -> memref<1x1x128xi32, #tpu.memory_space<hbm>>
      %dma_start3A_230 = tpu.memref_squeeze %dma_start3A_229 : memref<1x1x128xi32, #tpu.memory_space<hbm>> -> memref<128xi32, #tpu.memory_space<hbm>>
      %dma_start3A_231 = arith.constant 0 : i32
      %dma_start3A_232 = tpu.memref_slice %arg6[%arg0, %arg1, %dma_start3A_231] : memref<2x16x128xi32, #tpu.memory_space<hbm>> -> memref<1x1x128xi32, #tpu.memory_space<hbm>>
      %dma_start3A_233 = tpu.memref_squeeze %dma_start3A_232 : memref<1x1x128xi32, #tpu.memory_space<hbm>> -> memref<128xi32, #tpu.memory_space<hbm>>
      tpu.enqueue_dma source(%arg11 : memref<128xi32, #tpu.memory_space<vmem>>) target(%dma_start3A_233 : memref<128xi32, #tpu.memory_space<hbm>>) target_semaphore(%run_scoped3A : memref<!tpu.dma_semaphore, #tpu.memory_space<semaphore_mem>>)
      %dma_wait3A = arith.constant 0 : i32
      %dma_wait3A_234 = tpu.memref_slice %arg6[%arg0, %arg1, %dma_wait3A] : memref<2x16x128xi32, #tpu.memory_space<hbm>> -> memref<1x1x128xi32, #tpu.memory_space<hbm>>
      %dma_wait3A_235 = tpu.memref_squeeze %dma_wait3A_234 : memref<1x1x128xi32, #tpu.memory_space<hbm>> -> memref<128xi32, #tpu.memory_space<hbm>>
      %dma_wait3A_236 = arith.constant 0 : i32
      %dma_wait3A_237 = tpu.memref_slice %arg6[%arg0, %arg1, %dma_wait3A_236] : memref<2x16x128xi32, #tpu.memory_space<hbm>> -> memref<1x1x128xi32, #tpu.memory_space<hbm>>
      %dma_wait3A_238 = tpu.memref_squeeze %dma_wait3A_237 : memref<1x1x128xi32, #tpu.memory_space<hbm>> -> memref<128xi32, #tpu.memory_space<hbm>>
      tpu.wait_dma2 semaphore(%run_scoped3A : memref<!tpu.dma_semaphore, #tpu.memory_space<semaphore_mem>>) src(%arg11 : memref<128xi32, #tpu.memory_space<vmem>>) dst(%dma_wait3A_238 : memref<128xi32, #tpu.memory_space<hbm>>)
      tpu.yield
    }) : () -> ()
    return
  }
}

#map = affine_map<(d0, d1) -> (0, 0)>
#map1 = affine_map<(d0, d1) -> (0, 0, 0, 0)>
#map2 = affine_map<(d0, d1) -> (0, 0, 0)>
module attributes {stable_mosaic.version = 14 : i64} {
  func.func @_sc_spmm_body(%arg0: i32, %arg1: i32, %arg2: memref<10000x128xf32, #tpu.memory_space<hbm>>, %arg3: memref<2x16x160x128xi32, #tpu.memory_space<hbm>>, %arg4: memref<2x16x160x128xi32, #tpu.memory_space<hbm>>, %arg5: memref<2x16x128xi32, #tpu.memory_space<hbm>>, %arg6: memref<320x128xf32, #tpu.memory_space<hbm>>, %arg7: memref<2x5120x128xf32, #tpu.memory_space<hbm>>, %arg8: memref<160x128xi32, #tpu.memory_space<vmem>>, %arg9: memref<160x128xi32, #tpu.memory_space<vmem>>, %arg10: memref<128xi32, #tpu.memory_space<vmem>>, %arg11: memref<128x128xf32, #tpu.memory_space<vmem>>, %arg12: memref<128x128xf32, #tpu.memory_space<vmem>>, %arg13: memref<5120x128xf32, #tpu.memory_space<vmem_shared>>, %arg14: memref<!tpu.dma_semaphore, #tpu.memory_space<semaphore_mem>>, %arg15: memref<!tpu.dma_semaphore, #tpu.memory_space<semaphore_mem>>) attributes {dimension_semantics = [#tpu.dimension_semantics<core_parallel>, #tpu.dimension_semantics<subcore_parallel>], iteration_bounds = array<i64: 2, 16>, scalar_prefetch = 0 : i64, scratch_operands = 8 : i64, tpu.core_type = #tpu.core_type<sc_vector_subcore>, window_params = [{transform_indices = #map}, {transform_indices = #map1}, {transform_indices = #map1}, {transform_indices = #map2}, {transform_indices = #map}, {transform_indices = #map2}]} {
    %mul3A = arith.constant 320 : i32
    %mul3A_0 = arith.muli %arg1, %mul3A : i32
    "tpu.region"() ({
      %run_scoped3A = tpu.sem_alloc : memref<!tpu.dma_semaphore, #tpu.memory_space<semaphore_mem>>
      %dma_start3A_60 = arith.constant 0 : i32
      %dma_start3A_61 = tpu.memref_slice %arg13[%mul3A_0, %dma_start3A_60] : memref<5120x128xf32, #tpu.memory_space<vmem_shared>> -> memref<320x128xf32, #tpu.memory_space<vmem_shared>>
      tpu.enqueue_dma source(%arg6 : memref<320x128xf32, #tpu.memory_space<hbm>>) target(%dma_start3A_61 : memref<320x128xf32, #tpu.memory_space<vmem_shared>>) target_semaphore(%run_scoped3A : memref<!tpu.dma_semaphore, #tpu.memory_space<semaphore_mem>>)
      %dma_wait3A_62 = arith.constant 0 : i32
      %dma_wait3A_63 = tpu.memref_slice %arg13[%mul3A_0, %dma_wait3A_62] : memref<5120x128xf32, #tpu.memory_space<vmem_shared>> -> memref<320x128xf32, #tpu.memory_space<vmem_shared>>
      tpu.wait_dma2 semaphore(%run_scoped3A : memref<!tpu.dma_semaphore, #tpu.memory_space<semaphore_mem>>) src(%arg6 : memref<320x128xf32, #tpu.memory_space<hbm>>) dst(%dma_wait3A_63 : memref<320x128xf32, #tpu.memory_space<vmem_shared>>)
      tpu.yield
    }) : () -> ()
    "tpu.region"() ({
      %run_scoped3A = tpu.sem_alloc : memref<!tpu.dma_semaphore, #tpu.memory_space<semaphore_mem>>
      %dma_start3A_60 = arith.constant 0 : i32
      %dma_start3A_61 = arith.constant 0 : i32
      %dma_start3A_62 = tpu.memref_slice %arg3[%arg0, %arg1, %dma_start3A_60, %dma_start3A_61] : memref<2x16x160x128xi32, #tpu.memory_space<hbm>> -> memref<1x1x160x128xi32, #tpu.memory_space<hbm>>
      %dma_start3A_63 = tpu.memref_squeeze %dma_start3A_62 : memref<1x1x160x128xi32, #tpu.memory_space<hbm>> -> memref<160x128xi32, #tpu.memory_space<hbm>>
      %dma_start3A_64 = arith.constant 0 : i32
      %dma_start3A_65 = arith.constant 0 : i32
      %dma_start3A_66 = tpu.memref_slice %arg3[%arg0, %arg1, %dma_start3A_64, %dma_start3A_65] : memref<2x16x160x128xi32, #tpu.memory_space<hbm>> -> memref<1x1x160x128xi32, #tpu.memory_space<hbm>>
      %dma_start3A_67 = tpu.memref_squeeze %dma_start3A_66 : memref<1x1x160x128xi32, #tpu.memory_space<hbm>> -> memref<160x128xi32, #tpu.memory_space<hbm>>
      tpu.enqueue_dma source(%dma_start3A_67 : memref<160x128xi32, #tpu.memory_space<hbm>>) target(%arg8 : memref<160x128xi32, #tpu.memory_space<vmem>>) target_semaphore(%run_scoped3A : memref<!tpu.dma_semaphore, #tpu.memory_space<semaphore_mem>>)
      %dma_wait3A_68 = arith.constant 0 : i32
      %dma_wait3A_69 = arith.constant 0 : i32
      %dma_wait3A_70 = tpu.memref_slice %arg3[%arg0, %arg1, %dma_wait3A_68, %dma_wait3A_69] : memref<2x16x160x128xi32, #tpu.memory_space<hbm>> -> memref<1x1x160x128xi32, #tpu.memory_space<hbm>>
      %dma_wait3A_71 = tpu.memref_squeeze %dma_wait3A_70 : memref<1x1x160x128xi32, #tpu.memory_space<hbm>> -> memref<160x128xi32, #tpu.memory_space<hbm>>
      %dma_wait3A_72 = arith.constant 0 : i32
      %dma_wait3A_73 = arith.constant 0 : i32
      %dma_wait3A_74 = tpu.memref_slice %arg3[%arg0, %arg1, %dma_wait3A_72, %dma_wait3A_73] : memref<2x16x160x128xi32, #tpu.memory_space<hbm>> -> memref<1x1x160x128xi32, #tpu.memory_space<hbm>>
      %dma_wait3A_75 = tpu.memref_squeeze %dma_wait3A_74 : memref<1x1x160x128xi32, #tpu.memory_space<hbm>> -> memref<160x128xi32, #tpu.memory_space<hbm>>
      tpu.wait_dma2 semaphore(%run_scoped3A : memref<!tpu.dma_semaphore, #tpu.memory_space<semaphore_mem>>) src(%dma_wait3A_75 : memref<160x128xi32, #tpu.memory_space<hbm>>) dst(%arg8 : memref<160x128xi32, #tpu.memory_space<vmem>>)
      tpu.yield
    }) : () -> ()
    "tpu.region"() ({
      %run_scoped3A = tpu.sem_alloc : memref<!tpu.dma_semaphore, #tpu.memory_space<semaphore_mem>>
      %dma_start3A_60 = arith.constant 0 : i32
      %dma_start3A_61 = arith.constant 0 : i32
      %dma_start3A_62 = tpu.memref_slice %arg4[%arg0, %arg1, %dma_start3A_60, %dma_start3A_61] : memref<2x16x160x128xi32, #tpu.memory_space<hbm>> -> memref<1x1x160x128xi32, #tpu.memory_space<hbm>>
      %dma_start3A_63 = tpu.memref_squeeze %dma_start3A_62 : memref<1x1x160x128xi32, #tpu.memory_space<hbm>> -> memref<160x128xi32, #tpu.memory_space<hbm>>
      %dma_start3A_64 = arith.constant 0 : i32
      %dma_start3A_65 = arith.constant 0 : i32
      %dma_start3A_66 = tpu.memref_slice %arg4[%arg0, %arg1, %dma_start3A_64, %dma_start3A_65] : memref<2x16x160x128xi32, #tpu.memory_space<hbm>> -> memref<1x1x160x128xi32, #tpu.memory_space<hbm>>
      %dma_start3A_67 = tpu.memref_squeeze %dma_start3A_66 : memref<1x1x160x128xi32, #tpu.memory_space<hbm>> -> memref<160x128xi32, #tpu.memory_space<hbm>>
      tpu.enqueue_dma source(%dma_start3A_67 : memref<160x128xi32, #tpu.memory_space<hbm>>) target(%arg9 : memref<160x128xi32, #tpu.memory_space<vmem>>) target_semaphore(%run_scoped3A : memref<!tpu.dma_semaphore, #tpu.memory_space<semaphore_mem>>)
      %dma_wait3A_68 = arith.constant 0 : i32
      %dma_wait3A_69 = arith.constant 0 : i32
      %dma_wait3A_70 = tpu.memref_slice %arg4[%arg0, %arg1, %dma_wait3A_68, %dma_wait3A_69] : memref<2x16x160x128xi32, #tpu.memory_space<hbm>> -> memref<1x1x160x128xi32, #tpu.memory_space<hbm>>
      %dma_wait3A_71 = tpu.memref_squeeze %dma_wait3A_70 : memref<1x1x160x128xi32, #tpu.memory_space<hbm>> -> memref<160x128xi32, #tpu.memory_space<hbm>>
      %dma_wait3A_72 = arith.constant 0 : i32
      %dma_wait3A_73 = arith.constant 0 : i32
      %dma_wait3A_74 = tpu.memref_slice %arg4[%arg0, %arg1, %dma_wait3A_72, %dma_wait3A_73] : memref<2x16x160x128xi32, #tpu.memory_space<hbm>> -> memref<1x1x160x128xi32, #tpu.memory_space<hbm>>
      %dma_wait3A_75 = tpu.memref_squeeze %dma_wait3A_74 : memref<1x1x160x128xi32, #tpu.memory_space<hbm>> -> memref<160x128xi32, #tpu.memory_space<hbm>>
      tpu.wait_dma2 semaphore(%run_scoped3A : memref<!tpu.dma_semaphore, #tpu.memory_space<semaphore_mem>>) src(%dma_wait3A_75 : memref<160x128xi32, #tpu.memory_space<hbm>>) dst(%arg9 : memref<160x128xi32, #tpu.memory_space<vmem>>)
      tpu.yield
    }) : () -> ()
    "tpu.region"() ({
      %run_scoped3A = tpu.sem_alloc : memref<!tpu.dma_semaphore, #tpu.memory_space<semaphore_mem>>
      %dma_start3A_60 = arith.constant 0 : i32
      %dma_start3A_61 = tpu.memref_slice %arg5[%arg0, %arg1, %dma_start3A_60] : memref<2x16x128xi32, #tpu.memory_space<hbm>> -> memref<1x1x128xi32, #tpu.memory_space<hbm>>
      %dma_start3A_62 = tpu.memref_squeeze %dma_start3A_61 : memref<1x1x128xi32, #tpu.memory_space<hbm>> -> memref<128xi32, #tpu.memory_space<hbm>>
      %dma_start3A_63 = arith.constant 0 : i32
      %dma_start3A_64 = tpu.memref_slice %arg5[%arg0, %arg1, %dma_start3A_63] : memref<2x16x128xi32, #tpu.memory_space<hbm>> -> memref<1x1x128xi32, #tpu.memory_space<hbm>>
      %dma_start3A_65 = tpu.memref_squeeze %dma_start3A_64 : memref<1x1x128xi32, #tpu.memory_space<hbm>> -> memref<128xi32, #tpu.memory_space<hbm>>
      tpu.enqueue_dma source(%dma_start3A_65 : memref<128xi32, #tpu.memory_space<hbm>>) target(%arg10 : memref<128xi32, #tpu.memory_space<vmem>>) target_semaphore(%run_scoped3A : memref<!tpu.dma_semaphore, #tpu.memory_space<semaphore_mem>>)
      %dma_wait3A_66 = arith.constant 0 : i32
      %dma_wait3A_67 = tpu.memref_slice %arg5[%arg0, %arg1, %dma_wait3A_66] : memref<2x16x128xi32, #tpu.memory_space<hbm>> -> memref<1x1x128xi32, #tpu.memory_space<hbm>>
      %dma_wait3A_68 = tpu.memref_squeeze %dma_wait3A_67 : memref<1x1x128xi32, #tpu.memory_space<hbm>> -> memref<128xi32, #tpu.memory_space<hbm>>
      %dma_wait3A_69 = arith.constant 0 : i32
      %dma_wait3A_70 = tpu.memref_slice %arg5[%arg0, %arg1, %dma_wait3A_69] : memref<2x16x128xi32, #tpu.memory_space<hbm>> -> memref<1x1x128xi32, #tpu.memory_space<hbm>>
      %dma_wait3A_71 = tpu.memref_squeeze %dma_wait3A_70 : memref<1x1x128xi32, #tpu.memory_space<hbm>> -> memref<128xi32, #tpu.memory_space<hbm>>
      tpu.wait_dma2 semaphore(%run_scoped3A : memref<!tpu.dma_semaphore, #tpu.memory_space<semaphore_mem>>) src(%dma_wait3A_71 : memref<128xi32, #tpu.memory_space<hbm>>) dst(%arg10 : memref<128xi32, #tpu.memory_space<vmem>>)
      tpu.yield
    }) : () -> ()
    %barrier3A = arith.constant 0 : index
    tpu.barrier barrier_id(%barrier3A)
    %get3A = arith.constant 0 : index
    %get3A_1 = tpu.vector_load %arg10[%get3A] {strides = array<i32>} : memref<128xi32, #tpu.memory_space<vmem>>, vector<16xi32>,
    %reduce_max3A = arith.constant true
    %reduce_max3A_2 = vector.broadcast %reduce_max3A : i1 to vector<16xi1>
    %reduce_max3A_3 = arith.constant -2147483648 : i32
    %reduce_max3A_4 = vector.broadcast %reduce_max3A_3 : i32 to vector<16xi32>
    %reduce_max3A_5 = arith.xori %get3A_1, %reduce_max3A_4 : vector<16xi32>
    %reduce_max3A_6 = tpu.scan <max>, %reduce_max3A_5 masked %reduce_max3A_2 : vector<16xi32>, vector<16xi1> -> vector<16xi32>
    %reduce_max3A_7 = arith.xori %reduce_max3A_6, %reduce_max3A_4 : vector<16xi32>
    %reduce_max3A_8 = vector.extract %reduce_max3A_7[15] : i32 from vector<16xi32>
    %dma_start3A = arith.constant 0 : i32
    %dma_start3A_9 = arith.constant 0 : i32
    %dma_start3A_10 = tpu.memref_slice %arg8[%dma_start3A, %dma_start3A_9] : memref<160x128xi32, #tpu.memory_space<vmem>> -> memref<1x128xi32, #tpu.memory_space<vmem>>
    %dma_start3A_11 = tpu.memref_squeeze %dma_start3A_10 : memref<1x128xi32, #tpu.memory_space<vmem>> -> memref<128xi32, #tpu.memory_space<vmem>>
    %dma_start3A_12 = arith.constant 0 : i32
    %dma_start3A_13 = arith.constant 0 : i32
    %dma_start3A_14 = tpu.memref_slice %arg2[%dma_start3A_12, %dma_start3A_13] : memref<10000x128xf32, #tpu.memory_space<hbm>> -> memref<10000x128xf32, #tpu.memory_space<hbm>>
    tpu.enqueue_indirect_dma source(%dma_start3A_14 : memref<10000x128xf32, #tpu.memory_space<hbm>>) target(%arg11 : memref<128x128xf32, #tpu.memory_space<vmem>>) offsets(%dma_start3A_11 : memref<128xi32, #tpu.memory_space<vmem>>) semaphore(%arg14 : memref<!tpu.dma_semaphore, #tpu.memory_space<semaphore_mem>>)
    %sub3A = arith.constant 2 : i32
    %sub3A_15 = arith.subi %reduce_max3A_8, %sub3A : i32
    %shift_right_logical3A = arith.constant 1 : i32
    %shift_right_logical3A_16 = arith.shrui %sub3A_15, %shift_right_logical3A : i32
    %while3A = arith.constant 0 : i32
    %while3A_17 = arith.constant 0 : i32
    %while3A_18 = arith.subi %shift_right_logical3A_16, %while3A : i32
    %while3A_19 = arith.addi %while3A, %while3A_18 : i32
    %while3A_20 = arith.constant 1 : i32
    %while3A_21 = arith.divsi %while3A_18, %while3A_20 : i32
    %while3A_22 = arith.muli %while3A_21, %while3A_20 : i32
    %while3A_23 = arith.addi %while3A, %while3A_22 : i32
    %while3A_24 = arith.constant 1 : i32
    %while3A_25 = scf.for %while3A_60 = %while3A to %while3A_23 step %while3A_24 iter_args(%while3A_61 = %while3A_17) -> (i32)  : i32 {
      %mul3A_62 = arith.constant 2 : i32
      %mul3A_63 = arith.muli %mul3A_62, %while3A_60 : i32
      %add3A = arith.constant 1 : i32
      %add3A_64 = arith.addi %mul3A_63, %add3A : i32
      %dma_start3A_65 = arith.constant 0 : i32
      %dma_start3A_66 = tpu.memref_slice %arg8[%add3A_64, %dma_start3A_65] : memref<160x128xi32, #tpu.memory_space<vmem>> -> memref<1x128xi32, #tpu.memory_space<vmem>>
      %dma_start3A_67 = tpu.memref_squeeze %dma_start3A_66 : memref<1x128xi32, #tpu.memory_space<vmem>> -> memref<128xi32, #tpu.memory_space<vmem>>
      %dma_start3A_68 = arith.constant 0 : i32
      %dma_start3A_69 = arith.constant 0 : i32
      %dma_start3A_70 = tpu.memref_slice %arg2[%dma_start3A_68, %dma_start3A_69] : memref<10000x128xf32, #tpu.memory_space<hbm>> -> memref<10000x128xf32, #tpu.memory_space<hbm>>
      tpu.enqueue_indirect_dma source(%dma_start3A_70 : memref<10000x128xf32, #tpu.memory_space<hbm>>) target(%arg12 : memref<128x128xf32, #tpu.memory_space<vmem>>) offsets(%dma_start3A_67 : memref<128xi32, #tpu.memory_space<vmem>>) semaphore(%arg15 : memref<!tpu.dma_semaphore, #tpu.memory_space<semaphore_mem>>)
      %dma_wait3A_71 = arith.constant 0 : i32
      %dma_wait3A_72 = tpu.memref_slice %arg8[%mul3A_63, %dma_wait3A_71] : memref<160x128xi32, #tpu.memory_space<vmem>> -> memref<1x128xi32, #tpu.memory_space<vmem>>
      %dma_wait3A_73 = tpu.memref_squeeze %dma_wait3A_72 : memref<1x128xi32, #tpu.memory_space<vmem>> -> memref<128xi32, #tpu.memory_space<vmem>>
      %dma_wait3A_74 = arith.constant 0 : i32
      %dma_wait3A_75 = arith.constant 0 : i32
      %dma_wait3A_76 = tpu.memref_slice %arg2[%dma_wait3A_74, %dma_wait3A_75] : memref<10000x128xf32, #tpu.memory_space<hbm>> -> memref<10000x128xf32, #tpu.memory_space<hbm>>
      tpu.wait_indirect_dma semaphore(%arg14 : memref<!tpu.dma_semaphore, #tpu.memory_space<semaphore_mem>>) src(%dma_wait3A_76 : memref<10000x128xf32, #tpu.memory_space<hbm>>) dst(%arg11 : memref<128x128xf32, #tpu.memory_space<vmem>>)
      "tpu.region"() ({
        %run_scoped3A = tpu.sem_alloc : memref<!tpu.dma_semaphore, #tpu.memory_space<semaphore_mem>>
        %dma_start3A_96 = arith.constant 0 : i32
        %dma_start3A_97 = tpu.memref_slice %arg9[%mul3A_63, %dma_start3A_96] : memref<160x128xi32, #tpu.memory_space<vmem>> -> memref<1x128xi32, #tpu.memory_space<vmem>>
        %dma_start3A_98 = tpu.memref_squeeze %dma_start3A_97 : memref<1x128xi32, #tpu.memory_space<vmem>> -> memref<128xi32, #tpu.memory_space<vmem>>
        %dma_start3A_99 = arith.constant 0 : i32
        %dma_start3A_100 = arith.constant 0 : i32
        %dma_start3A_101 = tpu.memref_slice %arg13[%dma_start3A_99, %dma_start3A_100] : memref<5120x128xf32, #tpu.memory_space<vmem_shared>> -> memref<5120x128xf32, #tpu.memory_space<vmem_shared>>
        tpu.enqueue_indirect_dma source(%arg11 : memref<128x128xf32, #tpu.memory_space<vmem>>) target(%dma_start3A_101 : memref<5120x128xf32, #tpu.memory_space<vmem_shared>>) offsets(%dma_start3A_98 : memref<128xi32, #tpu.memory_space<vmem>>) semaphore(%run_scoped3A : memref<!tpu.dma_semaphore, #tpu.memory_space<semaphore_mem>>) {add = true}
        %dma_wait3A_102 = arith.constant 0 : i32
        %dma_wait3A_103 = tpu.memref_slice %arg9[%mul3A_63, %dma_wait3A_102] : memref<160x128xi32, #tpu.memory_space<vmem>> -> memref<1x128xi32, #tpu.memory_space<vmem>>
        %dma_wait3A_104 = tpu.memref_squeeze %dma_wait3A_103 : memref<1x128xi32, #tpu.memory_space<vmem>> -> memref<128xi32, #tpu.memory_space<vmem>>
        %dma_wait3A_105 = arith.constant 0 : i32
        %dma_wait3A_106 = arith.constant 0 : i32
        %dma_wait3A_107 = tpu.memref_slice %arg13[%dma_wait3A_105, %dma_wait3A_106] : memref<5120x128xf32, #tpu.memory_space<vmem_shared>> -> memref<5120x128xf32, #tpu.memory_space<vmem_shared>>
        tpu.wait_indirect_dma semaphore(%run_scoped3A : memref<!tpu.dma_semaphore, #tpu.memory_space<semaphore_mem>>) src(%arg11 : memref<128x128xf32, #tpu.memory_space<vmem>>) dst(%dma_wait3A_107 : memref<5120x128xf32, #tpu.memory_space<vmem_shared>>)
        tpu.yield
      }) : () -> ()
      %add3A_77 = arith.constant 2 : i32
      %add3A_78 = arith.addi %mul3A_63, %add3A_77 : i32
      %dma_start3A_79 = arith.constant 0 : i32
      %dma_start3A_80 = tpu.memref_slice %arg8[%add3A_78, %dma_start3A_79] : memref<160x128xi32, #tpu.memory_space<vmem>> -> memref<1x128xi32, #tpu.memory_space<vmem>>
      %dma_start3A_81 = tpu.memref_squeeze %dma_start3A_80 : memref<1x128xi32, #tpu.memory_space<vmem>> -> memref<128xi32, #tpu.memory_space<vmem>>
      %dma_start3A_82 = arith.constant 0 : i32
      %dma_start3A_83 = arith.constant 0 : i32
      %dma_start3A_84 = tpu.memref_slice %arg2[%dma_start3A_82, %dma_start3A_83] : memref<10000x128xf32, #tpu.memory_space<hbm>> -> memref<10000x128xf32, #tpu.memory_space<hbm>>
      tpu.enqueue_indirect_dma source(%dma_start3A_84 : memref<10000x128xf32, #tpu.memory_space<hbm>>) target(%arg11 : memref<128x128xf32, #tpu.memory_space<vmem>>) offsets(%dma_start3A_81 : memref<128xi32, #tpu.memory_space<vmem>>) semaphore(%arg14 : memref<!tpu.dma_semaphore, #tpu.memory_space<semaphore_mem>>)
      %add3A_85 = arith.constant 1 : i32
      %add3A_86 = arith.addi %mul3A_63, %add3A_85 : i32
      %dma_wait3A_87 = arith.constant 0 : i32
      %dma_wait3A_88 = tpu.memref_slice %arg8[%add3A_86, %dma_wait3A_87] : memref<160x128xi32, #tpu.memory_space<vmem>> -> memref<1x128xi32, #tpu.memory_space<vmem>>
      %dma_wait3A_89 = tpu.memref_squeeze %dma_wait3A_88 : memref<1x128xi32, #tpu.memory_space<vmem>> -> memref<128xi32, #tpu.memory_space<vmem>>
      %dma_wait3A_90 = arith.constant 0 : i32
      %dma_wait3A_91 = arith.constant 0 : i32
      %dma_wait3A_92 = tpu.memref_slice %arg2[%dma_wait3A_90, %dma_wait3A_91] : memref<10000x128xf32, #tpu.memory_space<hbm>> -> memref<10000x128xf32, #tpu.memory_space<hbm>>
      tpu.wait_indirect_dma semaphore(%arg15 : memref<!tpu.dma_semaphore, #tpu.memory_space<semaphore_mem>>) src(%dma_wait3A_92 : memref<10000x128xf32, #tpu.memory_space<hbm>>) dst(%arg12 : memref<128x128xf32, #tpu.memory_space<vmem>>)
      %add3A_93 = arith.constant 1 : i32
      %add3A_94 = arith.addi %mul3A_63, %add3A_93 : i32
      "tpu.region"() ({
        %run_scoped3A = tpu.sem_alloc : memref<!tpu.dma_semaphore, #tpu.memory_space<semaphore_mem>>
        %dma_start3A_96 = arith.constant 0 : i32
        %dma_start3A_97 = tpu.memref_slice %arg9[%add3A_94, %dma_start3A_96] : memref<160x128xi32, #tpu.memory_space<vmem>> -> memref<1x128xi32, #tpu.memory_space<vmem>>
        %dma_start3A_98 = tpu.memref_squeeze %dma_start3A_97 : memref<1x128xi32, #tpu.memory_space<vmem>> -> memref<128xi32, #tpu.memory_space<vmem>>
        %dma_start3A_99 = arith.constant 0 : i32
        %dma_start3A_100 = arith.constant 0 : i32
        %dma_start3A_101 = tpu.memref_slice %arg13[%dma_start3A_99, %dma_start3A_100] : memref<5120x128xf32, #tpu.memory_space<vmem_shared>> -> memref<5120x128xf32, #tpu.memory_space<vmem_shared>>
        tpu.enqueue_indirect_dma source(%arg12 : memref<128x128xf32, #tpu.memory_space<vmem>>) target(%dma_start3A_101 : memref<5120x128xf32, #tpu.memory_space<vmem_shared>>) offsets(%dma_start3A_98 : memref<128xi32, #tpu.memory_space<vmem>>) semaphore(%run_scoped3A : memref<!tpu.dma_semaphore, #tpu.memory_space<semaphore_mem>>) {add = true}
        %dma_wait3A_102 = arith.constant 0 : i32
        %dma_wait3A_103 = tpu.memref_slice %arg9[%add3A_94, %dma_wait3A_102] : memref<160x128xi32, #tpu.memory_space<vmem>> -> memref<1x128xi32, #tpu.memory_space<vmem>>
        %dma_wait3A_104 = tpu.memref_squeeze %dma_wait3A_103 : memref<1x128xi32, #tpu.memory_space<vmem>> -> memref<128xi32, #tpu.memory_space<vmem>>
        %dma_wait3A_105 = arith.constant 0 : i32
        %dma_wait3A_106 = arith.constant 0 : i32
        %dma_wait3A_107 = tpu.memref_slice %arg13[%dma_wait3A_105, %dma_wait3A_106] : memref<5120x128xf32, #tpu.memory_space<vmem_shared>> -> memref<5120x128xf32, #tpu.memory_space<vmem_shared>>
        tpu.wait_indirect_dma semaphore(%run_scoped3A : memref<!tpu.dma_semaphore, #tpu.memory_space<semaphore_mem>>) src(%arg12 : memref<128x128xf32, #tpu.memory_space<vmem>>) dst(%dma_wait3A_107 : memref<5120x128xf32, #tpu.memory_space<vmem_shared>>)
        tpu.yield
      }) : () -> ()
      %while3A_95 = arith.constant 0 : i32
      scf.yield %while3A_95 : i32
    }
    %while3A_26 = arith.constant 1 : i32
    %while3A_27 = scf.for %while3A_60 = %while3A_23 to %while3A_19 step %while3A_26 iter_args(%while3A_61 = %while3A_25) -> (i32)  : i32 {
      %mul3A_62 = arith.constant 2 : i32
      %mul3A_63 = arith.muli %mul3A_62, %while3A_60 : i32
      %add3A = arith.constant 1 : i32
      %add3A_64 = arith.addi %mul3A_63, %add3A : i32
      %dma_start3A_65 = arith.constant 0 : i32
      %dma_start3A_66 = tpu.memref_slice %arg8[%add3A_64, %dma_start3A_65] : memref<160x128xi32, #tpu.memory_space<vmem>> -> memref<1x128xi32, #tpu.memory_space<vmem>>
      %dma_start3A_67 = tpu.memref_squeeze %dma_start3A_66 : memref<1x128xi32, #tpu.memory_space<vmem>> -> memref<128xi32, #tpu.memory_space<vmem>>
      %dma_start3A_68 = arith.constant 0 : i32
      %dma_start3A_69 = arith.constant 0 : i32
      %dma_start3A_70 = tpu.memref_slice %arg2[%dma_start3A_68, %dma_start3A_69] : memref<10000x128xf32, #tpu.memory_space<hbm>> -> memref<10000x128xf32, #tpu.memory_space<hbm>>
      tpu.enqueue_indirect_dma source(%dma_start3A_70 : memref<10000x128xf32, #tpu.memory_space<hbm>>) target(%arg12 : memref<128x128xf32, #tpu.memory_space<vmem>>) offsets(%dma_start3A_67 : memref<128xi32, #tpu.memory_space<vmem>>) semaphore(%arg15 : memref<!tpu.dma_semaphore, #tpu.memory_space<semaphore_mem>>)
      %dma_wait3A_71 = arith.constant 0 : i32
      %dma_wait3A_72 = tpu.memref_slice %arg8[%mul3A_63, %dma_wait3A_71] : memref<160x128xi32, #tpu.memory_space<vmem>> -> memref<1x128xi32, #tpu.memory_space<vmem>>
      %dma_wait3A_73 = tpu.memref_squeeze %dma_wait3A_72 : memref<1x128xi32, #tpu.memory_space<vmem>> -> memref<128xi32, #tpu.memory_space<vmem>>
      %dma_wait3A_74 = arith.constant 0 : i32
      %dma_wait3A_75 = arith.constant 0 : i32
      %dma_wait3A_76 = tpu.memref_slice %arg2[%dma_wait3A_74, %dma_wait3A_75] : memref<10000x128xf32, #tpu.memory_space<hbm>> -> memref<10000x128xf32, #tpu.memory_space<hbm>>
      tpu.wait_indirect_dma semaphore(%arg14 : memref<!tpu.dma_semaphore, #tpu.memory_space<semaphore_mem>>) src(%dma_wait3A_76 : memref<10000x128xf32, #tpu.memory_space<hbm>>) dst(%arg11 : memref<128x128xf32, #tpu.memory_space<vmem>>)
      "tpu.region"() ({
        %run_scoped3A = tpu.sem_alloc : memref<!tpu.dma_semaphore, #tpu.memory_space<semaphore_mem>>
        %dma_start3A_96 = arith.constant 0 : i32
        %dma_start3A_97 = tpu.memref_slice %arg9[%mul3A_63, %dma_start3A_96] : memref<160x128xi32, #tpu.memory_space<vmem>> -> memref<1x128xi32, #tpu.memory_space<vmem>>
        %dma_start3A_98 = tpu.memref_squeeze %dma_start3A_97 : memref<1x128xi32, #tpu.memory_space<vmem>> -> memref<128xi32, #tpu.memory_space<vmem>>
        %dma_start3A_99 = arith.constant 0 : i32
        %dma_start3A_100 = arith.constant 0 : i32
        %dma_start3A_101 = tpu.memref_slice %arg13[%dma_start3A_99, %dma_start3A_100] : memref<5120x128xf32, #tpu.memory_space<vmem_shared>> -> memref<5120x128xf32, #tpu.memory_space<vmem_shared>>
        tpu.enqueue_indirect_dma source(%arg11 : memref<128x128xf32, #tpu.memory_space<vmem>>) target(%dma_start3A_101 : memref<5120x128xf32, #tpu.memory_space<vmem_shared>>) offsets(%dma_start3A_98 : memref<128xi32, #tpu.memory_space<vmem>>) semaphore(%run_scoped3A : memref<!tpu.dma_semaphore, #tpu.memory_space<semaphore_mem>>) {add = true}
        %dma_wait3A_102 = arith.constant 0 : i32
        %dma_wait3A_103 = tpu.memref_slice %arg9[%mul3A_63, %dma_wait3A_102] : memref<160x128xi32, #tpu.memory_space<vmem>> -> memref<1x128xi32, #tpu.memory_space<vmem>>
        %dma_wait3A_104 = tpu.memref_squeeze %dma_wait3A_103 : memref<1x128xi32, #tpu.memory_space<vmem>> -> memref<128xi32, #tpu.memory_space<vmem>>
        %dma_wait3A_105 = arith.constant 0 : i32
        %dma_wait3A_106 = arith.constant 0 : i32
        %dma_wait3A_107 = tpu.memref_slice %arg13[%dma_wait3A_105, %dma_wait3A_106] : memref<5120x128xf32, #tpu.memory_space<vmem_shared>> -> memref<5120x128xf32, #tpu.memory_space<vmem_shared>>
        tpu.wait_indirect_dma semaphore(%run_scoped3A : memref<!tpu.dma_semaphore, #tpu.memory_space<semaphore_mem>>) src(%arg11 : memref<128x128xf32, #tpu.memory_space<vmem>>) dst(%dma_wait3A_107 : memref<5120x128xf32, #tpu.memory_space<vmem_shared>>)
        tpu.yield
      }) : () -> ()
      %add3A_77 = arith.constant 2 : i32
      %add3A_78 = arith.addi %mul3A_63, %add3A_77 : i32
      %dma_start3A_79 = arith.constant 0 : i32
      %dma_start3A_80 = tpu.memref_slice %arg8[%add3A_78, %dma_start3A_79] : memref<160x128xi32, #tpu.memory_space<vmem>> -> memref<1x128xi32, #tpu.memory_space<vmem>>
      %dma_start3A_81 = tpu.memref_squeeze %dma_start3A_80 : memref<1x128xi32, #tpu.memory_space<vmem>> -> memref<128xi32, #tpu.memory_space<vmem>>
      %dma_start3A_82 = arith.constant 0 : i32
      %dma_start3A_83 = arith.constant 0 : i32
      %dma_start3A_84 = tpu.memref_slice %arg2[%dma_start3A_82, %dma_start3A_83] : memref<10000x128xf32, #tpu.memory_space<hbm>> -> memref<10000x128xf32, #tpu.memory_space<hbm>>
      tpu.enqueue_indirect_dma source(%dma_start3A_84 : memref<10000x128xf32, #tpu.memory_space<hbm>>) target(%arg11 : memref<128x128xf32, #tpu.memory_space<vmem>>) offsets(%dma_start3A_81 : memref<128xi32, #tpu.memory_space<vmem>>) semaphore(%arg14 : memref<!tpu.dma_semaphore, #tpu.memory_space<semaphore_mem>>)
      %add3A_85 = arith.constant 1 : i32
      %add3A_86 = arith.addi %mul3A_63, %add3A_85 : i32
      %dma_wait3A_87 = arith.constant 0 : i32
      %dma_wait3A_88 = tpu.memref_slice %arg8[%add3A_86, %dma_wait3A_87] : memref<160x128xi32, #tpu.memory_space<vmem>> -> memref<1x128xi32, #tpu.memory_space<vmem>>
      %dma_wait3A_89 = tpu.memref_squeeze %dma_wait3A_88 : memref<1x128xi32, #tpu.memory_space<vmem>> -> memref<128xi32, #tpu.memory_space<vmem>>
      %dma_wait3A_90 = arith.constant 0 : i32
      %dma_wait3A_91 = arith.constant 0 : i32
      %dma_wait3A_92 = tpu.memref_slice %arg2[%dma_wait3A_90, %dma_wait3A_91] : memref<10000x128xf32, #tpu.memory_space<hbm>> -> memref<10000x128xf32, #tpu.memory_space<hbm>>
      tpu.wait_indirect_dma semaphore(%arg15 : memref<!tpu.dma_semaphore, #tpu.memory_space<semaphore_mem>>) src(%dma_wait3A_92 : memref<10000x128xf32, #tpu.memory_space<hbm>>) dst(%arg12 : memref<128x128xf32, #tpu.memory_space<vmem>>)
      %add3A_93 = arith.constant 1 : i32
      %add3A_94 = arith.addi %mul3A_63, %add3A_93 : i32
      "tpu.region"() ({
        %run_scoped3A = tpu.sem_alloc : memref<!tpu.dma_semaphore, #tpu.memory_space<semaphore_mem>>
        %dma_start3A_96 = arith.constant 0 : i32
        %dma_start3A_97 = tpu.memref_slice %arg9[%add3A_94, %dma_start3A_96] : memref<160x128xi32, #tpu.memory_space<vmem>> -> memref<1x128xi32, #tpu.memory_space<vmem>>
        %dma_start3A_98 = tpu.memref_squeeze %dma_start3A_97 : memref<1x128xi32, #tpu.memory_space<vmem>> -> memref<128xi32, #tpu.memory_space<vmem>>
        %dma_start3A_99 = arith.constant 0 : i32
        %dma_start3A_100 = arith.constant 0 : i32
        %dma_start3A_101 = tpu.memref_slice %arg13[%dma_start3A_99, %dma_start3A_100] : memref<5120x128xf32, #tpu.memory_space<vmem_shared>> -> memref<5120x128xf32, #tpu.memory_space<vmem_shared>>
        tpu.enqueue_indirect_dma source(%arg12 : memref<128x128xf32, #tpu.memory_space<vmem>>) target(%dma_start3A_101 : memref<5120x128xf32, #tpu.memory_space<vmem_shared>>) offsets(%dma_start3A_98 : memref<128xi32, #tpu.memory_space<vmem>>) semaphore(%run_scoped3A : memref<!tpu.dma_semaphore, #tpu.memory_space<semaphore_mem>>) {add = true}
        %dma_wait3A_102 = arith.constant 0 : i32
        %dma_wait3A_103 = tpu.memref_slice %arg9[%add3A_94, %dma_wait3A_102] : memref<160x128xi32, #tpu.memory_space<vmem>> -> memref<1x128xi32, #tpu.memory_space<vmem>>
        %dma_wait3A_104 = tpu.memref_squeeze %dma_wait3A_103 : memref<1x128xi32, #tpu.memory_space<vmem>> -> memref<128xi32, #tpu.memory_space<vmem>>
        %dma_wait3A_105 = arith.constant 0 : i32
        %dma_wait3A_106 = arith.constant 0 : i32
        %dma_wait3A_107 = tpu.memref_slice %arg13[%dma_wait3A_105, %dma_wait3A_106] : memref<5120x128xf32, #tpu.memory_space<vmem_shared>> -> memref<5120x128xf32, #tpu.memory_space<vmem_shared>>
        tpu.wait_indirect_dma semaphore(%run_scoped3A : memref<!tpu.dma_semaphore, #tpu.memory_space<semaphore_mem>>) src(%arg12 : memref<128x128xf32, #tpu.memory_space<vmem>>) dst(%dma_wait3A_107 : memref<5120x128xf32, #tpu.memory_space<vmem_shared>>)
        tpu.yield
      }) : () -> ()
      %while3A_95 = arith.constant 0 : i32
      scf.yield %while3A_95 : i32
    }
    %sub3A_28 = arith.constant 1 : i32
    %sub3A_29 = arith.subi %reduce_max3A_8, %sub3A_28 : i32
    %dma_start3A_30 = arith.constant 0 : i32
    %dma_start3A_31 = tpu.memref_slice %arg8[%sub3A_29, %dma_start3A_30] : memref<160x128xi32, #tpu.memory_space<vmem>> -> memref<1x128xi32, #tpu.memory_space<vmem>>
    %dma_start3A_32 = tpu.memref_squeeze %dma_start3A_31 : memref<1x128xi32, #tpu.memory_space<vmem>> -> memref<128xi32, #tpu.memory_space<vmem>>
    %dma_start3A_33 = arith.constant 0 : i32
    %dma_start3A_34 = arith.constant 0 : i32
    %dma_start3A_35 = tpu.memref_slice %arg2[%dma_start3A_33, %dma_start3A_34] : memref<10000x128xf32, #tpu.memory_space<hbm>> -> memref<10000x128xf32, #tpu.memory_space<hbm>>
    tpu.enqueue_indirect_dma source(%dma_start3A_35 : memref<10000x128xf32, #tpu.memory_space<hbm>>) target(%arg12 : memref<128x128xf32, #tpu.memory_space<vmem>>) offsets(%dma_start3A_32 : memref<128xi32, #tpu.memory_space<vmem>>) semaphore(%arg15 : memref<!tpu.dma_semaphore, #tpu.memory_space<semaphore_mem>>)
    %sub3A_36 = arith.constant 2 : i32
    %sub3A_37 = arith.subi %reduce_max3A_8, %sub3A_36 : i32
    %dma_wait3A = arith.constant 0 : i32
    %dma_wait3A_38 = tpu.memref_slice %arg8[%sub3A_37, %dma_wait3A] : memref<160x128xi32, #tpu.memory_space<vmem>> -> memref<1x128xi32, #tpu.memory_space<vmem>>
    %dma_wait3A_39 = tpu.memref_squeeze %dma_wait3A_38 : memref<1x128xi32, #tpu.memory_space<vmem>> -> memref<128xi32, #tpu.memory_space<vmem>>
    %dma_wait3A_40 = arith.constant 0 : i32
    %dma_wait3A_41 = arith.constant 0 : i32
    %dma_wait3A_42 = tpu.memref_slice %arg2[%dma_wait3A_40, %dma_wait3A_41] : memref<10000x128xf32, #tpu.memory_space<hbm>> -> memref<10000x128xf32, #tpu.memory_space<hbm>>
    tpu.wait_indirect_dma semaphore(%arg14 : memref<!tpu.dma_semaphore, #tpu.memory_space<semaphore_mem>>) src(%dma_wait3A_42 : memref<10000x128xf32, #tpu.memory_space<hbm>>) dst(%arg11 : memref<128x128xf32, #tpu.memory_space<vmem>>)
    %sub3A_43 = arith.constant 2 : i32
    %sub3A_44 = arith.subi %reduce_max3A_8, %sub3A_43 : i32
    "tpu.region"() ({
      %run_scoped3A = tpu.sem_alloc : memref<!tpu.dma_semaphore, #tpu.memory_space<semaphore_mem>>
      %dma_start3A_60 = arith.constant 0 : i32
      %dma_start3A_61 = tpu.memref_slice %arg9[%sub3A_44, %dma_start3A_60] : memref<160x128xi32, #tpu.memory_space<vmem>> -> memref<1x128xi32, #tpu.memory_space<vmem>>
      %dma_start3A_62 = tpu.memref_squeeze %dma_start3A_61 : memref<1x128xi32, #tpu.memory_space<vmem>> -> memref<128xi32, #tpu.memory_space<vmem>>
      %dma_start3A_63 = arith.constant 0 : i32
      %dma_start3A_64 = arith.constant 0 : i32
      %dma_start3A_65 = tpu.memref_slice %arg13[%dma_start3A_63, %dma_start3A_64] : memref<5120x128xf32, #tpu.memory_space<vmem_shared>> -> memref<5120x128xf32, #tpu.memory_space<vmem_shared>>
      tpu.enqueue_indirect_dma source(%arg11 : memref<128x128xf32, #tpu.memory_space<vmem>>) target(%dma_start3A_65 : memref<5120x128xf32, #tpu.memory_space<vmem_shared>>) offsets(%dma_start3A_62 : memref<128xi32, #tpu.memory_space<vmem>>) semaphore(%run_scoped3A : memref<!tpu.dma_semaphore, #tpu.memory_space<semaphore_mem>>) {add = true}
      %dma_wait3A_66 = arith.constant 0 : i32
      %dma_wait3A_67 = tpu.memref_slice %arg9[%sub3A_44, %dma_wait3A_66] : memref<160x128xi32, #tpu.memory_space<vmem>> -> memref<1x128xi32, #tpu.memory_space<vmem>>
      %dma_wait3A_68 = tpu.memref_squeeze %dma_wait3A_67 : memref<1x128xi32, #tpu.memory_space<vmem>> -> memref<128xi32, #tpu.memory_space<vmem>>
      %dma_wait3A_69 = arith.constant 0 : i32
      %dma_wait3A_70 = arith.constant 0 : i32
      %dma_wait3A_71 = tpu.memref_slice %arg13[%dma_wait3A_69, %dma_wait3A_70] : memref<5120x128xf32, #tpu.memory_space<vmem_shared>> -> memref<5120x128xf32, #tpu.memory_space<vmem_shared>>
      tpu.wait_indirect_dma semaphore(%run_scoped3A : memref<!tpu.dma_semaphore, #tpu.memory_space<semaphore_mem>>) src(%arg11 : memref<128x128xf32, #tpu.memory_space<vmem>>) dst(%dma_wait3A_71 : memref<5120x128xf32, #tpu.memory_space<vmem_shared>>)
      tpu.yield
    }) : () -> ()
    %sub3A_45 = arith.constant 1 : i32
    %sub3A_46 = arith.subi %reduce_max3A_8, %sub3A_45 : i32
    %dma_wait3A_47 = arith.constant 0 : i32
    %dma_wait3A_48 = tpu.memref_slice %arg8[%sub3A_46, %dma_wait3A_47] : memref<160x128xi32, #tpu.memory_space<vmem>> -> memref<1x128xi32, #tpu.memory_space<vmem>>
    %dma_wait3A_49 = tpu.memref_squeeze %dma_wait3A_48 : memref<1x128xi32, #tpu.memory_space<vmem>> -> memref<128xi32, #tpu.memory_space<vmem>>
    %dma_wait3A_50 = arith.constant 0 : i32
    %dma_wait3A_51 = arith.constant 0 : i32
    %dma_wait3A_52 = tpu.memref_slice %arg2[%dma_wait3A_50, %dma_wait3A_51] : memref<10000x128xf32, #tpu.memory_space<hbm>> -> memref<10000x128xf32, #tpu.memory_space<hbm>>
    tpu.wait_indirect_dma semaphore(%arg15 : memref<!tpu.dma_semaphore, #tpu.memory_space<semaphore_mem>>) src(%dma_wait3A_52 : memref<10000x128xf32, #tpu.memory_space<hbm>>) dst(%arg12 : memref<128x128xf32, #tpu.memory_space<vmem>>)
    %sub3A_53 = arith.constant 1 : i32
    %sub3A_54 = arith.subi %reduce_max3A_8, %sub3A_53 : i32
    "tpu.region"() ({
      %run_scoped3A = tpu.sem_alloc : memref<!tpu.dma_semaphore, #tpu.memory_space<semaphore_mem>>
      %dma_start3A_60 = arith.constant 0 : i32
      %dma_start3A_61 = tpu.memref_slice %arg9[%sub3A_54, %dma_start3A_60] : memref<160x128xi32, #tpu.memory_space<vmem>> -> memref<1x128xi32, #tpu.memory_space<vmem>>
      %dma_start3A_62 = tpu.memref_squeeze %dma_start3A_61 : memref<1x128xi32, #tpu.memory_space<vmem>> -> memref<128xi32, #tpu.memory_space<vmem>>
      %dma_start3A_63 = arith.constant 0 : i32
      %dma_start3A_64 = arith.constant 0 : i32
      %dma_start3A_65 = tpu.memref_slice %arg13[%dma_start3A_63, %dma_start3A_64] : memref<5120x128xf32, #tpu.memory_space<vmem_shared>> -> memref<5120x128xf32, #tpu.memory_space<vmem_shared>>
      tpu.enqueue_indirect_dma source(%arg12 : memref<128x128xf32, #tpu.memory_space<vmem>>) target(%dma_start3A_65 : memref<5120x128xf32, #tpu.memory_space<vmem_shared>>) offsets(%dma_start3A_62 : memref<128xi32, #tpu.memory_space<vmem>>) semaphore(%run_scoped3A : memref<!tpu.dma_semaphore, #tpu.memory_space<semaphore_mem>>) {add = true}
      %dma_wait3A_66 = arith.constant 0 : i32
      %dma_wait3A_67 = tpu.memref_slice %arg9[%sub3A_54, %dma_wait3A_66] : memref<160x128xi32, #tpu.memory_space<vmem>> -> memref<1x128xi32, #tpu.memory_space<vmem>>
      %dma_wait3A_68 = tpu.memref_squeeze %dma_wait3A_67 : memref<1x128xi32, #tpu.memory_space<vmem>> -> memref<128xi32, #tpu.memory_space<vmem>>
      %dma_wait3A_69 = arith.constant 0 : i32
      %dma_wait3A_70 = arith.constant 0 : i32
      %dma_wait3A_71 = tpu.memref_slice %arg13[%dma_wait3A_69, %dma_wait3A_70] : memref<5120x128xf32, #tpu.memory_space<vmem_shared>> -> memref<5120x128xf32, #tpu.memory_space<vmem_shared>>
      tpu.wait_indirect_dma semaphore(%run_scoped3A : memref<!tpu.dma_semaphore, #tpu.memory_space<semaphore_mem>>) src(%arg12 : memref<128x128xf32, #tpu.memory_space<vmem>>) dst(%dma_wait3A_71 : memref<5120x128xf32, #tpu.memory_space<vmem_shared>>)
      tpu.yield
    }) : () -> ()
    %barrier3A_55 = arith.constant 0 : index
    tpu.barrier barrier_id(%barrier3A_55)
    %mul3A_56 = arith.constant 320 : i32
    %mul3A_57 = arith.muli %arg1, %mul3A_56 : i32
    %mul3A_58 = arith.constant 320 : i32
    %mul3A_59 = arith.muli %arg1, %mul3A_58 : i32
    "tpu.region"() ({
      %run_scoped3A = tpu.sem_alloc : memref<!tpu.dma_semaphore, #tpu.memory_space<semaphore_mem>>
      %dma_start3A_60 = arith.constant 0 : i32
      %dma_start3A_61 = tpu.memref_slice %arg7[%arg0, %mul3A_59, %dma_start3A_60] : memref<2x5120x128xf32, #tpu.memory_space<hbm>> -> memref<1x320x128xf32, #tpu.memory_space<hbm>>
      %dma_start3A_62 = tpu.memref_squeeze %dma_start3A_61 : memref<1x320x128xf32, #tpu.memory_space<hbm>> -> memref<320x128xf32, #tpu.memory_space<hbm>>
      %dma_start3A_63 = arith.constant 0 : i32
      %dma_start3A_64 = tpu.memref_slice %arg13[%mul3A_57, %dma_start3A_63] : memref<5120x128xf32, #tpu.memory_space<vmem_shared>> -> memref<320x128xf32, #tpu.memory_space<vmem_shared>>
      tpu.enqueue_dma source(%dma_start3A_64 : memref<320x128xf32, #tpu.memory_space<vmem_shared>>) target(%dma_start3A_62 : memref<320x128xf32, #tpu.memory_space<hbm>>) target_semaphore(%run_scoped3A : memref<!tpu.dma_semaphore, #tpu.memory_space<semaphore_mem>>)
      %dma_wait3A_65 = arith.constant 0 : i32
      %dma_wait3A_66 = tpu.memref_slice %arg7[%arg0, %mul3A_59, %dma_wait3A_65] : memref<2x5120x128xf32, #tpu.memory_space<hbm>> -> memref<1x320x128xf32, #tpu.memory_space<hbm>>
      %dma_wait3A_67 = tpu.memref_squeeze %dma_wait3A_66 : memref<1x320x128xf32, #tpu.memory_space<hbm>> -> memref<320x128xf32, #tpu.memory_space<hbm>>
      %dma_wait3A_68 = arith.constant 0 : i32
      %dma_wait3A_69 = tpu.memref_slice %arg13[%mul3A_57, %dma_wait3A_68] : memref<5120x128xf32, #tpu.memory_space<vmem_shared>> -> memref<320x128xf32, #tpu.memory_space<vmem_shared>>
      tpu.wait_dma2 semaphore(%run_scoped3A : memref<!tpu.dma_semaphore, #tpu.memory_space<semaphore_mem>>) src(%dma_wait3A_69 : memref<320x128xf32, #tpu.memory_space<vmem_shared>>) dst(%dma_wait3A_67 : memref<320x128xf32, #tpu.memory_space<hbm>>)
      tpu.yield
    }) : () -> ()
    return
  }
}

#map = affine_map<(d0, d1) -> (0, 0)>
#map1 = affine_map<(d0, d1) -> (0, 0, 0, 0)>
#map2 = affine_map<(d0, d1) -> (0, 0, 0)>
module attributes {stable_mosaic.version = 14 : i64} {
  func.func @_sc_spmm_body(%arg0: i32, %arg1: i32, %arg2: memref<10000x128xf32, #tpu.memory_space<hbm>>, %arg3: memref<2x16x160x128xi32, #tpu.memory_space<hbm>>, %arg4: memref<2x16x160x128xi32, #tpu.memory_space<hbm>>, %arg5: memref<2x16x128xi32, #tpu.memory_space<hbm>>, %arg6: memref<320x128xf32, #tpu.memory_space<hbm>>, %arg7: memref<2x5120x128xf32, #tpu.memory_space<hbm>>, %arg8: memref<160x128xi32, #tpu.memory_space<vmem>>, %arg9: memref<160x128xi32, #tpu.memory_space<vmem>>, %arg10: memref<128xi32, #tpu.memory_space<vmem>>, %arg11: memref<128x128xf32, #tpu.memory_space<vmem>>, %arg12: memref<128x128xf32, #tpu.memory_space<vmem>>, %arg13: memref<5120x128xf32, #tpu.memory_space<vmem_shared>>, %arg14: memref<!tpu.dma_semaphore, #tpu.memory_space<semaphore_mem>>, %arg15: memref<!tpu.dma_semaphore, #tpu.memory_space<semaphore_mem>>) attributes {dimension_semantics = [#tpu.dimension_semantics<core_parallel>, #tpu.dimension_semantics<subcore_parallel>], iteration_bounds = array<i64: 2, 16>, scalar_prefetch = 0 : i64, scratch_operands = 8 : i64, tpu.core_type = #tpu.core_type<sc_vector_subcore>, window_params = [{transform_indices = #map}, {transform_indices = #map1}, {transform_indices = #map1}, {transform_indices = #map2}, {transform_indices = #map}, {transform_indices = #map2}]} {
    %mul3A = arith.constant 320 : i32
    %mul3A_0 = arith.muli %arg1, %mul3A : i32
    "tpu.region"() ({
      %run_scoped3A = tpu.sem_alloc : memref<!tpu.dma_semaphore, #tpu.memory_space<semaphore_mem>>
      %dma_start3A_60 = arith.constant 0 : i32
      %dma_start3A_61 = tpu.memref_slice %arg13[%mul3A_0, %dma_start3A_60] : memref<5120x128xf32, #tpu.memory_space<vmem_shared>> -> memref<320x128xf32, #tpu.memory_space<vmem_shared>>
      tpu.enqueue_dma source(%arg6 : memref<320x128xf32, #tpu.memory_space<hbm>>) target(%dma_start3A_61 : memref<320x128xf32, #tpu.memory_space<vmem_shared>>) target_semaphore(%run_scoped3A : memref<!tpu.dma_semaphore, #tpu.memory_space<semaphore_mem>>)
      %dma_wait3A_62 = arith.constant 0 : i32
      %dma_wait3A_63 = tpu.memref_slice %arg13[%mul3A_0, %dma_wait3A_62] : memref<5120x128xf32, #tpu.memory_space<vmem_shared>> -> memref<320x128xf32, #tpu.memory_space<vmem_shared>>
      tpu.wait_dma2 semaphore(%run_scoped3A : memref<!tpu.dma_semaphore, #tpu.memory_space<semaphore_mem>>) src(%arg6 : memref<320x128xf32, #tpu.memory_space<hbm>>) dst(%dma_wait3A_63 : memref<320x128xf32, #tpu.memory_space<vmem_shared>>)
      tpu.yield
    }) : () -> ()
    "tpu.region"() ({
      %run_scoped3A = tpu.sem_alloc : memref<!tpu.dma_semaphore, #tpu.memory_space<semaphore_mem>>
      %dma_start3A_60 = arith.constant 0 : i32
      %dma_start3A_61 = arith.constant 0 : i32
      %dma_start3A_62 = tpu.memref_slice %arg3[%arg0, %arg1, %dma_start3A_60, %dma_start3A_61] : memref<2x16x160x128xi32, #tpu.memory_space<hbm>> -> memref<1x1x160x128xi32, #tpu.memory_space<hbm>>
      %dma_start3A_63 = tpu.memref_squeeze %dma_start3A_62 : memref<1x1x160x128xi32, #tpu.memory_space<hbm>> -> memref<160x128xi32, #tpu.memory_space<hbm>>
      %dma_start3A_64 = arith.constant 0 : i32
      %dma_start3A_65 = arith.constant 0 : i32
      %dma_start3A_66 = tpu.memref_slice %arg3[%arg0, %arg1, %dma_start3A_64, %dma_start3A_65] : memref<2x16x160x128xi32, #tpu.memory_space<hbm>> -> memref<1x1x160x128xi32, #tpu.memory_space<hbm>>
      %dma_start3A_67 = tpu.memref_squeeze %dma_start3A_66 : memref<1x1x160x128xi32, #tpu.memory_space<hbm>> -> memref<160x128xi32, #tpu.memory_space<hbm>>
      tpu.enqueue_dma source(%dma_start3A_67 : memref<160x128xi32, #tpu.memory_space<hbm>>) target(%arg8 : memref<160x128xi32, #tpu.memory_space<vmem>>) target_semaphore(%run_scoped3A : memref<!tpu.dma_semaphore, #tpu.memory_space<semaphore_mem>>)
      %dma_wait3A_68 = arith.constant 0 : i32
      %dma_wait3A_69 = arith.constant 0 : i32
      %dma_wait3A_70 = tpu.memref_slice %arg3[%arg0, %arg1, %dma_wait3A_68, %dma_wait3A_69] : memref<2x16x160x128xi32, #tpu.memory_space<hbm>> -> memref<1x1x160x128xi32, #tpu.memory_space<hbm>>
      %dma_wait3A_71 = tpu.memref_squeeze %dma_wait3A_70 : memref<1x1x160x128xi32, #tpu.memory_space<hbm>> -> memref<160x128xi32, #tpu.memory_space<hbm>>
      %dma_wait3A_72 = arith.constant 0 : i32
      %dma_wait3A_73 = arith.constant 0 : i32
      %dma_wait3A_74 = tpu.memref_slice %arg3[%arg0, %arg1, %dma_wait3A_72, %dma_wait3A_73] : memref<2x16x160x128xi32, #tpu.memory_space<hbm>> -> memref<1x1x160x128xi32, #tpu.memory_space<hbm>>
      %dma_wait3A_75 = tpu.memref_squeeze %dma_wait3A_74 : memref<1x1x160x128xi32, #tpu.memory_space<hbm>> -> memref<160x128xi32, #tpu.memory_space<hbm>>
      tpu.wait_dma2 semaphore(%run_scoped3A : memref<!tpu.dma_semaphore, #tpu.memory_space<semaphore_mem>>) src(%dma_wait3A_75 : memref<160x128xi32, #tpu.memory_space<hbm>>) dst(%arg8 : memref<160x128xi32, #tpu.memory_space<vmem>>)
      tpu.yield
    }) : () -> ()
    "tpu.region"() ({
      %run_scoped3A = tpu.sem_alloc : memref<!tpu.dma_semaphore, #tpu.memory_space<semaphore_mem>>
      %dma_start3A_60 = arith.constant 0 : i32
      %dma_start3A_61 = arith.constant 0 : i32
      %dma_start3A_62 = tpu.memref_slice %arg4[%arg0, %arg1, %dma_start3A_60, %dma_start3A_61] : memref<2x16x160x128xi32, #tpu.memory_space<hbm>> -> memref<1x1x160x128xi32, #tpu.memory_space<hbm>>
      %dma_start3A_63 = tpu.memref_squeeze %dma_start3A_62 : memref<1x1x160x128xi32, #tpu.memory_space<hbm>> -> memref<160x128xi32, #tpu.memory_space<hbm>>
      %dma_start3A_64 = arith.constant 0 : i32
      %dma_start3A_65 = arith.constant 0 : i32
      %dma_start3A_66 = tpu.memref_slice %arg4[%arg0, %arg1, %dma_start3A_64, %dma_start3A_65] : memref<2x16x160x128xi32, #tpu.memory_space<hbm>> -> memref<1x1x160x128xi32, #tpu.memory_space<hbm>>
      %dma_start3A_67 = tpu.memref_squeeze %dma_start3A_66 : memref<1x1x160x128xi32, #tpu.memory_space<hbm>> -> memref<160x128xi32, #tpu.memory_space<hbm>>
      tpu.enqueue_dma source(%dma_start3A_67 : memref<160x128xi32, #tpu.memory_space<hbm>>) target(%arg9 : memref<160x128xi32, #tpu.memory_space<vmem>>) target_semaphore(%run_scoped3A : memref<!tpu.dma_semaphore, #tpu.memory_space<semaphore_mem>>)
      %dma_wait3A_68 = arith.constant 0 : i32
      %dma_wait3A_69 = arith.constant 0 : i32
      %dma_wait3A_70 = tpu.memref_slice %arg4[%arg0, %arg1, %dma_wait3A_68, %dma_wait3A_69] : memref<2x16x160x128xi32, #tpu.memory_space<hbm>> -> memref<1x1x160x128xi32, #tpu.memory_space<hbm>>
      %dma_wait3A_71 = tpu.memref_squeeze %dma_wait3A_70 : memref<1x1x160x128xi32, #tpu.memory_space<hbm>> -> memref<160x128xi32, #tpu.memory_space<hbm>>
      %dma_wait3A_72 = arith.constant 0 : i32
      %dma_wait3A_73 = arith.constant 0 : i32
      %dma_wait3A_74 = tpu.memref_slice %arg4[%arg0, %arg1, %dma_wait3A_72, %dma_wait3A_73] : memref<2x16x160x128xi32, #tpu.memory_space<hbm>> -> memref<1x1x160x128xi32, #tpu.memory_space<hbm>>
      %dma_wait3A_75 = tpu.memref_squeeze %dma_wait3A_74 : memref<1x1x160x128xi32, #tpu.memory_space<hbm>> -> memref<160x128xi32, #tpu.memory_space<hbm>>
      tpu.wait_dma2 semaphore(%run_scoped3A : memref<!tpu.dma_semaphore, #tpu.memory_space<semaphore_mem>>) src(%dma_wait3A_75 : memref<160x128xi32, #tpu.memory_space<hbm>>) dst(%arg9 : memref<160x128xi32, #tpu.memory_space<vmem>>)
      tpu.yield
    }) : () -> ()
    "tpu.region"() ({
      %run_scoped3A = tpu.sem_alloc : memref<!tpu.dma_semaphore, #tpu.memory_space<semaphore_mem>>
      %dma_start3A_60 = arith.constant 0 : i32
      %dma_start3A_61 = tpu.memref_slice %arg5[%arg0, %arg1, %dma_start3A_60] : memref<2x16x128xi32, #tpu.memory_space<hbm>> -> memref<1x1x128xi32, #tpu.memory_space<hbm>>
      %dma_start3A_62 = tpu.memref_squeeze %dma_start3A_61 : memref<1x1x128xi32, #tpu.memory_space<hbm>> -> memref<128xi32, #tpu.memory_space<hbm>>
      %dma_start3A_63 = arith.constant 0 : i32
      %dma_start3A_64 = tpu.memref_slice %arg5[%arg0, %arg1, %dma_start3A_63] : memref<2x16x128xi32, #tpu.memory_space<hbm>> -> memref<1x1x128xi32, #tpu.memory_space<hbm>>
      %dma_start3A_65 = tpu.memref_squeeze %dma_start3A_64 : memref<1x1x128xi32, #tpu.memory_space<hbm>> -> memref<128xi32, #tpu.memory_space<hbm>>
      tpu.enqueue_dma source(%dma_start3A_65 : memref<128xi32, #tpu.memory_space<hbm>>) target(%arg10 : memref<128xi32, #tpu.memory_space<vmem>>) target_semaphore(%run_scoped3A : memref<!tpu.dma_semaphore, #tpu.memory_space<semaphore_mem>>)
      %dma_wait3A_66 = arith.constant 0 : i32
      %dma_wait3A_67 = tpu.memref_slice %arg5[%arg0, %arg1, %dma_wait3A_66] : memref<2x16x128xi32, #tpu.memory_space<hbm>> -> memref<1x1x128xi32, #tpu.memory_space<hbm>>
      %dma_wait3A_68 = tpu.memref_squeeze %dma_wait3A_67 : memref<1x1x128xi32, #tpu.memory_space<hbm>> -> memref<128xi32, #tpu.memory_space<hbm>>
      %dma_wait3A_69 = arith.constant 0 : i32
      %dma_wait3A_70 = tpu.memref_slice %arg5[%arg0, %arg1, %dma_wait3A_69] : memref<2x16x128xi32, #tpu.memory_space<hbm>> -> memref<1x1x128xi32, #tpu.memory_space<hbm>>
      %dma_wait3A_71 = tpu.memref_squeeze %dma_wait3A_70 : memref<1x1x128xi32, #tpu.memory_space<hbm>> -> memref<128xi32, #tpu.memory_space<hbm>>
      tpu.wait_dma2 semaphore(%run_scoped3A : memref<!tpu.dma_semaphore, #tpu.memory_space<semaphore_mem>>) src(%dma_wait3A_71 : memref<128xi32, #tpu.memory_space<hbm>>) dst(%arg10 : memref<128xi32, #tpu.memory_space<vmem>>)
      tpu.yield
    }) : () -> ()
    %barrier3A = arith.constant 0 : index
    tpu.barrier barrier_id(%barrier3A)
    %get3A = arith.constant 0 : index
    %get3A_1 = tpu.vector_load %arg10[%get3A] {strides = array<i32>} : memref<128xi32, #tpu.memory_space<vmem>>, vector<16xi32>,
    %reduce_max3A = arith.constant true
    %reduce_max3A_2 = vector.broadcast %reduce_max3A : i1 to vector<16xi1>
    %reduce_max3A_3 = arith.constant -2147483648 : i32
    %reduce_max3A_4 = vector.broadcast %reduce_max3A_3 : i32 to vector<16xi32>
    %reduce_max3A_5 = arith.xori %get3A_1, %reduce_max3A_4 : vector<16xi32>
    %reduce_max3A_6 = tpu.scan <max>, %reduce_max3A_5 masked %reduce_max3A_2 : vector<16xi32>, vector<16xi1> -> vector<16xi32>
    %reduce_max3A_7 = arith.xori %reduce_max3A_6, %reduce_max3A_4 : vector<16xi32>
    %reduce_max3A_8 = vector.extract %reduce_max3A_7[15] : i32 from vector<16xi32>
    %dma_start3A = arith.constant 0 : i32
    %dma_start3A_9 = arith.constant 0 : i32
    %dma_start3A_10 = tpu.memref_slice %arg8[%dma_start3A, %dma_start3A_9] : memref<160x128xi32, #tpu.memory_space<vmem>> -> memref<1x128xi32, #tpu.memory_space<vmem>>
    %dma_start3A_11 = tpu.memref_squeeze %dma_start3A_10 : memref<1x128xi32, #tpu.memory_space<vmem>> -> memref<128xi32, #tpu.memory_space<vmem>>
    %dma_start3A_12 = arith.constant 0 : i32
    %dma_start3A_13 = arith.constant 0 : i32
    %dma_start3A_14 = tpu.memref_slice %arg2[%dma_start3A_12, %dma_start3A_13] : memref<10000x128xf32, #tpu.memory_space<hbm>> -> memref<10000x128xf32, #tpu.memory_space<hbm>>
    tpu.enqueue_indirect_dma source(%dma_start3A_14 : memref<10000x128xf32, #tpu.memory_space<hbm>>) target(%arg11 : memref<128x128xf32, #tpu.memory_space<vmem>>) offsets(%dma_start3A_11 : memref<128xi32, #tpu.memory_space<vmem>>) semaphore(%arg14 : memref<!tpu.dma_semaphore, #tpu.memory_space<semaphore_mem>>)
    %sub3A = arith.constant 2 : i32
    %sub3A_15 = arith.subi %reduce_max3A_8, %sub3A : i32
    %shift_right_logical3A = arith.constant 1 : i32
    %shift_right_logical3A_16 = arith.shrui %sub3A_15, %shift_right_logical3A : i32
    %while3A = arith.constant 0 : i32
    %while3A_17 = arith.constant 0 : i32
    %while3A_18 = arith.subi %shift_right_logical3A_16, %while3A : i32
    %while3A_19 = arith.addi %while3A, %while3A_18 : i32
    %while3A_20 = arith.constant 1 : i32
    %while3A_21 = arith.divsi %while3A_18, %while3A_20 : i32
    %while3A_22 = arith.muli %while3A_21, %while3A_20 : i32
    %while3A_23 = arith.addi %while3A, %while3A_22 : i32
    %while3A_24 = arith.constant 1 : i32
    %while3A_25 = scf.for %while3A_60 = %while3A to %while3A_23 step %while3A_24 iter_args(%while3A_61 = %while3A_17) -> (i32)  : i32 {
      %mul3A_62 = arith.constant 2 : i32
      %mul3A_63 = arith.muli %mul3A_62, %while3A_60 : i32
      %add3A = arith.constant 1 : i32
      %add3A_64 = arith.addi %mul3A_63, %add3A : i32
      %dma_start3A_65 = arith.constant 0 : i32
      %dma_start3A_66 = tpu.memref_slice %arg8[%add3A_64, %dma_start3A_65] : memref<160x128xi32, #tpu.memory_space<vmem>> -> memref<1x128xi32, #tpu.memory_space<vmem>>
      %dma_start3A_67 = tpu.memref_squeeze %dma_start3A_66 : memref<1x128xi32, #tpu.memory_space<vmem>> -> memref<128xi32, #tpu.memory_space<vmem>>
      %dma_start3A_68 = arith.constant 0 : i32
      %dma_start3A_69 = arith.constant 0 : i32
      %dma_start3A_70 = tpu.memref_slice %arg2[%dma_start3A_68, %dma_start3A_69] : memref<10000x128xf32, #tpu.memory_space<hbm>> -> memref<10000x128xf32, #tpu.memory_space<hbm>>
      tpu.enqueue_indirect_dma source(%dma_start3A_70 : memref<10000x128xf32, #tpu.memory_space<hbm>>) target(%arg12 : memref<128x128xf32, #tpu.memory_space<vmem>>) offsets(%dma_start3A_67 : memref<128xi32, #tpu.memory_space<vmem>>) semaphore(%arg15 : memref<!tpu.dma_semaphore, #tpu.memory_space<semaphore_mem>>)
      %dma_wait3A_71 = arith.constant 0 : i32
      %dma_wait3A_72 = tpu.memref_slice %arg8[%mul3A_63, %dma_wait3A_71] : memref<160x128xi32, #tpu.memory_space<vmem>> -> memref<1x128xi32, #tpu.memory_space<vmem>>
      %dma_wait3A_73 = tpu.memref_squeeze %dma_wait3A_72 : memref<1x128xi32, #tpu.memory_space<vmem>> -> memref<128xi32, #tpu.memory_space<vmem>>
      %dma_wait3A_74 = arith.constant 0 : i32
      %dma_wait3A_75 = arith.constant 0 : i32
      %dma_wait3A_76 = tpu.memref_slice %arg2[%dma_wait3A_74, %dma_wait3A_75] : memref<10000x128xf32, #tpu.memory_space<hbm>> -> memref<10000x128xf32, #tpu.memory_space<hbm>>
      tpu.wait_indirect_dma semaphore(%arg14 : memref<!tpu.dma_semaphore, #tpu.memory_space<semaphore_mem>>) src(%dma_wait3A_76 : memref<10000x128xf32, #tpu.memory_space<hbm>>) dst(%arg11 : memref<128x128xf32, #tpu.memory_space<vmem>>)
      "tpu.region"() ({
        %run_scoped3A = tpu.sem_alloc : memref<!tpu.dma_semaphore, #tpu.memory_space<semaphore_mem>>
        %dma_start3A_96 = arith.constant 0 : i32
        %dma_start3A_97 = tpu.memref_slice %arg9[%mul3A_63, %dma_start3A_96] : memref<160x128xi32, #tpu.memory_space<vmem>> -> memref<1x128xi32, #tpu.memory_space<vmem>>
        %dma_start3A_98 = tpu.memref_squeeze %dma_start3A_97 : memref<1x128xi32, #tpu.memory_space<vmem>> -> memref<128xi32, #tpu.memory_space<vmem>>
        %dma_start3A_99 = arith.constant 0 : i32
        %dma_start3A_100 = arith.constant 0 : i32
        %dma_start3A_101 = tpu.memref_slice %arg13[%dma_start3A_99, %dma_start3A_100] : memref<5120x128xf32, #tpu.memory_space<vmem_shared>> -> memref<5120x128xf32, #tpu.memory_space<vmem_shared>>
        tpu.enqueue_indirect_dma source(%arg11 : memref<128x128xf32, #tpu.memory_space<vmem>>) target(%dma_start3A_101 : memref<5120x128xf32, #tpu.memory_space<vmem_shared>>) offsets(%dma_start3A_98 : memref<128xi32, #tpu.memory_space<vmem>>) semaphore(%run_scoped3A : memref<!tpu.dma_semaphore, #tpu.memory_space<semaphore_mem>>) {add = true}
        %dma_wait3A_102 = arith.constant 0 : i32
        %dma_wait3A_103 = tpu.memref_slice %arg9[%mul3A_63, %dma_wait3A_102] : memref<160x128xi32, #tpu.memory_space<vmem>> -> memref<1x128xi32, #tpu.memory_space<vmem>>
        %dma_wait3A_104 = tpu.memref_squeeze %dma_wait3A_103 : memref<1x128xi32, #tpu.memory_space<vmem>> -> memref<128xi32, #tpu.memory_space<vmem>>
        %dma_wait3A_105 = arith.constant 0 : i32
        %dma_wait3A_106 = arith.constant 0 : i32
        %dma_wait3A_107 = tpu.memref_slice %arg13[%dma_wait3A_105, %dma_wait3A_106] : memref<5120x128xf32, #tpu.memory_space<vmem_shared>> -> memref<5120x128xf32, #tpu.memory_space<vmem_shared>>
        tpu.wait_indirect_dma semaphore(%run_scoped3A : memref<!tpu.dma_semaphore, #tpu.memory_space<semaphore_mem>>) src(%arg11 : memref<128x128xf32, #tpu.memory_space<vmem>>) dst(%dma_wait3A_107 : memref<5120x128xf32, #tpu.memory_space<vmem_shared>>)
        tpu.yield
      }) : () -> ()
      %add3A_77 = arith.constant 2 : i32
      %add3A_78 = arith.addi %mul3A_63, %add3A_77 : i32
      %dma_start3A_79 = arith.constant 0 : i32
      %dma_start3A_80 = tpu.memref_slice %arg8[%add3A_78, %dma_start3A_79] : memref<160x128xi32, #tpu.memory_space<vmem>> -> memref<1x128xi32, #tpu.memory_space<vmem>>
      %dma_start3A_81 = tpu.memref_squeeze %dma_start3A_80 : memref<1x128xi32, #tpu.memory_space<vmem>> -> memref<128xi32, #tpu.memory_space<vmem>>
      %dma_start3A_82 = arith.constant 0 : i32
      %dma_start3A_83 = arith.constant 0 : i32
      %dma_start3A_84 = tpu.memref_slice %arg2[%dma_start3A_82, %dma_start3A_83] : memref<10000x128xf32, #tpu.memory_space<hbm>> -> memref<10000x128xf32, #tpu.memory_space<hbm>>
      tpu.enqueue_indirect_dma source(%dma_start3A_84 : memref<10000x128xf32, #tpu.memory_space<hbm>>) target(%arg11 : memref<128x128xf32, #tpu.memory_space<vmem>>) offsets(%dma_start3A_81 : memref<128xi32, #tpu.memory_space<vmem>>) semaphore(%arg14 : memref<!tpu.dma_semaphore, #tpu.memory_space<semaphore_mem>>)
      %add3A_85 = arith.constant 1 : i32
      %add3A_86 = arith.addi %mul3A_63, %add3A_85 : i32
      %dma_wait3A_87 = arith.constant 0 : i32
      %dma_wait3A_88 = tpu.memref_slice %arg8[%add3A_86, %dma_wait3A_87] : memref<160x128xi32, #tpu.memory_space<vmem>> -> memref<1x128xi32, #tpu.memory_space<vmem>>
      %dma_wait3A_89 = tpu.memref_squeeze %dma_wait3A_88 : memref<1x128xi32, #tpu.memory_space<vmem>> -> memref<128xi32, #tpu.memory_space<vmem>>
      %dma_wait3A_90 = arith.constant 0 : i32
      %dma_wait3A_91 = arith.constant 0 : i32
      %dma_wait3A_92 = tpu.memref_slice %arg2[%dma_wait3A_90, %dma_wait3A_91] : memref<10000x128xf32, #tpu.memory_space<hbm>> -> memref<10000x128xf32, #tpu.memory_space<hbm>>
      tpu.wait_indirect_dma semaphore(%arg15 : memref<!tpu.dma_semaphore, #tpu.memory_space<semaphore_mem>>) src(%dma_wait3A_92 : memref<10000x128xf32, #tpu.memory_space<hbm>>) dst(%arg12 : memref<128x128xf32, #tpu.memory_space<vmem>>)
      %add3A_93 = arith.constant 1 : i32
      %add3A_94 = arith.addi %mul3A_63, %add3A_93 : i32
      "tpu.region"() ({
        %run_scoped3A = tpu.sem_alloc : memref<!tpu.dma_semaphore, #tpu.memory_space<semaphore_mem>>
        %dma_start3A_96 = arith.constant 0 : i32
        %dma_start3A_97 = tpu.memref_slice %arg9[%add3A_94, %dma_start3A_96] : memref<160x128xi32, #tpu.memory_space<vmem>> -> memref<1x128xi32, #tpu.memory_space<vmem>>
        %dma_start3A_98 = tpu.memref_squeeze %dma_start3A_97 : memref<1x128xi32, #tpu.memory_space<vmem>> -> memref<128xi32, #tpu.memory_space<vmem>>
        %dma_start3A_99 = arith.constant 0 : i32
        %dma_start3A_100 = arith.constant 0 : i32
        %dma_start3A_101 = tpu.memref_slice %arg13[%dma_start3A_99, %dma_start3A_100] : memref<5120x128xf32, #tpu.memory_space<vmem_shared>> -> memref<5120x128xf32, #tpu.memory_space<vmem_shared>>
        tpu.enqueue_indirect_dma source(%arg12 : memref<128x128xf32, #tpu.memory_space<vmem>>) target(%dma_start3A_101 : memref<5120x128xf32, #tpu.memory_space<vmem_shared>>) offsets(%dma_start3A_98 : memref<128xi32, #tpu.memory_space<vmem>>) semaphore(%run_scoped3A : memref<!tpu.dma_semaphore, #tpu.memory_space<semaphore_mem>>) {add = true}
        %dma_wait3A_102 = arith.constant 0 : i32
        %dma_wait3A_103 = tpu.memref_slice %arg9[%add3A_94, %dma_wait3A_102] : memref<160x128xi32, #tpu.memory_space<vmem>> -> memref<1x128xi32, #tpu.memory_space<vmem>>
        %dma_wait3A_104 = tpu.memref_squeeze %dma_wait3A_103 : memref<1x128xi32, #tpu.memory_space<vmem>> -> memref<128xi32, #tpu.memory_space<vmem>>
        %dma_wait3A_105 = arith.constant 0 : i32
        %dma_wait3A_106 = arith.constant 0 : i32
        %dma_wait3A_107 = tpu.memref_slice %arg13[%dma_wait3A_105, %dma_wait3A_106] : memref<5120x128xf32, #tpu.memory_space<vmem_shared>> -> memref<5120x128xf32, #tpu.memory_space<vmem_shared>>
        tpu.wait_indirect_dma semaphore(%run_scoped3A : memref<!tpu.dma_semaphore, #tpu.memory_space<semaphore_mem>>) src(%arg12 : memref<128x128xf32, #tpu.memory_space<vmem>>) dst(%dma_wait3A_107 : memref<5120x128xf32, #tpu.memory_space<vmem_shared>>)
        tpu.yield
      }) : () -> ()
      %while3A_95 = arith.constant 0 : i32
      scf.yield %while3A_95 : i32
    }
    %while3A_26 = arith.constant 1 : i32
    %while3A_27 = scf.for %while3A_60 = %while3A_23 to %while3A_19 step %while3A_26 iter_args(%while3A_61 = %while3A_25) -> (i32)  : i32 {
      %mul3A_62 = arith.constant 2 : i32
      %mul3A_63 = arith.muli %mul3A_62, %while3A_60 : i32
      %add3A = arith.constant 1 : i32
      %add3A_64 = arith.addi %mul3A_63, %add3A : i32
      %dma_start3A_65 = arith.constant 0 : i32
      %dma_start3A_66 = tpu.memref_slice %arg8[%add3A_64, %dma_start3A_65] : memref<160x128xi32, #tpu.memory_space<vmem>> -> memref<1x128xi32, #tpu.memory_space<vmem>>
      %dma_start3A_67 = tpu.memref_squeeze %dma_start3A_66 : memref<1x128xi32, #tpu.memory_space<vmem>> -> memref<128xi32, #tpu.memory_space<vmem>>
      %dma_start3A_68 = arith.constant 0 : i32
      %dma_start3A_69 = arith.constant 0 : i32
      %dma_start3A_70 = tpu.memref_slice %arg2[%dma_start3A_68, %dma_start3A_69] : memref<10000x128xf32, #tpu.memory_space<hbm>> -> memref<10000x128xf32, #tpu.memory_space<hbm>>
      tpu.enqueue_indirect_dma source(%dma_start3A_70 : memref<10000x128xf32, #tpu.memory_space<hbm>>) target(%arg12 : memref<128x128xf32, #tpu.memory_space<vmem>>) offsets(%dma_start3A_67 : memref<128xi32, #tpu.memory_space<vmem>>) semaphore(%arg15 : memref<!tpu.dma_semaphore, #tpu.memory_space<semaphore_mem>>)
      %dma_wait3A_71 = arith.constant 0 : i32
      %dma_wait3A_72 = tpu.memref_slice %arg8[%mul3A_63, %dma_wait3A_71] : memref<160x128xi32, #tpu.memory_space<vmem>> -> memref<1x128xi32, #tpu.memory_space<vmem>>
      %dma_wait3A_73 = tpu.memref_squeeze %dma_wait3A_72 : memref<1x128xi32, #tpu.memory_space<vmem>> -> memref<128xi32, #tpu.memory_space<vmem>>
      %dma_wait3A_74 = arith.constant 0 : i32
      %dma_wait3A_75 = arith.constant 0 : i32
      %dma_wait3A_76 = tpu.memref_slice %arg2[%dma_wait3A_74, %dma_wait3A_75] : memref<10000x128xf32, #tpu.memory_space<hbm>> -> memref<10000x128xf32, #tpu.memory_space<hbm>>
      tpu.wait_indirect_dma semaphore(%arg14 : memref<!tpu.dma_semaphore, #tpu.memory_space<semaphore_mem>>) src(%dma_wait3A_76 : memref<10000x128xf32, #tpu.memory_space<hbm>>) dst(%arg11 : memref<128x128xf32, #tpu.memory_space<vmem>>)
      "tpu.region"() ({
        %run_scoped3A = tpu.sem_alloc : memref<!tpu.dma_semaphore, #tpu.memory_space<semaphore_mem>>
        %dma_start3A_96 = arith.constant 0 : i32
        %dma_start3A_97 = tpu.memref_slice %arg9[%mul3A_63, %dma_start3A_96] : memref<160x128xi32, #tpu.memory_space<vmem>> -> memref<1x128xi32, #tpu.memory_space<vmem>>
        %dma_start3A_98 = tpu.memref_squeeze %dma_start3A_97 : memref<1x128xi32, #tpu.memory_space<vmem>> -> memref<128xi32, #tpu.memory_space<vmem>>
        %dma_start3A_99 = arith.constant 0 : i32
        %dma_start3A_100 = arith.constant 0 : i32
        %dma_start3A_101 = tpu.memref_slice %arg13[%dma_start3A_99, %dma_start3A_100] : memref<5120x128xf32, #tpu.memory_space<vmem_shared>> -> memref<5120x128xf32, #tpu.memory_space<vmem_shared>>
        tpu.enqueue_indirect_dma source(%arg11 : memref<128x128xf32, #tpu.memory_space<vmem>>) target(%dma_start3A_101 : memref<5120x128xf32, #tpu.memory_space<vmem_shared>>) offsets(%dma_start3A_98 : memref<128xi32, #tpu.memory_space<vmem>>) semaphore(%run_scoped3A : memref<!tpu.dma_semaphore, #tpu.memory_space<semaphore_mem>>) {add = true}
        %dma_wait3A_102 = arith.constant 0 : i32
        %dma_wait3A_103 = tpu.memref_slice %arg9[%mul3A_63, %dma_wait3A_102] : memref<160x128xi32, #tpu.memory_space<vmem>> -> memref<1x128xi32, #tpu.memory_space<vmem>>
        %dma_wait3A_104 = tpu.memref_squeeze %dma_wait3A_103 : memref<1x128xi32, #tpu.memory_space<vmem>> -> memref<128xi32, #tpu.memory_space<vmem>>
        %dma_wait3A_105 = arith.constant 0 : i32
        %dma_wait3A_106 = arith.constant 0 : i32
        %dma_wait3A_107 = tpu.memref_slice %arg13[%dma_wait3A_105, %dma_wait3A_106] : memref<5120x128xf32, #tpu.memory_space<vmem_shared>> -> memref<5120x128xf32, #tpu.memory_space<vmem_shared>>
        tpu.wait_indirect_dma semaphore(%run_scoped3A : memref<!tpu.dma_semaphore, #tpu.memory_space<semaphore_mem>>) src(%arg11 : memref<128x128xf32, #tpu.memory_space<vmem>>) dst(%dma_wait3A_107 : memref<5120x128xf32, #tpu.memory_space<vmem_shared>>)
        tpu.yield
      }) : () -> ()
      %add3A_77 = arith.constant 2 : i32
      %add3A_78 = arith.addi %mul3A_63, %add3A_77 : i32
      %dma_start3A_79 = arith.constant 0 : i32
      %dma_start3A_80 = tpu.memref_slice %arg8[%add3A_78, %dma_start3A_79] : memref<160x128xi32, #tpu.memory_space<vmem>> -> memref<1x128xi32, #tpu.memory_space<vmem>>
      %dma_start3A_81 = tpu.memref_squeeze %dma_start3A_80 : memref<1x128xi32, #tpu.memory_space<vmem>> -> memref<128xi32, #tpu.memory_space<vmem>>
      %dma_start3A_82 = arith.constant 0 : i32
      %dma_start3A_83 = arith.constant 0 : i32
      %dma_start3A_84 = tpu.memref_slice %arg2[%dma_start3A_82, %dma_start3A_83] : memref<10000x128xf32, #tpu.memory_space<hbm>> -> memref<10000x128xf32, #tpu.memory_space<hbm>>
      tpu.enqueue_indirect_dma source(%dma_start3A_84 : memref<10000x128xf32, #tpu.memory_space<hbm>>) target(%arg11 : memref<128x128xf32, #tpu.memory_space<vmem>>) offsets(%dma_start3A_81 : memref<128xi32, #tpu.memory_space<vmem>>) semaphore(%arg14 : memref<!tpu.dma_semaphore, #tpu.memory_space<semaphore_mem>>)
      %add3A_85 = arith.constant 1 : i32
      %add3A_86 = arith.addi %mul3A_63, %add3A_85 : i32
      %dma_wait3A_87 = arith.constant 0 : i32
      %dma_wait3A_88 = tpu.memref_slice %arg8[%add3A_86, %dma_wait3A_87] : memref<160x128xi32, #tpu.memory_space<vmem>> -> memref<1x128xi32, #tpu.memory_space<vmem>>
      %dma_wait3A_89 = tpu.memref_squeeze %dma_wait3A_88 : memref<1x128xi32, #tpu.memory_space<vmem>> -> memref<128xi32, #tpu.memory_space<vmem>>
      %dma_wait3A_90 = arith.constant 0 : i32
      %dma_wait3A_91 = arith.constant 0 : i32
      %dma_wait3A_92 = tpu.memref_slice %arg2[%dma_wait3A_90, %dma_wait3A_91] : memref<10000x128xf32, #tpu.memory_space<hbm>> -> memref<10000x128xf32, #tpu.memory_space<hbm>>
      tpu.wait_indirect_dma semaphore(%arg15 : memref<!tpu.dma_semaphore, #tpu.memory_space<semaphore_mem>>) src(%dma_wait3A_92 : memref<10000x128xf32, #tpu.memory_space<hbm>>) dst(%arg12 : memref<128x128xf32, #tpu.memory_space<vmem>>)
      %add3A_93 = arith.constant 1 : i32
      %add3A_94 = arith.addi %mul3A_63, %add3A_93 : i32
      "tpu.region"() ({
        %run_scoped3A = tpu.sem_alloc : memref<!tpu.dma_semaphore, #tpu.memory_space<semaphore_mem>>
        %dma_start3A_96 = arith.constant 0 : i32
        %dma_start3A_97 = tpu.memref_slice %arg9[%add3A_94, %dma_start3A_96] : memref<160x128xi32, #tpu.memory_space<vmem>> -> memref<1x128xi32, #tpu.memory_space<vmem>>
        %dma_start3A_98 = tpu.memref_squeeze %dma_start3A_97 : memref<1x128xi32, #tpu.memory_space<vmem>> -> memref<128xi32, #tpu.memory_space<vmem>>
        %dma_start3A_99 = arith.constant 0 : i32
        %dma_start3A_100 = arith.constant 0 : i32
        %dma_start3A_101 = tpu.memref_slice %arg13[%dma_start3A_99, %dma_start3A_100] : memref<5120x128xf32, #tpu.memory_space<vmem_shared>> -> memref<5120x128xf32, #tpu.memory_space<vmem_shared>>
        tpu.enqueue_indirect_dma source(%arg12 : memref<128x128xf32, #tpu.memory_space<vmem>>) target(%dma_start3A_101 : memref<5120x128xf32, #tpu.memory_space<vmem_shared>>) offsets(%dma_start3A_98 : memref<128xi32, #tpu.memory_space<vmem>>) semaphore(%run_scoped3A : memref<!tpu.dma_semaphore, #tpu.memory_space<semaphore_mem>>) {add = true}
        %dma_wait3A_102 = arith.constant 0 : i32
        %dma_wait3A_103 = tpu.memref_slice %arg9[%add3A_94, %dma_wait3A_102] : memref<160x128xi32, #tpu.memory_space<vmem>> -> memref<1x128xi32, #tpu.memory_space<vmem>>
        %dma_wait3A_104 = tpu.memref_squeeze %dma_wait3A_103 : memref<1x128xi32, #tpu.memory_space<vmem>> -> memref<128xi32, #tpu.memory_space<vmem>>
        %dma_wait3A_105 = arith.constant 0 : i32
        %dma_wait3A_106 = arith.constant 0 : i32
        %dma_wait3A_107 = tpu.memref_slice %arg13[%dma_wait3A_105, %dma_wait3A_106] : memref<5120x128xf32, #tpu.memory_space<vmem_shared>> -> memref<5120x128xf32, #tpu.memory_space<vmem_shared>>
        tpu.wait_indirect_dma semaphore(%run_scoped3A : memref<!tpu.dma_semaphore, #tpu.memory_space<semaphore_mem>>) src(%arg12 : memref<128x128xf32, #tpu.memory_space<vmem>>) dst(%dma_wait3A_107 : memref<5120x128xf32, #tpu.memory_space<vmem_shared>>)
        tpu.yield
      }) : () -> ()
      %while3A_95 = arith.constant 0 : i32
      scf.yield %while3A_95 : i32
    }
    %sub3A_28 = arith.constant 1 : i32
    %sub3A_29 = arith.subi %reduce_max3A_8, %sub3A_28 : i32
    %dma_start3A_30 = arith.constant 0 : i32
    %dma_start3A_31 = tpu.memref_slice %arg8[%sub3A_29, %dma_start3A_30] : memref<160x128xi32, #tpu.memory_space<vmem>> -> memref<1x128xi32, #tpu.memory_space<vmem>>
    %dma_start3A_32 = tpu.memref_squeeze %dma_start3A_31 : memref<1x128xi32, #tpu.memory_space<vmem>> -> memref<128xi32, #tpu.memory_space<vmem>>
    %dma_start3A_33 = arith.constant 0 : i32
    %dma_start3A_34 = arith.constant 0 : i32
    %dma_start3A_35 = tpu.memref_slice %arg2[%dma_start3A_33, %dma_start3A_34] : memref<10000x128xf32, #tpu.memory_space<hbm>> -> memref<10000x128xf32, #tpu.memory_space<hbm>>
    tpu.enqueue_indirect_dma source(%dma_start3A_35 : memref<10000x128xf32, #tpu.memory_space<hbm>>) target(%arg12 : memref<128x128xf32, #tpu.memory_space<vmem>>) offsets(%dma_start3A_32 : memref<128xi32, #tpu.memory_space<vmem>>) semaphore(%arg15 : memref<!tpu.dma_semaphore, #tpu.memory_space<semaphore_mem>>)
    %sub3A_36 = arith.constant 2 : i32
    %sub3A_37 = arith.subi %reduce_max3A_8, %sub3A_36 : i32
    %dma_wait3A = arith.constant 0 : i32
    %dma_wait3A_38 = tpu.memref_slice %arg8[%sub3A_37, %dma_wait3A] : memref<160x128xi32, #tpu.memory_space<vmem>> -> memref<1x128xi32, #tpu.memory_space<vmem>>
    %dma_wait3A_39 = tpu.memref_squeeze %dma_wait3A_38 : memref<1x128xi32, #tpu.memory_space<vmem>> -> memref<128xi32, #tpu.memory_space<vmem>>
    %dma_wait3A_40 = arith.constant 0 : i32
    %dma_wait3A_41 = arith.constant 0 : i32
    %dma_wait3A_42 = tpu.memref_slice %arg2[%dma_wait3A_40, %dma_wait3A_41] : memref<10000x128xf32, #tpu.memory_space<hbm>> -> memref<10000x128xf32, #tpu.memory_space<hbm>>
    tpu.wait_indirect_dma semaphore(%arg14 : memref<!tpu.dma_semaphore, #tpu.memory_space<semaphore_mem>>) src(%dma_wait3A_42 : memref<10000x128xf32, #tpu.memory_space<hbm>>) dst(%arg11 : memref<128x128xf32, #tpu.memory_space<vmem>>)
    %sub3A_43 = arith.constant 2 : i32
    %sub3A_44 = arith.subi %reduce_max3A_8, %sub3A_43 : i32
    "tpu.region"() ({
      %run_scoped3A = tpu.sem_alloc : memref<!tpu.dma_semaphore, #tpu.memory_space<semaphore_mem>>
      %dma_start3A_60 = arith.constant 0 : i32
      %dma_start3A_61 = tpu.memref_slice %arg9[%sub3A_44, %dma_start3A_60] : memref<160x128xi32, #tpu.memory_space<vmem>> -> memref<1x128xi32, #tpu.memory_space<vmem>>
      %dma_start3A_62 = tpu.memref_squeeze %dma_start3A_61 : memref<1x128xi32, #tpu.memory_space<vmem>> -> memref<128xi32, #tpu.memory_space<vmem>>
      %dma_start3A_63 = arith.constant 0 : i32
      %dma_start3A_64 = arith.constant 0 : i32
      %dma_start3A_65 = tpu.memref_slice %arg13[%dma_start3A_63, %dma_start3A_64] : memref<5120x128xf32, #tpu.memory_space<vmem_shared>> -> memref<5120x128xf32, #tpu.memory_space<vmem_shared>>
      tpu.enqueue_indirect_dma source(%arg11 : memref<128x128xf32, #tpu.memory_space<vmem>>) target(%dma_start3A_65 : memref<5120x128xf32, #tpu.memory_space<vmem_shared>>) offsets(%dma_start3A_62 : memref<128xi32, #tpu.memory_space<vmem>>) semaphore(%run_scoped3A : memref<!tpu.dma_semaphore, #tpu.memory_space<semaphore_mem>>) {add = true}
      %dma_wait3A_66 = arith.constant 0 : i32
      %dma_wait3A_67 = tpu.memref_slice %arg9[%sub3A_44, %dma_wait3A_66] : memref<160x128xi32, #tpu.memory_space<vmem>> -> memref<1x128xi32, #tpu.memory_space<vmem>>
      %dma_wait3A_68 = tpu.memref_squeeze %dma_wait3A_67 : memref<1x128xi32, #tpu.memory_space<vmem>> -> memref<128xi32, #tpu.memory_space<vmem>>
      %dma_wait3A_69 = arith.constant 0 : i32
      %dma_wait3A_70 = arith.constant 0 : i32
      %dma_wait3A_71 = tpu.memref_slice %arg13[%dma_wait3A_69, %dma_wait3A_70] : memref<5120x128xf32, #tpu.memory_space<vmem_shared>> -> memref<5120x128xf32, #tpu.memory_space<vmem_shared>>
      tpu.wait_indirect_dma semaphore(%run_scoped3A : memref<!tpu.dma_semaphore, #tpu.memory_space<semaphore_mem>>) src(%arg11 : memref<128x128xf32, #tpu.memory_space<vmem>>) dst(%dma_wait3A_71 : memref<5120x128xf32, #tpu.memory_space<vmem_shared>>)
      tpu.yield
    }) : () -> ()
    %sub3A_45 = arith.constant 1 : i32
    %sub3A_46 = arith.subi %reduce_max3A_8, %sub3A_45 : i32
    %dma_wait3A_47 = arith.constant 0 : i32
    %dma_wait3A_48 = tpu.memref_slice %arg8[%sub3A_46, %dma_wait3A_47] : memref<160x128xi32, #tpu.memory_space<vmem>> -> memref<1x128xi32, #tpu.memory_space<vmem>>
    %dma_wait3A_49 = tpu.memref_squeeze %dma_wait3A_48 : memref<1x128xi32, #tpu.memory_space<vmem>> -> memref<128xi32, #tpu.memory_space<vmem>>
    %dma_wait3A_50 = arith.constant 0 : i32
    %dma_wait3A_51 = arith.constant 0 : i32
    %dma_wait3A_52 = tpu.memref_slice %arg2[%dma_wait3A_50, %dma_wait3A_51] : memref<10000x128xf32, #tpu.memory_space<hbm>> -> memref<10000x128xf32, #tpu.memory_space<hbm>>
    tpu.wait_indirect_dma semaphore(%arg15 : memref<!tpu.dma_semaphore, #tpu.memory_space<semaphore_mem>>) src(%dma_wait3A_52 : memref<10000x128xf32, #tpu.memory_space<hbm>>) dst(%arg12 : memref<128x128xf32, #tpu.memory_space<vmem>>)
    %sub3A_53 = arith.constant 1 : i32
    %sub3A_54 = arith.subi %reduce_max3A_8, %sub3A_53 : i32
    "tpu.region"() ({
      %run_scoped3A = tpu.sem_alloc : memref<!tpu.dma_semaphore, #tpu.memory_space<semaphore_mem>>
      %dma_start3A_60 = arith.constant 0 : i32
      %dma_start3A_61 = tpu.memref_slice %arg9[%sub3A_54, %dma_start3A_60] : memref<160x128xi32, #tpu.memory_space<vmem>> -> memref<1x128xi32, #tpu.memory_space<vmem>>
      %dma_start3A_62 = tpu.memref_squeeze %dma_start3A_61 : memref<1x128xi32, #tpu.memory_space<vmem>> -> memref<128xi32, #tpu.memory_space<vmem>>
      %dma_start3A_63 = arith.constant 0 : i32
      %dma_start3A_64 = arith.constant 0 : i32
      %dma_start3A_65 = tpu.memref_slice %arg13[%dma_start3A_63, %dma_start3A_64] : memref<5120x128xf32, #tpu.memory_space<vmem_shared>> -> memref<5120x128xf32, #tpu.memory_space<vmem_shared>>
      tpu.enqueue_indirect_dma source(%arg12 : memref<128x128xf32, #tpu.memory_space<vmem>>) target(%dma_start3A_65 : memref<5120x128xf32, #tpu.memory_space<vmem_shared>>) offsets(%dma_start3A_62 : memref<128xi32, #tpu.memory_space<vmem>>) semaphore(%run_scoped3A : memref<!tpu.dma_semaphore, #tpu.memory_space<semaphore_mem>>) {add = true}
      %dma_wait3A_66 = arith.constant 0 : i32
      %dma_wait3A_67 = tpu.memref_slice %arg9[%sub3A_54, %dma_wait3A_66] : memref<160x128xi32, #tpu.memory_space<vmem>> -> memref<1x128xi32, #tpu.memory_space<vmem>>
      %dma_wait3A_68 = tpu.memref_squeeze %dma_wait3A_67 : memref<1x128xi32, #tpu.memory_space<vmem>> -> memref<128xi32, #tpu.memory_space<vmem>>
      %dma_wait3A_69 = arith.constant 0 : i32
      %dma_wait3A_70 = arith.constant 0 : i32
      %dma_wait3A_71 = tpu.memref_slice %arg13[%dma_wait3A_69, %dma_wait3A_70] : memref<5120x128xf32, #tpu.memory_space<vmem_shared>> -> memref<5120x128xf32, #tpu.memory_space<vmem_shared>>
      tpu.wait_indirect_dma semaphore(%run_scoped3A : memref<!tpu.dma_semaphore, #tpu.memory_space<semaphore_mem>>) src(%arg12 : memref<128x128xf32, #tpu.memory_space<vmem>>) dst(%dma_wait3A_71 : memref<5120x128xf32, #tpu.memory_space<vmem_shared>>)
      tpu.yield
    }) : () -> ()
    %barrier3A_55 = arith.constant 0 : index
    tpu.barrier barrier_id(%barrier3A_55)
    %mul3A_56 = arith.constant 320 : i32
    %mul3A_57 = arith.muli %arg1, %mul3A_56 : i32
    %mul3A_58 = arith.constant 320 : i32
    %mul3A_59 = arith.muli %arg1, %mul3A_58 : i32
    "tpu.region"() ({
      %run_scoped3A = tpu.sem_alloc : memref<!tpu.dma_semaphore, #tpu.memory_space<semaphore_mem>>
      %dma_start3A_60 = arith.constant 0 : i32
      %dma_start3A_61 = tpu.memref_slice %arg7[%arg0, %mul3A_59, %dma_start3A_60] : memref<2x5120x128xf32, #tpu.memory_space<hbm>> -> memref<1x320x128xf32, #tpu.memory_space<hbm>>
      %dma_start3A_62 = tpu.memref_squeeze %dma_start3A_61 : memref<1x320x128xf32, #tpu.memory_space<hbm>> -> memref<320x128xf32, #tpu.memory_space<hbm>>
      %dma_start3A_63 = arith.constant 0 : i32
      %dma_start3A_64 = tpu.memref_slice %arg13[%mul3A_57, %dma_start3A_63] : memref<5120x128xf32, #tpu.memory_space<vmem_shared>> -> memref<320x128xf32, #tpu.memory_space<vmem_shared>>
      tpu.enqueue_dma source(%dma_start3A_64 : memref<320x128xf32, #tpu.memory_space<vmem_shared>>) target(%dma_start3A_62 : memref<320x128xf32, #tpu.memory_space<hbm>>) target_semaphore(%run_scoped3A : memref<!tpu.dma_semaphore, #tpu.memory_space<semaphore_mem>>)
      %dma_wait3A_65 = arith.constant 0 : i32
      %dma_wait3A_66 = tpu.memref_slice %arg7[%arg0, %mul3A_59, %dma_wait3A_65] : memref<2x5120x128xf32, #tpu.memory_space<hbm>> -> memref<1x320x128xf32, #tpu.memory_space<hbm>>
      %dma_wait3A_67 = tpu.memref_squeeze %dma_wait3A_66 : memref<1x320x128xf32, #tpu.memory_space<hbm>> -> memref<320x128xf32, #tpu.memory_space<hbm>>
      %dma_wait3A_68 = arith.constant 0 : i32
      %dma_wait3A_69 = tpu.memref_slice %arg13[%mul3A_57, %dma_wait3A_68] : memref<5120x128xf32, #tpu.memory_space<vmem_shared>> -> memref<320x128xf32, #tpu.memory_space<vmem_shared>>
      tpu.wait_dma2 semaphore(%run_scoped3A : memref<!tpu.dma_semaphore, #tpu.memory_space<semaphore_mem>>) src(%dma_wait3A_69 : memref<320x128xf32, #tpu.memory_space<vmem_shared>>) dst(%dma_wait3A_67 : memref<320x128xf32, #tpu.memory_space<hbm>>)
      tpu.yield
    }) : () -> ()
    return
  }
}

#map = affine_map<(d0, d1) -> (0, 0, 0, 0)>
#map1 = affine_map<(d0, d1) -> (0, 0, 0)>
#map2 = affine_map<(d0, d1) -> (0, 0)>
module attributes {stable_mosaic.version = 14 : i64} {
  func.func @_sc_degree_body(%arg0: i32, %arg1: i32, %arg2: memref<2x16x160x128xi32, #tpu.memory_space<hbm>>, %arg3: memref<2x16x128xi32, #tpu.memory_space<hbm>>, %arg4: memref<320x128xf32, #tpu.memory_space<hbm>>, %arg5: memref<128x128xf32, #tpu.memory_space<hbm>>, %arg6: memref<2x5120x128xf32, #tpu.memory_space<hbm>>, %arg7: memref<160x128xi32, #tpu.memory_space<vmem>>, %arg8: memref<128xi32, #tpu.memory_space<vmem>>, %arg9: memref<128x128xf32, #tpu.memory_space<vmem>>, %arg10: memref<5120x128xf32, #tpu.memory_space<vmem_shared>>, %arg11: memref<!tpu.dma_semaphore, #tpu.memory_space<semaphore_mem>>) attributes {dimension_semantics = [#tpu.dimension_semantics<core_parallel>, #tpu.dimension_semantics<subcore_parallel>], iteration_bounds = array<i64: 2, 16>, scalar_prefetch = 0 : i64, scratch_operands = 5 : i64, tpu.core_type = #tpu.core_type<sc_vector_subcore>, window_params = [{transform_indices = #map}, {transform_indices = #map1}, {transform_indices = #map2}, {transform_indices = #map2}, {transform_indices = #map1}]} {
    %mul3A = arith.constant 320 : i32
    %mul3A_0 = arith.muli %arg1, %mul3A : i32
    "tpu.region"() ({
      %run_scoped3A = tpu.sem_alloc : memref<!tpu.dma_semaphore, #tpu.memory_space<semaphore_mem>>
      %dma_start3A = arith.constant 0 : i32
      %dma_start3A_25 = tpu.memref_slice %arg10[%mul3A_0, %dma_start3A] : memref<5120x128xf32, #tpu.memory_space<vmem_shared>> -> memref<320x128xf32, #tpu.memory_space<vmem_shared>>
      tpu.enqueue_dma source(%arg4 : memref<320x128xf32, #tpu.memory_space<hbm>>) target(%dma_start3A_25 : memref<320x128xf32, #tpu.memory_space<vmem_shared>>) target_semaphore(%run_scoped3A : memref<!tpu.dma_semaphore, #tpu.memory_space<semaphore_mem>>)
      %dma_wait3A = arith.constant 0 : i32
      %dma_wait3A_26 = tpu.memref_slice %arg10[%mul3A_0, %dma_wait3A] : memref<5120x128xf32, #tpu.memory_space<vmem_shared>> -> memref<320x128xf32, #tpu.memory_space<vmem_shared>>
      tpu.wait_dma2 semaphore(%run_scoped3A : memref<!tpu.dma_semaphore, #tpu.memory_space<semaphore_mem>>) src(%arg4 : memref<320x128xf32, #tpu.memory_space<hbm>>) dst(%dma_wait3A_26 : memref<320x128xf32, #tpu.memory_space<vmem_shared>>)
      tpu.yield
    }) : () -> ()
    "tpu.region"() ({
      %run_scoped3A = tpu.sem_alloc : memref<!tpu.dma_semaphore, #tpu.memory_space<semaphore_mem>>
      %dma_start3A = arith.constant 0 : i32
      %dma_start3A_25 = arith.constant 0 : i32
      %dma_start3A_26 = tpu.memref_slice %arg2[%arg0, %arg1, %dma_start3A, %dma_start3A_25] : memref<2x16x160x128xi32, #tpu.memory_space<hbm>> -> memref<1x1x160x128xi32, #tpu.memory_space<hbm>>
      %dma_start3A_27 = tpu.memref_squeeze %dma_start3A_26 : memref<1x1x160x128xi32, #tpu.memory_space<hbm>> -> memref<160x128xi32, #tpu.memory_space<hbm>>
      %dma_start3A_28 = arith.constant 0 : i32
      %dma_start3A_29 = arith.constant 0 : i32
      %dma_start3A_30 = tpu.memref_slice %arg2[%arg0, %arg1, %dma_start3A_28, %dma_start3A_29] : memref<2x16x160x128xi32, #tpu.memory_space<hbm>> -> memref<1x1x160x128xi32, #tpu.memory_space<hbm>>
      %dma_start3A_31 = tpu.memref_squeeze %dma_start3A_30 : memref<1x1x160x128xi32, #tpu.memory_space<hbm>> -> memref<160x128xi32, #tpu.memory_space<hbm>>
      tpu.enqueue_dma source(%dma_start3A_31 : memref<160x128xi32, #tpu.memory_space<hbm>>) target(%arg7 : memref<160x128xi32, #tpu.memory_space<vmem>>) target_semaphore(%run_scoped3A : memref<!tpu.dma_semaphore, #tpu.memory_space<semaphore_mem>>)
      %dma_wait3A = arith.constant 0 : i32
      %dma_wait3A_32 = arith.constant 0 : i32
      %dma_wait3A_33 = tpu.memref_slice %arg2[%arg0, %arg1, %dma_wait3A, %dma_wait3A_32] : memref<2x16x160x128xi32, #tpu.memory_space<hbm>> -> memref<1x1x160x128xi32, #tpu.memory_space<hbm>>
      %dma_wait3A_34 = tpu.memref_squeeze %dma_wait3A_33 : memref<1x1x160x128xi32, #tpu.memory_space<hbm>> -> memref<160x128xi32, #tpu.memory_space<hbm>>
      %dma_wait3A_35 = arith.constant 0 : i32
      %dma_wait3A_36 = arith.constant 0 : i32
      %dma_wait3A_37 = tpu.memref_slice %arg2[%arg0, %arg1, %dma_wait3A_35, %dma_wait3A_36] : memref<2x16x160x128xi32, #tpu.memory_space<hbm>> -> memref<1x1x160x128xi32, #tpu.memory_space<hbm>>
      %dma_wait3A_38 = tpu.memref_squeeze %dma_wait3A_37 : memref<1x1x160x128xi32, #tpu.memory_space<hbm>> -> memref<160x128xi32, #tpu.memory_space<hbm>>
      tpu.wait_dma2 semaphore(%run_scoped3A : memref<!tpu.dma_semaphore, #tpu.memory_space<semaphore_mem>>) src(%dma_wait3A_38 : memref<160x128xi32, #tpu.memory_space<hbm>>) dst(%arg7 : memref<160x128xi32, #tpu.memory_space<vmem>>)
      tpu.yield
    }) : () -> ()
    "tpu.region"() ({
      %run_scoped3A = tpu.sem_alloc : memref<!tpu.dma_semaphore, #tpu.memory_space<semaphore_mem>>
      %dma_start3A = arith.constant 0 : i32
      %dma_start3A_25 = tpu.memref_slice %arg3[%arg0, %arg1, %dma_start3A] : memref<2x16x128xi32, #tpu.memory_space<hbm>> -> memref<1x1x128xi32, #tpu.memory_space<hbm>>
      %dma_start3A_26 = tpu.memref_squeeze %dma_start3A_25 : memref<1x1x128xi32, #tpu.memory_space<hbm>> -> memref<128xi32, #tpu.memory_space<hbm>>
      %dma_start3A_27 = arith.constant 0 : i32
      %dma_start3A_28 = tpu.memref_slice %arg3[%arg0, %arg1, %dma_start3A_27] : memref<2x16x128xi32, #tpu.memory_space<hbm>> -> memref<1x1x128xi32, #tpu.memory_space<hbm>>
      %dma_start3A_29 = tpu.memref_squeeze %dma_start3A_28 : memref<1x1x128xi32, #tpu.memory_space<hbm>> -> memref<128xi32, #tpu.memory_space<hbm>>
      tpu.enqueue_dma source(%dma_start3A_29 : memref<128xi32, #tpu.memory_space<hbm>>) target(%arg8 : memref<128xi32, #tpu.memory_space<vmem>>) target_semaphore(%run_scoped3A : memref<!tpu.dma_semaphore, #tpu.memory_space<semaphore_mem>>)
      %dma_wait3A = arith.constant 0 : i32
      %dma_wait3A_30 = tpu.memref_slice %arg3[%arg0, %arg1, %dma_wait3A] : memref<2x16x128xi32, #tpu.memory_space<hbm>> -> memref<1x1x128xi32, #tpu.memory_space<hbm>>
      %dma_wait3A_31 = tpu.memref_squeeze %dma_wait3A_30 : memref<1x1x128xi32, #tpu.memory_space<hbm>> -> memref<128xi32, #tpu.memory_space<hbm>>
      %dma_wait3A_32 = arith.constant 0 : i32
      %dma_wait3A_33 = tpu.memref_slice %arg3[%arg0, %arg1, %dma_wait3A_32] : memref<2x16x128xi32, #tpu.memory_space<hbm>> -> memref<1x1x128xi32, #tpu.memory_space<hbm>>
      %dma_wait3A_34 = tpu.memref_squeeze %dma_wait3A_33 : memref<1x1x128xi32, #tpu.memory_space<hbm>> -> memref<128xi32, #tpu.memory_space<hbm>>
      tpu.wait_dma2 semaphore(%run_scoped3A : memref<!tpu.dma_semaphore, #tpu.memory_space<semaphore_mem>>) src(%dma_wait3A_34 : memref<128xi32, #tpu.memory_space<hbm>>) dst(%arg8 : memref<128xi32, #tpu.memory_space<vmem>>)
      tpu.yield
    }) : () -> ()
    "tpu.region"() ({
      %run_scoped3A = tpu.sem_alloc : memref<!tpu.dma_semaphore, #tpu.memory_space<semaphore_mem>>
      tpu.enqueue_dma source(%arg5 : memref<128x128xf32, #tpu.memory_space<hbm>>) target(%arg9 : memref<128x128xf32, #tpu.memory_space<vmem>>) target_semaphore(%run_scoped3A : memref<!tpu.dma_semaphore, #tpu.memory_space<semaphore_mem>>)
      tpu.wait_dma2 semaphore(%run_scoped3A : memref<!tpu.dma_semaphore, #tpu.memory_space<semaphore_mem>>) src(%arg5 : memref<128x128xf32, #tpu.memory_space<hbm>>) dst(%arg9 : memref<128x128xf32, #tpu.memory_space<vmem>>)
      tpu.yield
    }) : () -> ()
    %barrier3A = arith.constant 0 : index
    tpu.barrier barrier_id(%barrier3A)
    %get3A = arith.constant 0 : index
    %get3A_1 = tpu.vector_load %arg8[%get3A] {strides = array<i32>} : memref<128xi32, #tpu.memory_space<vmem>>, vector<16xi32>,
    %reduce_max3A = arith.constant true
    %reduce_max3A_2 = vector.broadcast %reduce_max3A : i1 to vector<16xi1>
    %reduce_max3A_3 = arith.constant -2147483648 : i32
    %reduce_max3A_4 = vector.broadcast %reduce_max3A_3 : i32 to vector<16xi32>
    %reduce_max3A_5 = arith.xori %get3A_1, %reduce_max3A_4 : vector<16xi32>
    %reduce_max3A_6 = tpu.scan <max>, %reduce_max3A_5 masked %reduce_max3A_2 : vector<16xi32>, vector<16xi1> -> vector<16xi32>
    %reduce_max3A_7 = arith.xori %reduce_max3A_6, %reduce_max3A_4 : vector<16xi32>
    %reduce_max3A_8 = vector.extract %reduce_max3A_7[15] : i32 from vector<16xi32>
    %while3A = arith.constant 0 : i32
    %while3A_9 = arith.constant 0 : i32
    %while3A_10 = arith.subi %reduce_max3A_8, %while3A : i32
    %while3A_11 = arith.addi %while3A, %while3A_10 : i32
    %while3A_12 = arith.constant 1 : i32
    %while3A_13 = arith.divsi %while3A_10, %while3A_12 : i32
    %while3A_14 = arith.muli %while3A_13, %while3A_12 : i32
    %while3A_15 = arith.addi %while3A, %while3A_14 : i32
    %while3A_16 = arith.constant 1 : i32
    %while3A_17 = scf.for %while3A_25 = %while3A to %while3A_15 step %while3A_16 iter_args(%while3A_26 = %while3A_9) -> (i32)  : i32 {
      "tpu.region"() ({
        %run_scoped3A = tpu.sem_alloc : memref<!tpu.dma_semaphore, #tpu.memory_space<semaphore_mem>>
        %dma_start3A = arith.constant 0 : i32
        %dma_start3A_28 = tpu.memref_slice %arg7[%while3A_25, %dma_start3A] : memref<160x128xi32, #tpu.memory_space<vmem>> -> memref<1x128xi32, #tpu.memory_space<vmem>>
        %dma_start3A_29 = tpu.memref_squeeze %dma_start3A_28 : memref<1x128xi32, #tpu.memory_space<vmem>> -> memref<128xi32, #tpu.memory_space<vmem>>
        %dma_start3A_30 = arith.constant 0 : i32
        %dma_start3A_31 = arith.constant 0 : i32
        %dma_start3A_32 = tpu.memref_slice %arg10[%dma_start3A_30, %dma_start3A_31] : memref<5120x128xf32, #tpu.memory_space<vmem_shared>> -> memref<5120x128xf32, #tpu.memory_space<vmem_shared>>
        tpu.enqueue_indirect_dma source(%arg9 : memref<128x128xf32, #tpu.memory_space<vmem>>) target(%dma_start3A_32 : memref<5120x128xf32, #tpu.memory_space<vmem_shared>>) offsets(%dma_start3A_29 : memref<128xi32, #tpu.memory_space<vmem>>) semaphore(%run_scoped3A : memref<!tpu.dma_semaphore, #tpu.memory_space<semaphore_mem>>) {add = true}
        %dma_wait3A = arith.constant 0 : i32
        %dma_wait3A_33 = tpu.memref_slice %arg7[%while3A_25, %dma_wait3A] : memref<160x128xi32, #tpu.memory_space<vmem>> -> memref<1x128xi32, #tpu.memory_space<vmem>>
        %dma_wait3A_34 = tpu.memref_squeeze %dma_wait3A_33 : memref<1x128xi32, #tpu.memory_space<vmem>> -> memref<128xi32, #tpu.memory_space<vmem>>
        %dma_wait3A_35 = arith.constant 0 : i32
        %dma_wait3A_36 = arith.constant 0 : i32
        %dma_wait3A_37 = tpu.memref_slice %arg10[%dma_wait3A_35, %dma_wait3A_36] : memref<5120x128xf32, #tpu.memory_space<vmem_shared>> -> memref<5120x128xf32, #tpu.memory_space<vmem_shared>>
        tpu.wait_indirect_dma semaphore(%run_scoped3A : memref<!tpu.dma_semaphore, #tpu.memory_space<semaphore_mem>>) src(%arg9 : memref<128x128xf32, #tpu.memory_space<vmem>>) dst(%dma_wait3A_37 : memref<5120x128xf32, #tpu.memory_space<vmem_shared>>)
        tpu.yield
      }) : () -> ()
      %while3A_27 = arith.constant 0 : i32
      scf.yield %while3A_27 : i32
    }
    %while3A_18 = arith.constant 1 : i32
    %while3A_19 = scf.for %while3A_25 = %while3A_15 to %while3A_11 step %while3A_18 iter_args(%while3A_26 = %while3A_17) -> (i32)  : i32 {
      "tpu.region"() ({
        %run_scoped3A = tpu.sem_alloc : memref<!tpu.dma_semaphore, #tpu.memory_space<semaphore_mem>>
        %dma_start3A = arith.constant 0 : i32
        %dma_start3A_28 = tpu.memref_slice %arg7[%while3A_25, %dma_start3A] : memref<160x128xi32, #tpu.memory_space<vmem>> -> memref<1x128xi32, #tpu.memory_space<vmem>>
        %dma_start3A_29 = tpu.memref_squeeze %dma_start3A_28 : memref<1x128xi32, #tpu.memory_space<vmem>> -> memref<128xi32, #tpu.memory_space<vmem>>
        %dma_start3A_30 = arith.constant 0 : i32
        %dma_start3A_31 = arith.constant 0 : i32
        %dma_start3A_32 = tpu.memref_slice %arg10[%dma_start3A_30, %dma_start3A_31] : memref<5120x128xf32, #tpu.memory_space<vmem_shared>> -> memref<5120x128xf32, #tpu.memory_space<vmem_shared>>
        tpu.enqueue_indirect_dma source(%arg9 : memref<128x128xf32, #tpu.memory_space<vmem>>) target(%dma_start3A_32 : memref<5120x128xf32, #tpu.memory_space<vmem_shared>>) offsets(%dma_start3A_29 : memref<128xi32, #tpu.memory_space<vmem>>) semaphore(%run_scoped3A : memref<!tpu.dma_semaphore, #tpu.memory_space<semaphore_mem>>) {add = true}
        %dma_wait3A = arith.constant 0 : i32
        %dma_wait3A_33 = tpu.memref_slice %arg7[%while3A_25, %dma_wait3A] : memref<160x128xi32, #tpu.memory_space<vmem>> -> memref<1x128xi32, #tpu.memory_space<vmem>>
        %dma_wait3A_34 = tpu.memref_squeeze %dma_wait3A_33 : memref<1x128xi32, #tpu.memory_space<vmem>> -> memref<128xi32, #tpu.memory_space<vmem>>
        %dma_wait3A_35 = arith.constant 0 : i32
        %dma_wait3A_36 = arith.constant 0 : i32
        %dma_wait3A_37 = tpu.memref_slice %arg10[%dma_wait3A_35, %dma_wait3A_36] : memref<5120x128xf32, #tpu.memory_space<vmem_shared>> -> memref<5120x128xf32, #tpu.memory_space<vmem_shared>>
        tpu.wait_indirect_dma semaphore(%run_scoped3A : memref<!tpu.dma_semaphore, #tpu.memory_space<semaphore_mem>>) src(%arg9 : memref<128x128xf32, #tpu.memory_space<vmem>>) dst(%dma_wait3A_37 : memref<5120x128xf32, #tpu.memory_space<vmem_shared>>)
        tpu.yield
      }) : () -> ()
      %while3A_27 = arith.constant 0 : i32
      scf.yield %while3A_27 : i32
    }
    %barrier3A_20 = arith.constant 0 : index
    tpu.barrier barrier_id(%barrier3A_20)
    %mul3A_21 = arith.constant 320 : i32
    %mul3A_22 = arith.muli %arg1, %mul3A_21 : i32
    %mul3A_23 = arith.constant 320 : i32
    %mul3A_24 = arith.muli %arg1, %mul3A_23 : i32
    "tpu.region"() ({
      %run_scoped3A = tpu.sem_alloc : memref<!tpu.dma_semaphore, #tpu.memory_space<semaphore_mem>>
      %dma_start3A = arith.constant 0 : i32
      %dma_start3A_25 = tpu.memref_slice %arg6[%arg0, %mul3A_24, %dma_start3A] : memref<2x5120x128xf32, #tpu.memory_space<hbm>> -> memref<1x320x128xf32, #tpu.memory_space<hbm>>
      %dma_start3A_26 = tpu.memref_squeeze %dma_start3A_25 : memref<1x320x128xf32, #tpu.memory_space<hbm>> -> memref<320x128xf32, #tpu.memory_space<hbm>>
      %dma_start3A_27 = arith.constant 0 : i32
      %dma_start3A_28 = tpu.memref_slice %arg10[%mul3A_22, %dma_start3A_27] : memref<5120x128xf32, #tpu.memory_space<vmem_shared>> -> memref<320x128xf32, #tpu.memory_space<vmem_shared>>
      tpu.enqueue_dma source(%dma_start3A_28 : memref<320x128xf32, #tpu.memory_space<vmem_shared>>) target(%dma_start3A_26 : memref<320x128xf32, #tpu.memory_space<hbm>>) target_semaphore(%run_scoped3A : memref<!tpu.dma_semaphore, #tpu.memory_space<semaphore_mem>>)
      %dma_wait3A = arith.constant 0 : i32
      %dma_wait3A_29 = tpu.memref_slice %arg6[%arg0, %mul3A_24, %dma_wait3A] : memref<2x5120x128xf32, #tpu.memory_space<hbm>> -> memref<1x320x128xf32, #tpu.memory_space<hbm>>
      %dma_wait3A_30 = tpu.memref_squeeze %dma_wait3A_29 : memref<1x320x128xf32, #tpu.memory_space<hbm>> -> memref<320x128xf32, #tpu.memory_space<hbm>>
      %dma_wait3A_31 = arith.constant 0 : i32
      %dma_wait3A_32 = tpu.memref_slice %arg10[%mul3A_22, %dma_wait3A_31] : memref<5120x128xf32, #tpu.memory_space<vmem_shared>> -> memref<320x128xf32, #tpu.memory_space<vmem_shared>>
      tpu.wait_dma2 semaphore(%run_scoped3A : memref<!tpu.dma_semaphore, #tpu.memory_space<semaphore_mem>>) src(%dma_wait3A_32 : memref<320x128xf32, #tpu.memory_space<vmem_shared>>) dst(%dma_wait3A_30 : memref<320x128xf32, #tpu.memory_space<hbm>>)
      tpu.yield
    }) : () -> ()
    return
  }
}

module attributes {stable_mosaic.version = 14 : i64} {
  func.func @_tc_h1_body(%arg0: i32, %arg1: memref<1000x128xf32, #tpu.memory_space<vmem>>, %arg2: memref<128x128xf32, #tpu.memory_space<vmem>>, %arg3: memref<1000x128xf32, #tpu.memory_space<vmem>>) attributes {dimension_semantics = [#tpu.dimension_semantics<arbitrary>], iteration_bounds = array<i64: 10>, scalar_prefetch = 0 : i64, scratch_operands = 0 : i64, tpu.core_type = #tpu.core_type<tc>, window_params = [{transform_indices = @transform_0, window_bounds = array<i64: 1000, 128>}, {pipeline_mode = #tpu.pipeline_mode<synchronous>, transform_indices = @transform_1, window_bounds = array<i64: 128, 128>}, {transform_indices = @transform_2, window_bounds = array<i64: 1000, 128>}]} {
    %get3A = arith.constant 0 : index
    %get3A_0 = arith.constant 0 : index
    %get3A_1 = vector.load %arg1[%get3A, %get3A_0] : memref<1000x128xf32, #tpu.memory_space<vmem>>, vector<1000x128xf32>
    %get3A_2 = arith.constant 0 : index
    %get3A_3 = arith.constant 0 : index
    %get3A_4 = vector.load %arg2[%get3A_2, %get3A_3] : memref<128x128xf32, #tpu.memory_space<vmem>>, vector<128x128xf32>
    %dot_general3A = arith.constant dense<0.000000e+00> : vector<1000x128xf32>
    %dot_general3A_5 = tpu.matmul %get3A_1, %get3A_4, %dot_general3A {dimension_numbers = #tpu.dot_dimension_numbers<[1], [0], [0], [1], [0, 0, 1, 1], [], []>, precision = #tpu.contract_precision<fp32>, transpose_lhs_hint = false} : vector<1000x128xf32>, vector<128x128xf32>, vector<1000x128xf32> -> vector<1000x128xf32>
    %swap3A = arith.constant 0 : index
    %swap3A_6 = arith.constant 0 : index
    %swap3A_7 = vector.load %arg3[%swap3A, %swap3A_6] : memref<1000x128xf32, #tpu.memory_space<vmem>>, vector<1000x128xf32>
    tpu.vector_store %arg3[%swap3A, %swap3A_6], %dot_general3A_5 {strides = array<i32>} : memref<1000x128xf32, #tpu.memory_space<vmem>>, vector<1000x128xf32>,
    return
  }
  func.func @transform_0(%arg0: i32) -> (i32, i32) {
    %c0_i32 = arith.constant 0 : i32
    %c0_i32_0 = arith.constant 0 : i32
    return %arg0, %c0_i32 : i32, i32
  }
  func.func @transform_1(%arg0: i32) -> (i32, i32) {
    %c0_i32 = arith.constant 0 : i32
    %c0_i32_0 = arith.constant 0 : i32
    %c0_i32_1 = arith.constant 0 : i32
    return %c0_i32, %c0_i32_0 : i32, i32
  }
  func.func @transform_2(%arg0: i32) -> (i32, i32) {
    %c0_i32 = arith.constant 0 : i32
    %c0_i32_0 = arith.constant 0 : i32
    return %arg0, %c0_i32 : i32, i32
  }
}

module attributes {stable_mosaic.version = 14 : i64} {
  func.func @_tc_g1_body(%arg0: i32, %arg1: memref<1x1000x128xf32, #tpu.memory_space<vmem>>, %arg2: memref<1000x128xf32, #tpu.memory_space<vmem>>, %arg3: memref<1000x128xf32, #tpu.memory_space<vmem>>) attributes {dimension_semantics = [#tpu.dimension_semantics<arbitrary>], iteration_bounds = array<i64: 10>, scalar_prefetch = 0 : i64, scratch_operands = 0 : i64, tpu.core_type = #tpu.core_type<tc>, window_params = [{transform_indices = @transform_0, window_bounds = array<i64: 1, 1000, 128>}, {transform_indices = @transform_1, window_bounds = array<i64: 1000, 128>}, {transform_indices = @transform_2, window_bounds = array<i64: 1000, 128>}]} {
    %get3A = arith.constant 0 : index
    %get3A_0 = arith.constant 0 : index
    %get3A_1 = arith.constant 0 : index
    %get3A_2 = vector.load %arg1[%get3A, %get3A_0, %get3A_1] : memref<1x1000x128xf32, #tpu.memory_space<vmem>>, vector<1x1000x128xf32>
    %slice3A = vector.extract_strided_slice %get3A_2 {offsets = [0, 0, 0], sizes = [1, 1000, 1], strides = [1, 1, 1]} : vector<1x1000x128xf32> to vector<1x1000x1xf32>
    %squeeze3A = vector.shape_cast %slice3A : vector<1x1000x1xf32> to vector<1000xf32>
    %add3A = arith.constant 1.000000e+00 : f32
    %add3A_3 = vector.broadcast %add3A : f32 to vector<1000xf32>
    %add3A_4 = arith.addf %squeeze3A, %add3A_3 : vector<1000xf32>
    %rsqrt3A = math.rsqrt %add3A_4 : vector<1000xf32>
    %broadcast_in_dim3A = vector.shape_cast %rsqrt3A : vector<1000xf32> to vector<1000x1xf32>
    %get3A_5 = arith.constant 0 : index
    %get3A_6 = arith.constant 0 : index
    %get3A_7 = vector.load %arg2[%get3A_5, %get3A_6] : memref<1000x128xf32, #tpu.memory_space<vmem>>, vector<1000x128xf32>
    %mul3A = vector.broadcast %broadcast_in_dim3A : vector<1000x1xf32> to vector<1000x128xf32>
    %mul3A_8 = arith.mulf %mul3A, %get3A_7 : vector<1000x128xf32>
    %swap3A = arith.constant 0 : index
    %swap3A_9 = arith.constant 0 : index
    %swap3A_10 = vector.load %arg3[%swap3A, %swap3A_9] : memref<1000x128xf32, #tpu.memory_space<vmem>>, vector<1000x128xf32>
    tpu.vector_store %arg3[%swap3A, %swap3A_9], %mul3A_8 {strides = array<i32>} : memref<1000x128xf32, #tpu.memory_space<vmem>>, vector<1000x128xf32>,
    return
  }
  func.func @transform_0(%arg0: i32) -> (i32, i32, i32) {
    %jit3A = arith.constant 5 : i32
    %div3A = arith.divsi %arg0, %jit3A : i32
    %sign3A = arith.constant 0 : i32
    %sign3A_0 = arith.cmpi sgt, %arg0, %sign3A : i32
    %sign3A_1 = arith.extui %sign3A_0 : i1 to i32
    %sign3A_2 = arith.constant 0 : i32
    %sign3A_3 = arith.cmpi slt, %arg0, %sign3A_2 : i32
    %sign3A_4 = arith.extui %sign3A_3 : i1 to i32
    %sign3A_5 = arith.subi %sign3A_1, %sign3A_4 : i32
    %sign3A_6 = arith.constant 0 : i32
    %sign3A_7 = arith.cmpi sgt, %jit3A, %sign3A_6 : i32
    %sign3A_8 = arith.extui %sign3A_7 : i1 to i32
    %sign3A_9 = arith.constant 0 : i32
    %sign3A_10 = arith.cmpi slt, %jit3A, %sign3A_9 : i32
    %sign3A_11 = arith.extui %sign3A_10 : i1 to i32
    %sign3A_12 = arith.subi %sign3A_8, %sign3A_11 : i32
    %ne3A = arith.cmpi ne, %sign3A_5, %sign3A_12 : i32
    %rem3A = arith.remsi %arg0, %jit3A : i32
    %ne3A_13 = arith.constant 0 : i32
    %ne3A_14 = arith.cmpi ne, %rem3A, %ne3A_13 : i32
    %and3A = arith.andi %ne3A, %ne3A_14 : i1
    %sub3A = arith.constant 1 : i32
    %sub3A_15 = arith.subi %div3A, %sub3A : i32
    %select_n3A = arith.select %and3A, %sub3A_15, %div3A : i32
    %jit3A_16 = arith.constant 5 : i32
    %eq3A = arith.constant 0 : i32
    %eq3A_17 = arith.cmpi eq, %jit3A_16, %eq3A : i32
    %jit3A_18 = arith.constant 1 : i32
    %select_n3A_19 = arith.select %eq3A_17, %jit3A_18, %jit3A_16 : i32
    %rem3A_20 = arith.remsi %arg0, %select_n3A_19 : i32
    %ne3A_21 = arith.constant 0 : i32
    %ne3A_22 = arith.cmpi ne, %rem3A_20, %ne3A_21 : i32
    %lt3A = arith.constant 0 : i32
    %lt3A_23 = arith.cmpi slt, %rem3A_20, %lt3A : i32
    %lt3A_24 = arith.constant 0 : i32
    %lt3A_25 = arith.cmpi slt, %select_n3A_19, %lt3A_24 : i32
    %ne3A_26 = arith.xori %lt3A_23, %lt3A_25 : i1
    %and3A_27 = arith.andi %ne3A_26, %ne3A_22 : i1
    %add3A = arith.addi %rem3A_20, %select_n3A_19 : i32
    %select_n3A_28 = arith.select %and3A_27, %add3A, %rem3A_20 : i32
    %c0_i32 = arith.constant 0 : i32
    %c0_i32_29 = arith.constant 0 : i32
    return %select_n3A, %select_n3A_28, %c0_i32 : i32, i32, i32
  }
  func.func @transform_1(%arg0: i32) -> (i32, i32) {
    %c0_i32 = arith.constant 0 : i32
    %c0_i32_0 = arith.constant 0 : i32
    return %arg0, %c0_i32 : i32, i32
  }
  func.func @transform_2(%arg0: i32) -> (i32, i32) {
    %c0_i32 = arith.constant 0 : i32
    %c0_i32_0 = arith.constant 0 : i32
    return %arg0, %c0_i32 : i32, i32
  }
}

module attributes {stable_mosaic.version = 14 : i64} {
  func.func @_tc_mid_body(%arg0: i32, %arg1: memref<1x1000x128xf32, #tpu.memory_space<vmem>>, %arg2: memref<1x1000x128xf32, #tpu.memory_space<vmem>>, %arg3: memref<1000x128xf32, #tpu.memory_space<vmem>>, %arg4: memref<1x128xf32, #tpu.memory_space<vmem>>, %arg5: memref<1x128xf32, #tpu.memory_space<vmem>>, %arg6: memref<1x128xf32, #tpu.memory_space<vmem>>, %arg7: memref<128x128xf32, #tpu.memory_space<vmem>>, %arg8: memref<1000x128xf32, #tpu.memory_space<vmem>>) attributes {dimension_semantics = [#tpu.dimension_semantics<arbitrary>], iteration_bounds = array<i64: 10>, scalar_prefetch = 0 : i64, scratch_operands = 0 : i64, tpu.core_type = #tpu.core_type<tc>, window_params = [{transform_indices = @transform_0, window_bounds = array<i64: 1, 1000, 128>}, {transform_indices = @transform_1, window_bounds = array<i64: 1, 1000, 128>}, {transform_indices = @transform_2, window_bounds = array<i64: 1000, 128>}, {pipeline_mode = #tpu.pipeline_mode<synchronous>, transform_indices = @transform_3, window_bounds = array<i64: 1, 128>}, {pipeline_mode = #tpu.pipeline_mode<synchronous>, transform_indices = @transform_4, window_bounds = array<i64: 1, 128>}, {pipeline_mode = #tpu.pipeline_mode<synchronous>, transform_indices = @transform_5, window_bounds = array<i64: 1, 128>}, {pipeline_mode = #tpu.pipeline_mode<synchronous>, transform_indices = @transform_6, window_bounds = array<i64: 128, 128>}, {transform_indices = @transform_7, window_bounds = array<i64: 1000, 128>}]} {
    %get3A = arith.constant 0 : index
    %get3A_0 = arith.constant 0 : index
    %get3A_1 = arith.constant 0 : index
    %get3A_2 = vector.load %arg1[%get3A, %get3A_0, %get3A_1] : memref<1x1000x128xf32, #tpu.memory_space<vmem>>, vector<1x1000x128xf32>
    %slice3A = vector.extract_strided_slice %get3A_2 {offsets = [0, 0, 0], sizes = [1, 1000, 1], strides = [1, 1, 1]} : vector<1x1000x128xf32> to vector<1x1000x1xf32>
    %squeeze3A = vector.shape_cast %slice3A : vector<1x1000x1xf32> to vector<1000xf32>
    %add3A = arith.constant 1.000000e+00 : f32
    %add3A_3 = vector.broadcast %add3A : f32 to vector<1000xf32>
    %add3A_4 = arith.addf %squeeze3A, %add3A_3 : vector<1000xf32>
    %rsqrt3A = math.rsqrt %add3A_4 : vector<1000xf32>
    %broadcast_in_dim3A = vector.shape_cast %rsqrt3A : vector<1000xf32> to vector<1000x1xf32>
    %get3A_5 = arith.constant 0 : index
    %get3A_6 = arith.constant 0 : index
    %get3A_7 = arith.constant 0 : index
    %get3A_8 = vector.load %arg2[%get3A_5, %get3A_6, %get3A_7] : memref<1x1000x128xf32, #tpu.memory_space<vmem>>, vector<1x1000x128xf32>
    %get3A_9 = vector.shape_cast %get3A_8 : vector<1x1000x128xf32> to vector<1000x128xf32>
    %get3A_10 = arith.constant 0 : index
    %get3A_11 = arith.constant 0 : index
    %get3A_12 = vector.load %arg3[%get3A_10, %get3A_11] : memref<1000x128xf32, #tpu.memory_space<vmem>>, vector<1000x128xf32>
    %add3A_13 = arith.addf %get3A_9, %get3A_12 : vector<1000x128xf32>
    %mul3A = vector.broadcast %broadcast_in_dim3A : vector<1000x1xf32> to vector<1000x128xf32>
    %mul3A_14 = arith.mulf %mul3A, %add3A_13 : vector<1000x128xf32>
    %get3A_15 = arith.constant 0 : index
    %get3A_16 = arith.constant 0 : index
    %get3A_17 = vector.load %arg4[%get3A_15, %get3A_16] : memref<1x128xf32, #tpu.memory_space<vmem>>, vector<1x128xf32>
    %add3A_18 = vector.broadcast %get3A_17 : vector<1x128xf32> to vector<1000x128xf32>
    %add3A_19 = arith.addf %mul3A_14, %add3A_18 : vector<1000x128xf32>
    %get3A_20 = arith.constant 0 : index
    %get3A_21 = arith.constant 0 : index
    %get3A_22 = vector.load %arg5[%get3A_20, %get3A_21] : memref<1x128xf32, #tpu.memory_space<vmem>>, vector<1x128xf32>
    %get3A_23 = arith.constant 0 : index
    %get3A_24 = arith.constant 0 : index
    %get3A_25 = vector.load %arg6[%get3A_23, %get3A_24] : memref<1x128xf32, #tpu.memory_space<vmem>>, vector<1x128xf32>
    %reduce_sum3A = arith.constant dense<0.000000e+00> : vector<1000xf32>
    %reduce_sum3A_26 = vector.multi_reduction <add>, %add3A_19, %reduce_sum3A [1] : vector<1000x128xf32> to vector<1000xf32>
    %broadcast_in_dim3A_27 = vector.shape_cast %reduce_sum3A_26 : vector<1000xf32> to vector<1000x1xf32>
    %div3A = arith.constant 1.280000e+02 : f32
    %div3A_28 = vector.broadcast %div3A : f32 to vector<1000x1xf32>
    %div3A_29 = arith.divf %broadcast_in_dim3A_27, %div3A_28 : vector<1000x1xf32>
    %sub3A = vector.broadcast %div3A_29 : vector<1000x1xf32> to vector<1000x128xf32>
    %sub3A_30 = arith.subf %add3A_19, %sub3A : vector<1000x128xf32>
    %integer_pow3A = arith.mulf %sub3A_30, %sub3A_30 : vector<1000x128xf32>
    %reduce_sum3A_31 = arith.constant dense<0.000000e+00> : vector<1000xf32>
    %reduce_sum3A_32 = vector.multi_reduction <add>, %integer_pow3A, %reduce_sum3A_31 [1] : vector<1000x128xf32> to vector<1000xf32>
    %broadcast_in_dim3A_33 = vector.shape_cast %reduce_sum3A_32 : vector<1000xf32> to vector<1000x1xf32>
    %div3A_34 = arith.constant 1.280000e+02 : f32
    %div3A_35 = vector.broadcast %div3A_34 : f32 to vector<1000x1xf32>
    %div3A_36 = arith.divf %broadcast_in_dim3A_33, %div3A_35 : vector<1000x1xf32>
    %sub3A_37 = vector.broadcast %div3A_29 : vector<1000x1xf32> to vector<1000x128xf32>
    %sub3A_38 = arith.subf %add3A_19, %sub3A_37 : vector<1000x128xf32>
    %add3A_39 = arith.constant 9.99999974E-6 : f32
    %add3A_40 = vector.broadcast %add3A_39 : f32 to vector<1000x1xf32>
    %add3A_41 = arith.addf %div3A_36, %add3A_40 : vector<1000x1xf32>
    %rsqrt3A_42 = math.rsqrt %add3A_41 : vector<1000x1xf32>
    %mul3A_43 = vector.broadcast %rsqrt3A_42 : vector<1000x1xf32> to vector<1000x128xf32>
    %mul3A_44 = arith.mulf %sub3A_38, %mul3A_43 : vector<1000x128xf32>
    %mul3A_45 = vector.broadcast %get3A_22 : vector<1x128xf32> to vector<1000x128xf32>
    %mul3A_46 = arith.mulf %mul3A_44, %mul3A_45 : vector<1000x128xf32>
    %add3A_47 = vector.broadcast %get3A_25 : vector<1x128xf32> to vector<1000x128xf32>
    %add3A_48 = arith.addf %mul3A_46, %add3A_47 : vector<1000x128xf32>
    %gt3A = arith.constant 0.000000e+00 : f32
    %gt3A_49 = vector.broadcast %gt3A : f32 to vector<1000x128xf32>
    %gt3A_50 = arith.cmpf ogt, %add3A_48, %gt3A_49 : vector<1000x128xf32>
    %exp3A = math.exp %add3A_48 : vector<1000x128xf32>
    %sub3A_51 = arith.constant 1.000000e+00 : f32
    %sub3A_52 = vector.broadcast %sub3A_51 : f32 to vector<1000x128xf32>
    %sub3A_53 = arith.subf %exp3A, %sub3A_52 : vector<1000x128xf32>
    %select_n3A = arith.select %gt3A_50, %add3A_48, %sub3A_53 : vector<1000x128xi1>, vector<1000x128xf32>
    %get3A_54 = arith.constant 0 : index
    %get3A_55 = arith.constant 0 : index
    %get3A_56 = vector.load %arg7[%get3A_54, %get3A_55] : memref<128x128xf32, #tpu.memory_space<vmem>>, vector<128x128xf32>
    %dot_general3A = arith.constant dense<0.000000e+00> : vector<1000x128xf32>
    %dot_general3A_57 = tpu.matmul %select_n3A, %get3A_56, %dot_general3A {dimension_numbers = #tpu.dot_dimension_numbers<[1], [0], [0], [1], [0, 0, 1, 1], [], []>, precision = #tpu.contract_precision<fp32>, transpose_lhs_hint = false} : vector<1000x128xf32>, vector<128x128xf32>, vector<1000x128xf32> -> vector<1000x128xf32>
    %mul3A_58 = vector.broadcast %broadcast_in_dim3A : vector<1000x1xf32> to vector<1000x128xf32>
    %mul3A_59 = arith.mulf %mul3A_58, %dot_general3A_57 : vector<1000x128xf32>
    %swap3A = arith.constant 0 : index
    %swap3A_60 = arith.constant 0 : index
    %swap3A_61 = vector.load %arg8[%swap3A, %swap3A_60] : memref<1000x128xf32, #tpu.memory_space<vmem>>, vector<1000x128xf32>
    tpu.vector_store %arg8[%swap3A, %swap3A_60], %mul3A_59 {strides = array<i32>} : memref<1000x128xf32, #tpu.memory_space<vmem>>, vector<1000x128xf32>,
    return
  }
  func.func @transform_0(%arg0: i32) -> (i32, i32, i32) {
    %jit3A = arith.constant 5 : i32
    %div3A = arith.divsi %arg0, %jit3A : i32
    %sign3A = arith.constant 0 : i32
    %sign3A_0 = arith.cmpi sgt, %arg0, %sign3A : i32
    %sign3A_1 = arith.extui %sign3A_0 : i1 to i32
    %sign3A_2 = arith.constant 0 : i32
    %sign3A_3 = arith.cmpi slt, %arg0, %sign3A_2 : i32
    %sign3A_4 = arith.extui %sign3A_3 : i1 to i32
    %sign3A_5 = arith.subi %sign3A_1, %sign3A_4 : i32
    %sign3A_6 = arith.constant 0 : i32
    %sign3A_7 = arith.cmpi sgt, %jit3A, %sign3A_6 : i32
    %sign3A_8 = arith.extui %sign3A_7 : i1 to i32
    %sign3A_9 = arith.constant 0 : i32
    %sign3A_10 = arith.cmpi slt, %jit3A, %sign3A_9 : i32
    %sign3A_11 = arith.extui %sign3A_10 : i1 to i32
    %sign3A_12 = arith.subi %sign3A_8, %sign3A_11 : i32
    %ne3A = arith.cmpi ne, %sign3A_5, %sign3A_12 : i32
    %rem3A = arith.remsi %arg0, %jit3A : i32
    %ne3A_13 = arith.constant 0 : i32
    %ne3A_14 = arith.cmpi ne, %rem3A, %ne3A_13 : i32
    %and3A = arith.andi %ne3A, %ne3A_14 : i1
    %sub3A = arith.constant 1 : i32
    %sub3A_15 = arith.subi %div3A, %sub3A : i32
    %select_n3A = arith.select %and3A, %sub3A_15, %div3A : i32
    %jit3A_16 = arith.constant 5 : i32
    %eq3A = arith.constant 0 : i32
    %eq3A_17 = arith.cmpi eq, %jit3A_16, %eq3A : i32
    %jit3A_18 = arith.constant 1 : i32
    %select_n3A_19 = arith.select %eq3A_17, %jit3A_18, %jit3A_16 : i32
    %rem3A_20 = arith.remsi %arg0, %select_n3A_19 : i32
    %ne3A_21 = arith.constant 0 : i32
    %ne3A_22 = arith.cmpi ne, %rem3A_20, %ne3A_21 : i32
    %lt3A = arith.constant 0 : i32
    %lt3A_23 = arith.cmpi slt, %rem3A_20, %lt3A : i32
    %lt3A_24 = arith.constant 0 : i32
    %lt3A_25 = arith.cmpi slt, %select_n3A_19, %lt3A_24 : i32
    %ne3A_26 = arith.xori %lt3A_23, %lt3A_25 : i1
    %and3A_27 = arith.andi %ne3A_26, %ne3A_22 : i1
    %add3A = arith.addi %rem3A_20, %select_n3A_19 : i32
    %select_n3A_28 = arith.select %and3A_27, %add3A, %rem3A_20 : i32
    %c0_i32 = arith.constant 0 : i32
    %c0_i32_29 = arith.constant 0 : i32
    return %select_n3A, %select_n3A_28, %c0_i32 : i32, i32, i32
  }
  func.func @transform_1(%arg0: i32) -> (i32, i32, i32) {
    %jit3A = arith.constant 5 : i32
    %div3A = arith.divsi %arg0, %jit3A : i32
    %sign3A = arith.constant 0 : i32
    %sign3A_0 = arith.cmpi sgt, %arg0, %sign3A : i32
    %sign3A_1 = arith.extui %sign3A_0 : i1 to i32
    %sign3A_2 = arith.constant 0 : i32
    %sign3A_3 = arith.cmpi slt, %arg0, %sign3A_2 : i32
    %sign3A_4 = arith.extui %sign3A_3 : i1 to i32
    %sign3A_5 = arith.subi %sign3A_1, %sign3A_4 : i32
    %sign3A_6 = arith.constant 0 : i32
    %sign3A_7 = arith.cmpi sgt, %jit3A, %sign3A_6 : i32
    %sign3A_8 = arith.extui %sign3A_7 : i1 to i32
    %sign3A_9 = arith.constant 0 : i32
    %sign3A_10 = arith.cmpi slt, %jit3A, %sign3A_9 : i32
    %sign3A_11 = arith.extui %sign3A_10 : i1 to i32
    %sign3A_12 = arith.subi %sign3A_8, %sign3A_11 : i32
    %ne3A = arith.cmpi ne, %sign3A_5, %sign3A_12 : i32
    %rem3A = arith.remsi %arg0, %jit3A : i32
    %ne3A_13 = arith.constant 0 : i32
    %ne3A_14 = arith.cmpi ne, %rem3A, %ne3A_13 : i32
    %and3A = arith.andi %ne3A, %ne3A_14 : i1
    %sub3A = arith.constant 1 : i32
    %sub3A_15 = arith.subi %div3A, %sub3A : i32
    %select_n3A = arith.select %and3A, %sub3A_15, %div3A : i32
    %jit3A_16 = arith.constant 5 : i32
    %eq3A = arith.constant 0 : i32
    %eq3A_17 = arith.cmpi eq, %jit3A_16, %eq3A : i32
    %jit3A_18 = arith.constant 1 : i32
    %select_n3A_19 = arith.select %eq3A_17, %jit3A_18, %jit3A_16 : i32
    %rem3A_20 = arith.remsi %arg0, %select_n3A_19 : i32
    %ne3A_21 = arith.constant 0 : i32
    %ne3A_22 = arith.cmpi ne, %rem3A_20, %ne3A_21 : i32
    %lt3A = arith.constant 0 : i32
    %lt3A_23 = arith.cmpi slt, %rem3A_20, %lt3A : i32
    %lt3A_24 = arith.constant 0 : i32
    %lt3A_25 = arith.cmpi slt, %select_n3A_19, %lt3A_24 : i32
    %ne3A_26 = arith.xori %lt3A_23, %lt3A_25 : i1
    %and3A_27 = arith.andi %ne3A_26, %ne3A_22 : i1
    %add3A = arith.addi %rem3A_20, %select_n3A_19 : i32
    %select_n3A_28 = arith.select %and3A_27, %add3A, %rem3A_20 : i32
    %c0_i32 = arith.constant 0 : i32
    %c0_i32_29 = arith.constant 0 : i32
    return %select_n3A, %select_n3A_28, %c0_i32 : i32, i32, i32
  }
  func.func @transform_2(%arg0: i32) -> (i32, i32) {
    %c0_i32 = arith.constant 0 : i32
    %c0_i32_0 = arith.constant 0 : i32
    return %arg0, %c0_i32 : i32, i32
  }
  func.func @transform_3(%arg0: i32) -> (i32, i32) {
    %c0_i32 = arith.constant 0 : i32
    %c0_i32_0 = arith.constant 0 : i32
    %c0_i32_1 = arith.constant 0 : i32
    return %c0_i32, %c0_i32_0 : i32, i32
  }
  func.func @transform_4(%arg0: i32) -> (i32, i32) {
    %c0_i32 = arith.constant 0 : i32
    %c0_i32_0 = arith.constant 0 : i32
    %c0_i32_1 = arith.constant 0 : i32
    return %c0_i32, %c0_i32_0 : i32, i32
  }
  func.func @transform_5(%arg0: i32) -> (i32, i32) {
    %c0_i32 = arith.constant 0 : i32
    %c0_i32_0 = arith.constant 0 : i32
    %c0_i32_1 = arith.constant 0 : i32
    return %c0_i32, %c0_i32_0 : i32, i32
  }
  func.func @transform_6(%arg0: i32) -> (i32, i32) {
    %c0_i32 = arith.constant 0 : i32
    %c0_i32_0 = arith.constant 0 : i32
    %c0_i32_1 = arith.constant 0 : i32
    return %c0_i32, %c0_i32_0 : i32, i32
  }
  func.func @transform_7(%arg0: i32) -> (i32, i32) {
    %c0_i32 = arith.constant 0 : i32
    %c0_i32_0 = arith.constant 0 : i32
    return %arg0, %c0_i32 : i32, i32
  }
}

module attributes {stable_mosaic.version = 14 : i64} {
  func.func @_tc_out_body(%arg0: i32, %arg1: memref<1x1000x128xf32, #tpu.memory_space<vmem>>, %arg2: memref<1x1000x128xf32, #tpu.memory_space<vmem>>, %arg3: memref<1000x128xf32, #tpu.memory_space<vmem>>, %arg4: memref<1x128xf32, #tpu.memory_space<vmem>>, %arg5: memref<1x128xf32, #tpu.memory_space<vmem>>, %arg6: memref<1x128xf32, #tpu.memory_space<vmem>>, %arg7: memref<1000x128xf32, #tpu.memory_space<vmem>>) attributes {dimension_semantics = [#tpu.dimension_semantics<arbitrary>], iteration_bounds = array<i64: 10>, scalar_prefetch = 0 : i64, scratch_operands = 0 : i64, tpu.core_type = #tpu.core_type<tc>, window_params = [{transform_indices = @transform_0, window_bounds = array<i64: 1, 1000, 128>}, {transform_indices = @transform_1, window_bounds = array<i64: 1, 1000, 128>}, {transform_indices = @transform_2, window_bounds = array<i64: 1000, 128>}, {pipeline_mode = #tpu.pipeline_mode<synchronous>, transform_indices = @transform_3, window_bounds = array<i64: 1, 128>}, {pipeline_mode = #tpu.pipeline_mode<synchronous>, transform_indices = @transform_4, window_bounds = array<i64: 1, 128>}, {pipeline_mode = #tpu.pipeline_mode<synchronous>, transform_indices = @transform_5, window_bounds = array<i64: 1, 128>}, {transform_indices = @transform_6, window_bounds = array<i64: 1000, 128>}]} {
    %get3A = arith.constant 0 : index
    %get3A_0 = arith.constant 0 : index
    %get3A_1 = arith.constant 0 : index
    %get3A_2 = vector.load %arg1[%get3A, %get3A_0, %get3A_1] : memref<1x1000x128xf32, #tpu.memory_space<vmem>>, vector<1x1000x128xf32>
    %slice3A = vector.extract_strided_slice %get3A_2 {offsets = [0, 0, 0], sizes = [1, 1000, 1], strides = [1, 1, 1]} : vector<1x1000x128xf32> to vector<1x1000x1xf32>
    %squeeze3A = vector.shape_cast %slice3A : vector<1x1000x1xf32> to vector<1000xf32>
    %add3A = arith.constant 1.000000e+00 : f32
    %add3A_3 = vector.broadcast %add3A : f32 to vector<1000xf32>
    %add3A_4 = arith.addf %squeeze3A, %add3A_3 : vector<1000xf32>
    %rsqrt3A = math.rsqrt %add3A_4 : vector<1000xf32>
    %broadcast_in_dim3A = vector.shape_cast %rsqrt3A : vector<1000xf32> to vector<1000x1xf32>
    %get3A_5 = arith.constant 0 : index
    %get3A_6 = arith.constant 0 : index
    %get3A_7 = arith.constant 0 : index
    %get3A_8 = vector.load %arg2[%get3A_5, %get3A_6, %get3A_7] : memref<1x1000x128xf32, #tpu.memory_space<vmem>>, vector<1x1000x128xf32>
    %get3A_9 = vector.shape_cast %get3A_8 : vector<1x1000x128xf32> to vector<1000x128xf32>
    %get3A_10 = arith.constant 0 : index
    %get3A_11 = arith.constant 0 : index
    %get3A_12 = vector.load %arg3[%get3A_10, %get3A_11] : memref<1000x128xf32, #tpu.memory_space<vmem>>, vector<1000x128xf32>
    %add3A_13 = arith.addf %get3A_9, %get3A_12 : vector<1000x128xf32>
    %mul3A = vector.broadcast %broadcast_in_dim3A : vector<1000x1xf32> to vector<1000x128xf32>
    %mul3A_14 = arith.mulf %mul3A, %add3A_13 : vector<1000x128xf32>
    %get3A_15 = arith.constant 0 : index
    %get3A_16 = arith.constant 0 : index
    %get3A_17 = vector.load %arg4[%get3A_15, %get3A_16] : memref<1x128xf32, #tpu.memory_space<vmem>>, vector<1x128xf32>
    %add3A_18 = vector.broadcast %get3A_17 : vector<1x128xf32> to vector<1000x128xf32>
    %add3A_19 = arith.addf %mul3A_14, %add3A_18 : vector<1000x128xf32>
    %get3A_20 = arith.constant 0 : index
    %get3A_21 = arith.constant 0 : index
    %get3A_22 = vector.load %arg5[%get3A_20, %get3A_21] : memref<1x128xf32, #tpu.memory_space<vmem>>, vector<1x128xf32>
    %get3A_23 = arith.constant 0 : index
    %get3A_24 = arith.constant 0 : index
    %get3A_25 = vector.load %arg6[%get3A_23, %get3A_24] : memref<1x128xf32, #tpu.memory_space<vmem>>, vector<1x128xf32>
    %reduce_sum3A = arith.constant dense<0.000000e+00> : vector<1000xf32>
    %reduce_sum3A_26 = vector.multi_reduction <add>, %add3A_19, %reduce_sum3A [1] : vector<1000x128xf32> to vector<1000xf32>
    %broadcast_in_dim3A_27 = vector.shape_cast %reduce_sum3A_26 : vector<1000xf32> to vector<1000x1xf32>
    %div3A = arith.constant 1.280000e+02 : f32
    %div3A_28 = vector.broadcast %div3A : f32 to vector<1000x1xf32>
    %div3A_29 = arith.divf %broadcast_in_dim3A_27, %div3A_28 : vector<1000x1xf32>
    %sub3A = vector.broadcast %div3A_29 : vector<1000x1xf32> to vector<1000x128xf32>
    %sub3A_30 = arith.subf %add3A_19, %sub3A : vector<1000x128xf32>
    %integer_pow3A = arith.mulf %sub3A_30, %sub3A_30 : vector<1000x128xf32>
    %reduce_sum3A_31 = arith.constant dense<0.000000e+00> : vector<1000xf32>
    %reduce_sum3A_32 = vector.multi_reduction <add>, %integer_pow3A, %reduce_sum3A_31 [1] : vector<1000x128xf32> to vector<1000xf32>
    %broadcast_in_dim3A_33 = vector.shape_cast %reduce_sum3A_32 : vector<1000xf32> to vector<1000x1xf32>
    %div3A_34 = arith.constant 1.280000e+02 : f32
    %div3A_35 = vector.broadcast %div3A_34 : f32 to vector<1000x1xf32>
    %div3A_36 = arith.divf %broadcast_in_dim3A_33, %div3A_35 : vector<1000x1xf32>
    %sub3A_37 = vector.broadcast %div3A_29 : vector<1000x1xf32> to vector<1000x128xf32>
    %sub3A_38 = arith.subf %add3A_19, %sub3A_37 : vector<1000x128xf32>
    %add3A_39 = arith.constant 9.99999974E-6 : f32
    %add3A_40 = vector.broadcast %add3A_39 : f32 to vector<1000x1xf32>
    %add3A_41 = arith.addf %div3A_36, %add3A_40 : vector<1000x1xf32>
    %rsqrt3A_42 = math.rsqrt %add3A_41 : vector<1000x1xf32>
    %mul3A_43 = vector.broadcast %rsqrt3A_42 : vector<1000x1xf32> to vector<1000x128xf32>
    %mul3A_44 = arith.mulf %sub3A_38, %mul3A_43 : vector<1000x128xf32>
    %mul3A_45 = vector.broadcast %get3A_22 : vector<1x128xf32> to vector<1000x128xf32>
    %mul3A_46 = arith.mulf %mul3A_44, %mul3A_45 : vector<1000x128xf32>
    %add3A_47 = vector.broadcast %get3A_25 : vector<1x128xf32> to vector<1000x128xf32>
    %add3A_48 = arith.addf %mul3A_46, %add3A_47 : vector<1000x128xf32>
    %gt3A = arith.constant 0.000000e+00 : f32
    %gt3A_49 = vector.broadcast %gt3A : f32 to vector<1000x128xf32>
    %gt3A_50 = arith.cmpf ogt, %add3A_48, %gt3A_49 : vector<1000x128xf32>
    %exp3A = math.exp %add3A_48 : vector<1000x128xf32>
    %sub3A_51 = arith.constant 1.000000e+00 : f32
    %sub3A_52 = vector.broadcast %sub3A_51 : f32 to vector<1000x128xf32>
    %sub3A_53 = arith.subf %exp3A, %sub3A_52 : vector<1000x128xf32>
    %select_n3A = arith.select %gt3A_50, %add3A_48, %sub3A_53 : vector<1000x128xi1>, vector<1000x128xf32>
    %swap3A = arith.constant 0 : index
    %swap3A_54 = arith.constant 0 : index
    %swap3A_55 = vector.load %arg7[%swap3A, %swap3A_54] : memref<1000x128xf32, #tpu.memory_space<vmem>>, vector<1000x128xf32>
    tpu.vector_store %arg7[%swap3A, %swap3A_54], %select_n3A {strides = array<i32>} : memref<1000x128xf32, #tpu.memory_space<vmem>>, vector<1000x128xf32>,
    return
  }
  func.func @transform_0(%arg0: i32) -> (i32, i32, i32) {
    %jit3A = arith.constant 5 : i32
    %div3A = arith.divsi %arg0, %jit3A : i32
    %sign3A = arith.constant 0 : i32
    %sign3A_0 = arith.cmpi sgt, %arg0, %sign3A : i32
    %sign3A_1 = arith.extui %sign3A_0 : i1 to i32
    %sign3A_2 = arith.constant 0 : i32
    %sign3A_3 = arith.cmpi slt, %arg0, %sign3A_2 : i32
    %sign3A_4 = arith.extui %sign3A_3 : i1 to i32
    %sign3A_5 = arith.subi %sign3A_1, %sign3A_4 : i32
    %sign3A_6 = arith.constant 0 : i32
    %sign3A_7 = arith.cmpi sgt, %jit3A, %sign3A_6 : i32
    %sign3A_8 = arith.extui %sign3A_7 : i1 to i32
    %sign3A_9 = arith.constant 0 : i32
    %sign3A_10 = arith.cmpi slt, %jit3A, %sign3A_9 : i32
    %sign3A_11 = arith.extui %sign3A_10 : i1 to i32
    %sign3A_12 = arith.subi %sign3A_8, %sign3A_11 : i32
    %ne3A = arith.cmpi ne, %sign3A_5, %sign3A_12 : i32
    %rem3A = arith.remsi %arg0, %jit3A : i32
    %ne3A_13 = arith.constant 0 : i32
    %ne3A_14 = arith.cmpi ne, %rem3A, %ne3A_13 : i32
    %and3A = arith.andi %ne3A, %ne3A_14 : i1
    %sub3A = arith.constant 1 : i32
    %sub3A_15 = arith.subi %div3A, %sub3A : i32
    %select_n3A = arith.select %and3A, %sub3A_15, %div3A : i32
    %jit3A_16 = arith.constant 5 : i32
    %eq3A = arith.constant 0 : i32
    %eq3A_17 = arith.cmpi eq, %jit3A_16, %eq3A : i32
    %jit3A_18 = arith.constant 1 : i32
    %select_n3A_19 = arith.select %eq3A_17, %jit3A_18, %jit3A_16 : i32
    %rem3A_20 = arith.remsi %arg0, %select_n3A_19 : i32
    %ne3A_21 = arith.constant 0 : i32
    %ne3A_22 = arith.cmpi ne, %rem3A_20, %ne3A_21 : i32
    %lt3A = arith.constant 0 : i32
    %lt3A_23 = arith.cmpi slt, %rem3A_20, %lt3A : i32
    %lt3A_24 = arith.constant 0 : i32
    %lt3A_25 = arith.cmpi slt, %select_n3A_19, %lt3A_24 : i32
    %ne3A_26 = arith.xori %lt3A_23, %lt3A_25 : i1
    %and3A_27 = arith.andi %ne3A_26, %ne3A_22 : i1
    %add3A = arith.addi %rem3A_20, %select_n3A_19 : i32
    %select_n3A_28 = arith.select %and3A_27, %add3A, %rem3A_20 : i32
    %c0_i32 = arith.constant 0 : i32
    %c0_i32_29 = arith.constant 0 : i32
    return %select_n3A, %select_n3A_28, %c0_i32 : i32, i32, i32
  }
  func.func @transform_1(%arg0: i32) -> (i32, i32, i32) {
    %jit3A = arith.constant 5 : i32
    %div3A = arith.divsi %arg0, %jit3A : i32
    %sign3A = arith.constant 0 : i32
    %sign3A_0 = arith.cmpi sgt, %arg0, %sign3A : i32
    %sign3A_1 = arith.extui %sign3A_0 : i1 to i32
    %sign3A_2 = arith.constant 0 : i32
    %sign3A_3 = arith.cmpi slt, %arg0, %sign3A_2 : i32
    %sign3A_4 = arith.extui %sign3A_3 : i1 to i32
    %sign3A_5 = arith.subi %sign3A_1, %sign3A_4 : i32
    %sign3A_6 = arith.constant 0 : i32
    %sign3A_7 = arith.cmpi sgt, %jit3A, %sign3A_6 : i32
    %sign3A_8 = arith.extui %sign3A_7 : i1 to i32
    %sign3A_9 = arith.constant 0 : i32
    %sign3A_10 = arith.cmpi slt, %jit3A, %sign3A_9 : i32
    %sign3A_11 = arith.extui %sign3A_10 : i1 to i32
    %sign3A_12 = arith.subi %sign3A_8, %sign3A_11 : i32
    %ne3A = arith.cmpi ne, %sign3A_5, %sign3A_12 : i32
    %rem3A = arith.remsi %arg0, %jit3A : i32
    %ne3A_13 = arith.constant 0 : i32
    %ne3A_14 = arith.cmpi ne, %rem3A, %ne3A_13 : i32
    %and3A = arith.andi %ne3A, %ne3A_14 : i1
    %sub3A = arith.constant 1 : i32
    %sub3A_15 = arith.subi %div3A, %sub3A : i32
    %select_n3A = arith.select %and3A, %sub3A_15, %div3A : i32
    %jit3A_16 = arith.constant 5 : i32
    %eq3A = arith.constant 0 : i32
    %eq3A_17 = arith.cmpi eq, %jit3A_16, %eq3A : i32
    %jit3A_18 = arith.constant 1 : i32
    %select_n3A_19 = arith.select %eq3A_17, %jit3A_18, %jit3A_16 : i32
    %rem3A_20 = arith.remsi %arg0, %select_n3A_19 : i32
    %ne3A_21 = arith.constant 0 : i32
    %ne3A_22 = arith.cmpi ne, %rem3A_20, %ne3A_21 : i32
    %lt3A = arith.constant 0 : i32
    %lt3A_23 = arith.cmpi slt, %rem3A_20, %lt3A : i32
    %lt3A_24 = arith.constant 0 : i32
    %lt3A_25 = arith.cmpi slt, %select_n3A_19, %lt3A_24 : i32
    %ne3A_26 = arith.xori %lt3A_23, %lt3A_25 : i1
    %and3A_27 = arith.andi %ne3A_26, %ne3A_22 : i1
    %add3A = arith.addi %rem3A_20, %select_n3A_19 : i32
    %select_n3A_28 = arith.select %and3A_27, %add3A, %rem3A_20 : i32
    %c0_i32 = arith.constant 0 : i32
    %c0_i32_29 = arith.constant 0 : i32
    return %select_n3A, %select_n3A_28, %c0_i32 : i32, i32, i32
  }
  func.func @transform_2(%arg0: i32) -> (i32, i32) {
    %c0_i32 = arith.constant 0 : i32
    %c0_i32_0 = arith.constant 0 : i32
    return %arg0, %c0_i32 : i32, i32
  }
  func.func @transform_3(%arg0: i32) -> (i32, i32) {
    %c0_i32 = arith.constant 0 : i32
    %c0_i32_0 = arith.constant 0 : i32
    %c0_i32_1 = arith.constant 0 : i32
    return %c0_i32, %c0_i32_0 : i32, i32
  }
  func.func @transform_4(%arg0: i32) -> (i32, i32) {
    %c0_i32 = arith.constant 0 : i32
    %c0_i32_0 = arith.constant 0 : i32
    %c0_i32_1 = arith.constant 0 : i32
    return %c0_i32, %c0_i32_0 : i32, i32
  }
  func.func @transform_5(%arg0: i32) -> (i32, i32) {
    %c0_i32 = arith.constant 0 : i32
    %c0_i32_0 = arith.constant 0 : i32
    %c0_i32_1 = arith.constant 0 : i32
    return %c0_i32, %c0_i32_0 : i32, i32
  }
  func.func @transform_6(%arg0: i32) -> (i32, i32) {
    %c0_i32 = arith.constant 0 : i32
    %c0_i32_0 = arith.constant 0 : i32
    return %arg0, %c0_i32 : i32, i32
  }
}

</mosaic_0001>

<sc_bundles>
// kernel: kernel.10.cloned.1.call-start
scs
__scs_entry_jumppad:
0x0: {  	(pc) =	sbr.rel $0x88, $3  }
0x1: {  	(tag) =	ssettag $0x0;
	lr =	simm.s32 $0x1  }
0x2: {  	[smem:$0x3F97] =	sst lr;
	_ =	strace $0xD0000000  }
0x3: {  	_ = 	snop  }
0x4: {  	_ = 	snop  }
0x5: {  	_ = 	snop  }
0x6: {  	_ = 	snop  }
0x7: {  	_ = 	snop  }
__scs_overlays_trampoline_lowered:
0x8: {  	[smem:$0x3FA6] =	sst s0  }
0x9: {  	[smem:$0x3FA7] =	sst s1  }
0xa: {  	[smem:$0x3FA8] =	sst s2  }
0xb: {  	[smem:$0x3FA9] =	sst s3  }
0xc: {  	[smem:$0x3FAA] =	sst s4  }
0xd: {  	[smem:$0x3FAB] =	sst s5  }
0xe: {  	[smem:$0x3FAC] =	sst s6  }
0xf: {  	[smem:$0x3FAD] =	sst s7  }
0x10: {  	[smem:$0x3FAE] =	sst s8  }
0x11: {  	[smem:$0x3FAF] =	sst s9;
	s0 =	simm.s32 @!p0 $0x0  }
0x12: {  	s1 =	sld [smem:$0x3F95];
	s0 =	simm.s32 @p0 $0x1  }
0x13: {  	[smem:$0x3FB0] =	sst s0;
	s0 =	simm.s32 @!p1 $0x0  }
0x14: {  	s2 =	sld [smem:$0x3F94];
	s0 =	simm.s32 @p1 $0x1  }
0x15: {  	[smem:$0x3FB1] =	sst s0;
	s0 =	simm.s32 @!p2 $0x0  }
0x16: {  	s3 =	sld [smem:$0x3FDB];
	s0 =	simm.s32 @p2 $0x1  }
0x17: {  	s4 =	simm.s32 $0x1BF5;
	[smem:$0x3FB3] =	sst s0  }
0x18: {  	s0 =	sld [smem:$0x3F96];
	_ =	swait.ge [sflag:s4], $0x0  }
0x19: {  	s7 =	sld [smem:$0x3F97]  }
0x1a: {  	s8 =	sadd.s32 $0xFFFFE003, lr  }
0x1b: {  	s9 =	sadd.s32 $0xFFFFFEF7, lr;
	s5 =	simm.s32 $0xFFFFFFFF;
	p2 =	slt.u32 s8, $0xFFFFF086  }
0x1c: {  	p1 =	slt.u32 s9, $0xF7A;
	s5 =	simm.s32 @!p2 $0x0  }
0x1d: {  	s5 =	simm.s32 @p1 $0x1;
	p0 =	seq.s32 s7, s2  }
0x1e: {  	s7 =	smul.u32 @!p0 $0xF7A, s2;
	p2 =	seq.s32 @!p0 s5, $0x0  }
0x1f: {  	s9 =	smul.u32 $0xF7A, s1;
	s8 =	simm.s32 @!p0 $0x1BF5;
	p2 =	por !p2, p0  }
0x20: {  	[sflag:s8] =	ssyncset.s32 @!p0 $0xFFFFF086;
	s6 =	sadd.s32 @!p0 s3, s7;
	s7 =	simm.s32 @!p0 $0x108  }
0x21: {  	s3 =	sadd.s32 s3, s9;
	s6 =	sadd.s32 @!p0 $0x88, s6;
	s7 =	simm.s32 @p2 $0x1082  }
0x22: {  	[simem:s7], [sflag:s8] =	dma.local @!p0 [hbm:s6], $0xF7A  }
0x23: {  	s9 =	sor.u32 $0xD0000000, s2;
	s6 =	simm.s32 $0x108;
	_ =	swait.ge @!p0 [sflag:s8], $0x0  }
0x24: {  	s3 =	sadd.s32 $0x88, s3;
	s6 =	simm.s32 @!p1 $0x1082;
	[sflag:s4] =	ssyncset.s32 $0xFFFFF086  }
0x25: {  	[simem:s6], [sflag:s4] =	dma.local [hbm:s3], $0xF7A  }
0x26: {  	[smem:$0x3F97] =	sst s1;
	(tag) =	ssettag s2;
	_ =	strace s9  }
0x27: {  	s1 =	sld [smem:$0x3FA7]  }
0x28: {  	s2 =	sld [smem:$0x3FA8]  }
0x29: {  	s4 =	sld [smem:$0x3FAA]  }
0x2a: {  	p0 =	seq.s32 s5, $0x0;
	s5 =	sld [smem:$0x3FAB]  }
0x2b: {  	s6 =	sld [smem:$0x3FAC]  }
0x2c: {  	s7 =	sld [smem:$0x3FAD]  }
0x2d: {  	s3 =	simm.s32 $0x108;
	s8 =	sld [smem:$0x3FAE]  }
0x2e: {  	s3 =	simm.s32 @!p0 $0x1082;
	s9 =	sld [smem:$0x3FAF]  }
0x2f: {  	lr =	sadd.s32 s0, s3;
	s0 =	sld [smem:$0x3FA6]  }
0x30: {  	s3 =	sld [smem:$0x3FA9]  }
0x31: {  	[smem:$0x3FB2] =	sst s10  }
0x32: {  	s10 =	sld [smem:$0x3FB0];
	_ =	sdelay $0x3  }
0x33: {  	p0 =	seq.s32 s10, $0x1;
	s10 =	sld [smem:$0x3FB2];
	_ =	sdelay $0x3  }
0x34: {  	[smem:$0x3FB2] =	sst s10  }
0x35: {  	s10 =	sld [smem:$0x3FB1];
	_ =	sdelay $0x3  }
0x36: {  	p1 =	seq.s32 s10, $0x1;
	s10 =	sld [smem:$0x3FB2];
	_ =	sdelay $0x3  }
0x37: {  	[smem:$0x3FB2] =	sst s10  }
0x38: {  	s10 =	sld [smem:$0x3FB3]  }
0x39: {  	_ = 	snop;
	(pc) =	sbr.ind lr, $3  }
0x3a: {  	_ = 	snop  }
0x3b: {  	_ = 	snop  }
0x3c: {  	p2 =	seq.s32 s10, $0x1;
	s10 =	sld [smem:$0x3FB2]  }
0x3d: {  	_ =	shalt  }
0x3e: {  	_ =	shalt  }
0x3f: {  	_ =	shalt  }
0x40: {  	_ =	shalt  }
0x41: {  	_ =	shalt  }
0x42: {  	_ =	shalt  }
0x43: {  	_ =	shalt  }
0x44: {  	_ =	shalt  }
0x45: {  	_ =	shalt  }
0x46: {  	_ =	shalt  }
0x47: {  	_ =	shalt  }
0x48: {  	_ =	shalt  }
0x49: {  	_ =	shalt  }
0x4a: {  	_ =	shalt  }
0x4b: {  	_ =	shalt  }
0x4c: {  	_ =	shalt  }
0x4d: {  	_ =	shalt  }
0x4e: {  	_ =	shalt  }
0x4f: {  	_ =	shalt  }
0x50: {  	_ =	shalt  }
0x51: {  	_ =	shalt  }
0x52: {  	_ =	shalt  }
0x53: {  	_ =	shalt  }
0x54: {  	_ =	shalt  }
0x55: {  	_ =	shalt  }
0x56: {  	_ =	shalt  }
0x57: {  	_ =	shalt  }
0x58: {  	_ =	shalt  }
0x59: {  	_ =	shalt  }
0x5a: {  	_ =	shalt  }
0x5b: {  	_ =	shalt  }
0x5c: {  	_ =	shalt  }
0x5d: {  	_ =	shalt  }
0x5e: {  	_ =	shalt  }
0x5f: {  	_ =	shalt  }
0x60: {  	_ =	shalt  }
0x61: {  	_ =	shalt  }
0x62: {  	_ =	shalt  }
0x63: {  	_ =	shalt  }
0x64: {  	_ =	shalt  }
0x65: {  	_ =	shalt  }
0x66: {  	_ =	shalt  }
0x67: {  	_ =	shalt  }
0x68: {  	_ =	shalt  }
0x69: {  	_ =	shalt  }
0x6a: {  	_ =	shalt  }
0x6b: {  	_ =	shalt  }
0x6c: {  	_ =	shalt  }
0x6d: {  	_ =	shalt  }
0x6e: {  	_ =	shalt  }
0x6f: {  	_ =	shalt  }
0x70: {  	_ =	shalt  }
0x71: {  	_ =	shalt  }
0x72: {  	_ =	shalt  }
0x73: {  	_ =	shalt  }
0x74: {  	_ =	shalt  }
0x75: {  	_ =	shalt  }
0x76: {  	_ =	shalt  }
0x77: {  	_ =	shalt  }
0x78: {  	_ =	shalt  }
0x79: {  	_ =	shalt  }
0x7a: {  	_ =	shalt  }
0x7b: {  	_ =	shalt  }
0x7c: {  	_ =	shalt  }
0x7d: {  	_ =	shalt  }
0x7e: {  	_ =	shalt  }
0x7f: {  	_ =	shalt  }
0x80: {  	_ =	shalt  }
0x81: {  	_ =	shalt  }
0x82: {  	_ =	shalt  }
0x83: {  	_ =	shalt  }
0x84: {  	_ =	shalt  }
0x85: {  	_ =	shalt  }
0x86: {  	_ =	shalt  }
0x87: {  	_ =	shalt  }
.Lfunc_end0:
.L_simem_size_0:
called_computation_lowered:
.L_overlay_start_0:
0x88: {  	s2 =	sld [smem:$0x3FD9]  }
0x89: {  	s3 =	sld [smem:$0x3FFE];
	_ =	sdelay $0x1  }
0x8a: {  	s1 =	srdreg.scid  }
0x8b: {  	s0 =	sand.u32 $0x1, s1  }
0x8c: {  	s17 =	sshll.u32 s0, $0xA;
	s2 =	sadd.s32 s3, s2  }
0x8d: {  	s2 =	sadd.s32 s2, s17  }
0x8e: {  	[smem:$0x3FBE] =	sst s2  }
0x8f: {  	_ = 	snop  }
0x90: {  	s2 =	sld [smem:$0x3FD0];
	(tm) =	ssettm $0x1  }
0x91: {  	s18 =	sld [smem:$0x3FFB];
	_ =	sdelay $0x3  }
0x92: {  	_ =	strace s18  }
0x93: {  	s3 =	sld [smem:$0x3FFC];
	_ =	sdelay $0x3  }
0x94: {  	_ =	strace s3  }
0x95: {  	s3 =	sld [smem:$0x3FFD];
	_ =	sdelay $0x3  }
0x96: {  	_ =	strace s3  }
0x97: {  	_ =	strace $0x8FFFFFFF  }
0x98: {  	s19 =	sld [smem:$0x3FDB];
	_ =	sdelay $0x1  }
0x99: {  	s4 =	simm.s32 $_scs_section_size  }
0x9a: {  	s5 =	simm.s32 $_size__tile_overlayer_lowered;
	s6 =	simm.s32 $_tile_overlayer_lowered  }
0x9b: {  	s22 =	simm.s32 $0x1BFF;
	s21 =	sshll.u32 s6, $0x1;
	s3 =	sadd.s32 s4, s19  }
0x9c: {  	s7 =	simm.s32 $0x0;
	s20 =	sshll.u32 s5, $0x1;
	s5 =	sadd.s32 s21, s3  }
0x9d: {  	[timem:s7], [sflag:s22] =	dma.local [hbm:s5], s20  }
0x9e: {  	_ =	swait.ge [sflag:s22], s20  }
0x9f: {  	s4 =	ssub.s32 $0x0, s20;
	[sflag:s22] =	ssyncset.done $0x0  }
0xa0: {  	[sflag:s22] =	ssyncadd.s32 s4;
	_ =	sdelay $0x1  }
0xa1: {  	s23 =	simm.s32 $0x1B8B  }
0xa2: {  	_ =	swait.ge [sflag:s23], $0x1  }
0xa3: {  	[sflag:s23] =	ssyncset.done $0x0  }
0xa4: {  	s25 =	simm.s32 $0x1B8E;
	s24 =	sld [smem:$0x3FFE];
	[sflag:s23] =	ssyncadd.s32 $0xFFFFFFFF  }
0xa5: {  	s26 =	simm.s32 $execute0_lowered;
	[smem:$0x3FD2] =	sst s25  }
0xa6: {  	s5 =	sshll.u32 s26, $0x1;
	_ =	strace $0x80000046;
	[dreg:$0x1] =	wrdreg $0xFFFFFFFF  }
0xa7: {  	s28 =	simm.s32 $_size_execute0_lowered;
	s3 =	sadd.s32 s3, s5;
	[dreg:$0x0] =	wrdreg $0x0  }
0xa8: {  	s5 =	sshll.u32 s28, $0x1;
	[dreg:$0x2] =	wrdreg s3  }
0xa9: {  	[dreg:$0x3] =	wrdreg s5  }
0xaa: {  	[dreg:$0x4] =	wrdreg $0xC0  }
0xab: {  	_ =	task [dreg:s7], $0x5FFFF  }
0xac: {  	[dreg:$0x1] =	wrdreg $0xFFFFFFFF  }
0xad: {  	[dreg:$0x0] =	wrdreg $0x60  }
0xae: {  	[dreg:$0x2] =	wrdreg s2  }
0xaf: {  	[dreg:$0x3] =	wrdreg s24  }
0xb0: {  	[dreg:$0x4] =	wrdreg $0x9  }
0xb1: {  	_ =	task.clear_ibuf [dreg:s7], $0x5FFFF;
	_ =	strace $0x90000046  }
0xb2: {  	s29 =	simm.s32 $0x9;
	_ =	strace $0x80000048  }
0xb3: {  	_ =	swait.ge [sflag:s29], $0x1  }
0xb4: {  	[sflag:s29] =	ssyncadd.s32 $0xFFFFFFFF  }
0xb5: {  	_ =	strace $0x90000048  }
0xb6: {  	_ =	sfence  }
0xb7: {  	s30 =	sld [smem:$0x0];
	_ =	sdelay $0x2  }
0xb8: {  	s31 =	sshll.u32 s1, $0xD;
	s1 =	sshrl.u32 s1, $0x2  }
0xb9: {  	s3 =	sand.u32 $0x4000, s31;
	s1 =	sadd.s32 s1, s30  }
0xba: {  	s0 =	sor.u32 s3, s0;
	s1 =	sshll.u32 s1, $0x11  }
0xbb: {  	s0 =	sor.u32 s1, s0  }
0xbc: {  	s0 =	sadd.s32 $0x8F2B, s0  }
0xbd: {  	[sflag:s0] =	ssyncadd.remote.s32 $0x1  }
0xbe: {  	_ =	sfence.sel $0xFFFF  }
0xbf: {  	[dreg:$0x0] =	wrdreg $0xFFFFFFFF;
	(pc) =	sbr.abs _section_cstart, $3  }
0xc0: {  	[dreg:$0x1] =	wrdreg $0xFFFFFFFF  }
0xc1: {  	_ =	task.clear_ibuf [dreg:s7], $0x2FFFF;
	_ =	strace $0x9FFFFFFF  }
0xc2: {  	(tm) =	ssettm $0x7FFFFFFF  }
0xc3: {  	_ =	shalt  }
tec
execute0_lowered:
.L_overlay_start_1:
0x0: {  	(tag) =	ssettag $0x1  }
0x1: {  	s3 =	rddreg [dreg:$0x0];
	s0 =	stileid.u32  }
0x2: {  	s1 =	srdreg.scid;
	s4 =	rddreg [dreg:$0x1]  }
0x3: {  	s2 =	simm.s32 $0x0;
	s6 =	sand.u32 $0x1, s1;
	s1 =	rddreg [dreg:$0x2]  }
0x4: {  	s14 =	simm.s32 $0x0;
	s5 =	smul.u32 $0x5000, s0;
	[smem:$0x7FF] =	sst s2  }
0x5: {  	s29 =	sshll.u32 s0, $0x4;
	s7 =	smul.u32 $0x50000, s6;
	_ =	strace $0x80000047  }
0x6: {  	s9 =	ssub.s32 $0x2, s6;
	s12 =	sadd.s32 s29, s4;
	s30 =	smul.u32 $0x1388, s6  }
0x7: {  	s6 =	sshll.u32 s6, $0x8;
	s8 =	sshrl.u32 s5, $0x3;
	s11 =	sshrl.u32 s9, $0x1  }
0x8: {  	s31 =	sadd.s32 s6, s12;
	s12 =	simm.s32 $0xF000;
	s5 =	sadd.s32 s5, s7  }
0x9: {  	s28 =	sadd.s32 s8, s4;
	s9 =	ssub.s32 s9, s11;
	s3 =	sadd.s32 s3, s8  }
0xa: {  	s13 =	sadd.s32 $0x1388, s30;
	s7 =	sadd.s32 $0x35800, s31;
	s11 =	simm.s32 $0xA000  }
0xb: {  	s5 =	sshrl.u32 s5, $0x3;
	s8 =	smax.u32 s9, $0x1;
	s9 =	simm.s32 $0x1  }
0xc: {  	v2 =	vimm.s32 $0x0;
	v1 =	vmov s13;
	s13 =	simm.s32 $0x14000;
	s10 =	sadd.s32 s5, s4;
	s4 =	sadd.s32 $0x3800, s28  }
0xd: {  	v3 =	vlaneseq.u32;
	v4 =	vimm.s32 $0x1388;
	v0 =	vmov s30;
	s5 =	sadd.s32 $0xD800, s10;
	s6 =	sadd.s32 $0x21800, s10;
	s10 =	simm.s32 $0x5000  }
.LBB2_1:
0xe: {  	[tilespmem:s2], [sflag:$0x1] =	stream.linear.gather [hbm4b:s3+s2], $0x4E80, $0x38;
	[tilespmem:$0x14080] =	vst v63  }
0xf: {  	_ =	swait.ge [sflag:s9], $0x4E80  }
0x10: {  	[sflag:s9] =	ssyncset.done $0x0  }
0x11: {  	[sflag:s9] =	ssyncadd.s32 $0xFFFFB180  }
0x12: {  	[tilespmem:s10], [sflag:$0x1] =	stream.linear.gather [hbm4b:s4+s2], $0x4E80, $0x38;
	[tilespmem:$0x14080] =	vst v63  }
0x13: {  	_ =	swait.ge [sflag:s9], $0x4E80  }
0x14: {  	[sflag:s9] =	ssyncset.done $0x0  }
0x15: {  	s15 =	simm.s32 $0x0;
	[sflag:s9] =	ssyncadd.s32 $0xFFFFB180  }
0x16: {  	v5 =	vld [tilespmem:s15+$0x5000];
	_ =	sdelay $0x4  }
0x17: {  	vm0 =	vge.s32 v5, v0;
	vm1 =	vlt.s32 v5, v1  }
0x18: {  	vm0 =	vmand vm0, vm1  }
0x19: {  	v6 =	vsel vm0, $0x1, v2  }
0x1a: {  	(xrf0) =	vadd.scan.msk.s32 $0xffff, v6;
	_ =	sdelay $0x5  }
0x1b: {  	v7, _, _ =	vpop (xrf0)  }
0x1c: {  	v6 =	vmov s2;
	v8 =	vxor.u32 $0x80000000, v7  }
0x1d: {  	v6 =	vadd.s32 $0xFFFFFFFF, v6;
	(xrf0) =	vmax.scan.msk.u32 $0xffff, v8  }
0x1e: {  	v6 =	vbroadcast v6, $0x0;
	_ =	sdelay $0x1  }
0x1f: {  	v63 =	vld [tilespmem:s15+$0x0];
	v6 =	vadd.s32 v7, v6;
	_ =	sdelay $0x2  }
0x20: {  	v7, _, _ =	vpop (xrf0)  }
0x21: {  	(v2sf) =	vpush v7, $0xF  }
0x22: {  	v5 =	vsub.s32 v5, v0;
	[tilespmem:v6+s11+$0x0] =	vst.idx.msk vm0, v63  }
0x23: {  	s17 =	simm.s32 $0x10;
	s16 =	simm.s32 $0x80;
	s15 =	simm.s32 $0x0;
	[tilespmem:v6+s12+$0x0] =	vst.idx.msk vm0, v5  }
.LBB2_2:
0x24: {  	p0 =	sne.s32 s16, $0x139C0;
	v5 =	vld [tilespmem:s17+$0x5000];
	_ =	sdelay $0x4  }
0x25: {  	vm0 =	vge.s32 v5, v0;
	vm1 =	vlt.s32 v5, v1;
	v5 =	vsub.s32 v5, v0  }
0x26: {  	vm0 =	vmand vm0, vm1  }
0x27: {  	v6 =	vsel vm0, $0x1, v2  }
0x28: {  	(xrf0) =	vadd.scan.msk.s32 $0xffff, v6;
	_ =	sdelay $0x3  }
0x29: {  	s18 =	spop (v2sf)  }
0x2a: {  	s15 =	sadd.s32 s18, s15  }
0x2b: {  	v6, _, _ =	vpop (xrf0);
	s15 =	sadd.s32 $0x80000000, s15  }
0x2c: {  	v7 =	vmov s15;
	v8 =	vxor.u32 $0x80000000, v6  }
0x2d: {  	v7 =	vadd.s32 $0xFFFFFFFF, v7;
	(xrf0) =	vmax.scan.msk.u32 $0xffff, v8  }
0x2e: {  	v7 =	vbroadcast v7, $0x0;
	_ =	sdelay $0x1  }
0x2f: {  	v8 =	vld [tilespmem:s17+$0x0];
	v6 =	vadd.s32 v6, v7;
	_ =	sdelay $0x1  }
.Ltmp0:
0x30: {  	(pc) =	sbr.rel @p0 .LBB2_2-.Ltmp0, $4  }
0x31: {  	v7, _, _ =	vpop (xrf0)  }
0x32: {  	(v2sf) =	vpush v7, $0xF  }
0x33: {  	[tilespmem:v6+s11+$0x0] =	vst.idx.msk vm0, v8  }
0x34: {  	s17 =	sshra.s32 s16, $0x2;
	s16 =	sadd.s32 $0x40, s16;
	[tilespmem:v6+s12+$0x0] =	vst.idx.msk vm0, v5  }
0x35: {  	v5 =	vld [tilespmem:s17+$0x5000];
	_ =	sdelay $0x4  }
0x36: {  	vm0 =	vge.s32 v5, v0;
	vm1 =	vlt.s32 v5, v1  }
0x37: {  	vm0 =	vmand vm0, vm1  }
0x38: {  	v6 =	vsel vm0, $0x1, v2  }
0x39: {  	(xrf0) =	vadd.scan.msk.s32 $0xffff, v6;
	_ =	sdelay $0x5  }
0x3a: {  	v6, _, _ =	vpop (xrf0)  }
0x3b: {  	v7 =	vxor.u32 $0x80000000, v6  }
0x3c: {  	(xrf0) =	vmax.scan.msk.u32 $0xffff, v7;
	_ =	sdelay $0x5  }
0x3d: {  	v7, _, _ =	vpop (xrf0)  }
0x3e: {  	(v2sf) =	vpush v7, $0xF;
	_ =	sdelay $0xc  }
0x3f: {  	s16 =	spop (v2sf)  }
0x40: {  	s15 =	sadd.s32 s16, s15  }
0x41: {  	s15 =	sadd.s32 $0x80000000, s15;
	s29 =	spop (v2sf)  }
0x42: {  	s16 =	sadd.s32 s29, s15  }
0x43: {  	v7 =	vmov s15;
	s16 =	sadd.s32 $0x80000000, s16  }
0x44: {  	v7 =	vadd.s32 $0xFFFFFFFF, v7;
	s30 =	sadd.s32 $0xFF, s16  }
0x45: {  	v7 =	vbroadcast v7, $0x0;
	s15 =	sand.u32 $0xFFFFFF00, s30  }
0x46: {  	p0 =	sgt.s32 s15, $0x100  }
0x47: {  	v8 =	vld [tilespmem:s17+$0x0];
	v6 =	vadd.s32 v6, v7;
	v7 =	vadd.s32 s16, v3;
	s15 =	simm.s32 @!p0 $0x100  }
0x48: {  	s31 =	sadd.s32 $0x10, s16;
	vm12 =	vlt.s32 v7, s15  }
0x49: {  	v9 =	vadd.s32 s31, v3  }
0x4a: {  	s18 =	sadd.s32 $0x20, s16;
	vm2 =	vlt.s32 v9, s15  }
0x4b: {  	v10 =	vadd.s32 s18, v3  }
0x4c: {  	v5 =	vsub.s32 v5, v0;
	[tilespmem:v6+s11+$0x0] =	vst.idx.msk vm0, v8;
	s19 =	sadd.s32 $0x30, s16;
	vm3 =	vlt.s32 v10, s15  }
0x4d: {  	[tilespmem:v6+s12+$0x0] =	vst.idx.msk vm0, v5;
	v5 =	vadd.s32 s19, v3  }
0x4e: {  	s20 =	sadd.s32 $0x40, s16;
	vm13 =	vlt.s32 v5, s15;
	[tilespmem:v7+s11+$0x0] =	vst.idx.msk vm12, v2  }
0x4f: {  	v6 =	vadd.s32 s20, v3;
	[tilespmem:v7+s12+$0x0] =	vst.idx.msk vm12, v4  }
0x50: {  	s21 =	sadd.s32 $0x50, s16;
	vm14 =	vlt.s32 v6, s15;
	[tilespmem:v9+s11+$0x0] =	vst.idx.msk vm2, v2  }
0x51: {  	v7 =	vadd.s32 s21, v3;
	[tilespmem:v9+s12+$0x0] =	vst.idx.msk vm2, v4  }
0x52: {  	s22 =	sadd.s32 $0x60, s16;
	vm15 =	vlt.s32 v7, s15;
	[tilespmem:v10+s11+$0x0] =	vst.idx.msk vm3, v2  }
0x53: {  	v61 =	vadd.s32 s22, v3;
	[tilespmem:v10+s12+$0x0] =	vst.idx.msk vm3, v4  }
0x54: {  	s23 =	sadd.s32 $0x70, s16;
	vm6 =	vlt.s32 v61, s15;
	[tilespmem:v5+s11+$0x0] =	vst.idx.msk vm13, v2  }
0x55: {  	[tilespmem:v5+s12+$0x0] =	vst.idx.msk vm13, v4;
	v5 =	vadd.s32 s23, v3  }
0x56: {  	s24 =	sadd.s32 $0x80, s16;
	[tilespmem:v6+s11+$0x0] =	vst.idx.msk vm14, v2;
	vm7 =	vlt.s32 v5, s15  }
0x57: {  	[tilespmem:v6+s12+$0x0] =	vst.idx.msk vm14, v4;
	v6 =	vadd.s32 s24, v3  }
0x58: {  	s25 =	sadd.s32 $0x90, s16;
	[tilespmem:v7+s11+$0x0] =	vst.idx.msk vm15, v2;
	vm8 =	vlt.s32 v6, s15  }
0x59: {  	[tilespmem:v7+s12+$0x0] =	vst.idx.msk vm15, v4;
	v7 =	vadd.s32 s25, v3  }
0x5a: {  	s26 =	sadd.s32 $0xA0, s16;
	[tilespmem:v61+s11+$0x0] =	vst.idx.msk vm6, v2;
	vm9 =	vlt.s32 v7, s15  }
0x5b: {  	v62 =	vadd.s32 s26, v3;
	[tilespmem:v61+s12+$0x0] =	vst.idx.msk vm6, v4  }
0x5c: {  	s28 =	sadd.s32 $0xB0, s16;
	vm10 =	vlt.s32 v62, s15;
	[tilespmem:v5+s11+$0x0] =	vst.idx.msk vm7, v2  }
0x5d: {  	[tilespmem:v5+s12+$0x0] =	vst.idx.msk vm7, v4;
	v5 =	vadd.s32 s28, v3  }
0x5e: {  	s29 =	sadd.s32 $0xC0, s16;
	[tilespmem:v6+s11+$0x0] =	vst.idx.msk vm8, v2;
	vm11 =	vlt.s32 v5, s15  }
0x5f: {  	[tilespmem:v6+s12+$0x0] =	vst.idx.msk vm8, v4;
	v6 =	vadd.s32 s29, v3  }
0x60: {  	s30 =	sadd.s32 $0xD0, s16;
	[tilespmem:v7+s11+$0x0] =	vst.idx.msk vm9, v2;
	vm12 =	vlt.s32 v6, s15  }
0x61: {  	[tilespmem:v7+s12+$0x0] =	vst.idx.msk vm9, v4;
	v7 =	vadd.s32 s30, v3  }
0x62: {  	s31 =	sadd.s32 $0xE0, s16;
	[tilespmem:v62+s11+$0x0] =	vst.idx.msk vm10, v2;
	vm13 =	vlt.s32 v7, s15  }
0x63: {  	v63 =	vadd.s32 s31, v3;
	[tilespmem:v62+s12+$0x0] =	vst.idx.msk vm10, v4  }
0x64: {  	s16 =	sadd.s32 $0xF0, s16;
	vm14 =	vlt.s32 v63, s15;
	[tilespmem:v5+s11+$0x0] =	vst.idx.msk vm11, v2  }
0x65: {  	[tilespmem:v5+s12+$0x0] =	vst.idx.msk vm11, v4;
	v5 =	vadd.s32 s16, v3  }
0x66: {  	[tilespmem:v6+s11+$0x0] =	vst.idx.msk vm12, v2;
	vm15 =	vlt.s32 v5, s15  }
0x67: {  	[tilespmem:v6+s12+$0x0] =	vst.idx.msk vm12, v4  }
0x68: {  	[tilespmem:v7+s11+$0x0] =	vst.idx.msk vm13, v2  }
0x69: {  	[tilespmem:v7+s12+$0x0] =	vst.idx.msk vm13, v4  }
0x6a: {  	[tilespmem:v63+s11+$0x0] =	vst.idx.msk vm14, v2  }
0x6b: {  	[tilespmem:v63+s12+$0x0] =	vst.idx.msk vm14, v4  }
0x6c: {  	s15 =	sshrl.u32 s15, $0x7;
	[tilespmem:v5+s11+$0x0] =	vst.idx.msk vm15, v2  }
0x6d: {  	[tilespmem:v5+s12+$0x0] =	vst.idx.msk vm15, v4;
	v5 =	vmov s15  }
0x6e: {  	[tilespmem:$0x14000] =	vst v5  }
0x6f: {  	[tilespmem:$0x14010] =	vst v5  }
0x70: {  	[tilespmem:$0x14020] =	vst v5  }
0x71: {  	[tilespmem:$0x14030] =	vst v5  }
0x72: {  	[tilespmem:$0x14040] =	vst v5  }
0x73: {  	[tilespmem:$0x14050] =	vst v5  }
0x74: {  	[tilespmem:$0x14060] =	vst v5  }
0x75: {  	[tilespmem:$0x14070] =	vst v5  }
0x76: {  	[hbm4b:s5+s2] =	stream.linear.scatter [tilespmem:s11], [sflag:$0x1], $0x5000, $0x38;
	[tilespmem:$0x14080] =	vst v63  }
0x77: {  	_ =	swait.ge [sflag:s9], $0x5000  }
0x78: {  	[sflag:s9] =	ssyncset.done $0x0  }
0x79: {  	[sflag:s9] =	ssyncadd.s32 $0xFFFFB000  }
0x7a: {  	[hbm4b:s6+s2] =	stream.linear.scatter [tilespmem:s12], [sflag:$0x1], $0x5000, $0x38;
	[tilespmem:$0x14080] =	vst v63  }
0x7b: {  	s14 =	sadd.s32 $0x1, s14;
	_ =	swait.ge [sflag:s9], $0x5000  }
0x7c: {  	p0 =	sne.s32 s14, s8;
	[sflag:s9] =	ssyncset.done $0x0  }
.Ltmp1:
0x7d: {  	[sflag:s9] =	ssyncadd.s32 $0xFFFFB000;
	(pc) =	sbr.rel @p0 .LBB2_1-.Ltmp1, $4  }
0x7e: {  	[hbm4b:s7+s2] =	stream.linear.scatter [tilespmem:s13], [sflag:$0x1], $0x80, $0x38;
	[tilespmem:$0x14080] =	vst v63  }
0x7f: {  	_ =	swait.ge [sflag:s9], $0x80  }
0x80: {  	[sflag:s9] =	ssyncset.done $0x0  }
0x81: {  	[sflag:s9] =	ssyncadd.s32 $0xFFFFFF80  }
0x82: {  	_ =	sfence.sel $0x180000  }
0x83: {  	[bflag:$0x0] =	sbarrier.arrive $0xFFFF  }
0x84: {  	p0 =	sne.s32 s0, $0x0;
	_ =	strace $0x90000047  }
0x85: {  	s0 =	sadd.s32 @!p0 $0x100000, s1;
	[bflag:$0x2] =	sbarrier.arrive $0xFFFF  }
0x86: {  	[sflag:s0] =	ssyncadd.tile.s32 @!p0 $0x1;
	_ =	shalt  }
.Lfunc_end2:
_tile_overlayer_lowered:
.L_overlay_start_2:
0x87: {  	(tag) =	ssettag $0x2  }
0x88: {  	s0 =	rddreg [dreg:$0x0];
	s2 =	stileid.u32  }
0x89: {  	s1 =	rddreg [dreg:$0x1];
	p0 =	sne.s32 s2, $0x0  }
0x8a: {  	s3 =	rddreg [dreg:$0x2];
	[bflag:$0x3] =	sbarrier.arrive $0xFFFF;
	s2 =	simm.s32 @!p0 $0x1C01  }
0x8b: {  	[timem:s3], [sflag:s2] =	dma.local @!p0 [hbm:s0], s1  }
0x8c: {  	s0 =	simm.s32 @!p0 $0x1  }
0x8d: {  	_ =	swait.ge @!p0 [sflag:s0], s1  }
0x8e: {  	s1 =	ssub.s32 @!p0 $0x0, s1;
	[sflag:s0] =	ssyncset.done @!p0 $0x0  }
0x8f: {  	[sflag:s0] =	ssyncadd.s32 @!p0 s1  }
0x90: {  	[bflag:$0x3] =	sbarrier.arrive $0xFFFF  }
0x91: {  	_ =	shalt  }

// kernel: kernel.13.cloned.1.call-start
scs
__scs_entry_jumppad:
0x0: {  	(pc) =	sbr.rel $0x88, $3  }
0x1: {  	(tag) =	ssettag $0x0;
	lr =	simm.s32 $0x1  }
0x2: {  	[smem:$0x3F97] =	sst lr;
	_ =	strace $0xD0000000  }
0x3: {  	_ = 	snop  }
0x4: {  	_ = 	snop  }
0x5: {  	_ = 	snop  }
0x6: {  	_ = 	snop  }
0x7: {  	_ = 	snop  }
__scs_overlays_trampoline_lowered:
0x8: {  	[smem:$0x3FA6] =	sst s0  }
0x9: {  	[smem:$0x3FA7] =	sst s1  }
0xa: {  	[smem:$0x3FA8] =	sst s2  }
0xb: {  	[smem:$0x3FA9] =	sst s3  }
0xc: {  	[smem:$0x3FAA] =	sst s4  }
0xd: {  	[smem:$0x3FAB] =	sst s5  }
0xe: {  	[smem:$0x3FAC] =	sst s6  }
0xf: {  	[smem:$0x3FAD] =	sst s7  }
0x10: {  	[smem:$0x3FAE] =	sst s8  }
0x11: {  	[smem:$0x3FAF] =	sst s9;
	s0 =	simm.s32 @!p0 $0x0  }
0x12: {  	s1 =	sld [smem:$0x3F95];
	s0 =	simm.s32 @p0 $0x1  }
0x13: {  	[smem:$0x3FB0] =	sst s0;
	s0 =	simm.s32 @!p1 $0x0  }
0x14: {  	s2 =	sld [smem:$0x3F94];
	s0 =	simm.s32 @p1 $0x1  }
0x15: {  	[smem:$0x3FB1] =	sst s0;
	s0 =	simm.s32 @!p2 $0x0  }
0x16: {  	s3 =	sld [smem:$0x3FDB];
	s0 =	simm.s32 @p2 $0x1  }
0x17: {  	s4 =	simm.s32 $0x1BF5;
	[smem:$0x3FB3] =	sst s0  }
0x18: {  	s0 =	sld [smem:$0x3F96];
	_ =	swait.ge [sflag:s4], $0x0  }
0x19: {  	s7 =	sld [smem:$0x3F97]  }
0x1a: {  	s8 =	sadd.s32 $0xFFFFE003, lr  }
0x1b: {  	s9 =	sadd.s32 $0xFFFFFEF7, lr;
	s5 =	simm.s32 $0xFFFFFFFF;
	p2 =	slt.u32 s8, $0xFFFFF086  }
0x1c: {  	p1 =	slt.u32 s9, $0xF7A;
	s5 =	simm.s32 @!p2 $0x0  }
0x1d: {  	s5 =	simm.s32 @p1 $0x1;
	p0 =	seq.s32 s7, s2  }
0x1e: {  	s7 =	smul.u32 @!p0 $0xF7A, s2;
	p2 =	seq.s32 @!p0 s5, $0x0  }
0x1f: {  	s9 =	smul.u32 $0xF7A, s1;
	s8 =	simm.s32 @!p0 $0x1BF5;
	p2 =	por !p2, p0  }
0x20: {  	[sflag:s8] =	ssyncset.s32 @!p0 $0xFFFFF086;
	s6 =	sadd.s32 @!p0 s3, s7;
	s7 =	simm.s32 @!p0 $0x108  }
0x21: {  	s3 =	sadd.s32 s3, s9;
	s6 =	sadd.s32 @!p0 $0x88, s6;
	s7 =	simm.s32 @p2 $0x1082  }
0x22: {  	[simem:s7], [sflag:s8] =	dma.local @!p0 [hbm:s6], $0xF7A  }
0x23: {  	s9 =	sor.u32 $0xD0000000, s2;
	s6 =	simm.s32 $0x108;
	_ =	swait.ge @!p0 [sflag:s8], $0x0  }
0x24: {  	s3 =	sadd.s32 $0x88, s3;
	s6 =	simm.s32 @!p1 $0x1082;
	[sflag:s4] =	ssyncset.s32 $0xFFFFF086  }
0x25: {  	[simem:s6], [sflag:s4] =	dma.local [hbm:s3], $0xF7A  }
0x26: {  	[smem:$0x3F97] =	sst s1;
	(tag) =	ssettag s2;
	_ =	strace s9  }
0x27: {  	s1 =	sld [smem:$0x3FA7]  }
0x28: {  	s2 =	sld [smem:$0x3FA8]  }
0x29: {  	s4 =	sld [smem:$0x3FAA]  }
0x2a: {  	p0 =	seq.s32 s5, $0x0;
	s5 =	sld [smem:$0x3FAB]  }
0x2b: {  	s6 =	sld [smem:$0x3FAC]  }
0x2c: {  	s7 =	sld [smem:$0x3FAD]  }
0x2d: {  	s3 =	simm.s32 $0x108;
	s8 =	sld [smem:$0x3FAE]  }
0x2e: {  	s3 =	simm.s32 @!p0 $0x1082;
	s9 =	sld [smem:$0x3FAF]  }
0x2f: {  	lr =	sadd.s32 s0, s3;
	s0 =	sld [smem:$0x3FA6]  }
0x30: {  	s3 =	sld [smem:$0x3FA9]  }
0x31: {  	[smem:$0x3FB2] =	sst s10  }
0x32: {  	s10 =	sld [smem:$0x3FB0];
	_ =	sdelay $0x3  }
0x33: {  	p0 =	seq.s32 s10, $0x1;
	s10 =	sld [smem:$0x3FB2];
	_ =	sdelay $0x3  }
0x34: {  	[smem:$0x3FB2] =	sst s10  }
0x35: {  	s10 =	sld [smem:$0x3FB1];
	_ =	sdelay $0x3  }
0x36: {  	p1 =	seq.s32 s10, $0x1;
	s10 =	sld [smem:$0x3FB2];
	_ =	sdelay $0x3  }
0x37: {  	[smem:$0x3FB2] =	sst s10  }
0x38: {  	s10 =	sld [smem:$0x3FB3]  }
0x39: {  	_ = 	snop;
	(pc) =	sbr.ind lr, $3  }
0x3a: {  	_ = 	snop  }
0x3b: {  	_ = 	snop  }
0x3c: {  	p2 =	seq.s32 s10, $0x1;
	s10 =	sld [smem:$0x3FB2]  }
0x3d: {  	_ =	shalt  }
0x3e: {  	_ =	shalt  }
0x3f: {  	_ =	shalt  }
0x40: {  	_ =	shalt  }
0x41: {  	_ =	shalt  }
0x42: {  	_ =	shalt  }
0x43: {  	_ =	shalt  }
0x44: {  	_ =	shalt  }
0x45: {  	_ =	shalt  }
0x46: {  	_ =	shalt  }
0x47: {  	_ =	shalt  }
0x48: {  	_ =	shalt  }
0x49: {  	_ =	shalt  }
0x4a: {  	_ =	shalt  }
0x4b: {  	_ =	shalt  }
0x4c: {  	_ =	shalt  }
0x4d: {  	_ =	shalt  }
0x4e: {  	_ =	shalt  }
0x4f: {  	_ =	shalt  }
0x50: {  	_ =	shalt  }
0x51: {  	_ =	shalt  }
0x52: {  	_ =	shalt  }
0x53: {  	_ =	shalt  }
0x54: {  	_ =	shalt  }
0x55: {  	_ =	shalt  }
0x56: {  	_ =	shalt  }
0x57: {  	_ =	shalt  }
0x58: {  	_ =	shalt  }
0x59: {  	_ =	shalt  }
0x5a: {  	_ =	shalt  }
0x5b: {  	_ =	shalt  }
0x5c: {  	_ =	shalt  }
0x5d: {  	_ =	shalt  }
0x5e: {  	_ =	shalt  }
0x5f: {  	_ =	shalt  }
0x60: {  	_ =	shalt  }
0x61: {  	_ =	shalt  }
0x62: {  	_ =	shalt  }
0x63: {  	_ =	shalt  }
0x64: {  	_ =	shalt  }
0x65: {  	_ =	shalt  }
0x66: {  	_ =	shalt  }
0x67: {  	_ =	shalt  }
0x68: {  	_ =	shalt  }
0x69: {  	_ =	shalt  }
0x6a: {  	_ =	shalt  }
0x6b: {  	_ =	shalt  }
0x6c: {  	_ =	shalt  }
0x6d: {  	_ =	shalt  }
0x6e: {  	_ =	shalt  }
0x6f: {  	_ =	shalt  }
0x70: {  	_ =	shalt  }
0x71: {  	_ =	shalt  }
0x72: {  	_ =	shalt  }
0x73: {  	_ =	shalt  }
0x74: {  	_ =	shalt  }
0x75: {  	_ =	shalt  }
0x76: {  	_ =	shalt  }
0x77: {  	_ =	shalt  }
0x78: {  	_ =	shalt  }
0x79: {  	_ =	shalt  }
0x7a: {  	_ =	shalt  }
0x7b: {  	_ =	shalt  }
0x7c: {  	_ =	shalt  }
0x7d: {  	_ =	shalt  }
0x7e: {  	_ =	shalt  }
0x7f: {  	_ =	shalt  }
0x80: {  	_ =	shalt  }
0x81: {  	_ =	shalt  }
0x82: {  	_ =	shalt  }
0x83: {  	_ =	shalt  }
0x84: {  	_ =	shalt  }
0x85: {  	_ =	shalt  }
0x86: {  	_ =	shalt  }
0x87: {  	_ =	shalt  }
.Lfunc_end0:
.L_simem_size_0:
called_computation.1_lowered:
.L_overlay_start_0:
0x88: {  	s2 =	sld [smem:$0x3FD9]  }
0x89: {  	s3 =	sld [smem:$0x3FFE];
	_ =	sdelay $0x1  }
0x8a: {  	s1 =	srdreg.scid  }
0x8b: {  	s0 =	sand.u32 $0x1, s1  }
0x8c: {  	s17 =	sshll.u32 s0, $0xA;
	s2 =	sadd.s32 s3, s2  }
0x8d: {  	s2 =	sadd.s32 s2, s17  }
0x8e: {  	[smem:$0x3FBE] =	sst s2  }
0x8f: {  	_ = 	snop  }
0x90: {  	s2 =	sld [smem:$0x3FD0];
	(tm) =	ssettm $0x1  }
0x91: {  	s18 =	sld [smem:$0x3FFB];
	_ =	sdelay $0x3  }
0x92: {  	_ =	strace s18  }
0x93: {  	s3 =	sld [smem:$0x3FFC];
	_ =	sdelay $0x3  }
0x94: {  	_ =	strace s3  }
0x95: {  	s3 =	sld [smem:$0x3FFD];
	_ =	sdelay $0x3  }
0x96: {  	_ =	strace s3  }
0x97: {  	_ =	strace $0x8FFFFFFF  }
0x98: {  	s19 =	sld [smem:$0x3FDB];
	_ =	sdelay $0x1  }
0x99: {  	s4 =	simm.s32 $_scs_section_size  }
0x9a: {  	s5 =	simm.s32 $_size__tile_overlayer_lowered;
	s6 =	simm.s32 $_tile_overlayer_lowered  }
0x9b: {  	s22 =	simm.s32 $0x1BFF;
	s21 =	sshll.u32 s6, $0x1;
	s3 =	sadd.s32 s4, s19  }
0x9c: {  	s7 =	simm.s32 $0x0;
	s20 =	sshll.u32 s5, $0x1;
	s5 =	sadd.s32 s21, s3  }
0x9d: {  	[timem:s7], [sflag:s22] =	dma.local [hbm:s5], s20  }
0x9e: {  	_ =	swait.ge [sflag:s22], s20  }
0x9f: {  	s4 =	ssub.s32 $0x0, s20;
	[sflag:s22] =	ssyncset.done $0x0  }
0xa0: {  	[sflag:s22] =	ssyncadd.s32 s4;
	_ =	sdelay $0x1  }
0xa1: {  	s23 =	simm.s32 $0x1B8B  }
0xa2: {  	_ =	swait.ge [sflag:s23], $0x1  }
0xa3: {  	[sflag:s23] =	ssyncset.done $0x0  }
0xa4: {  	s25 =	simm.s32 $0x1B8E;
	s24 =	sld [smem:$0x3FFE];
	[sflag:s23] =	ssyncadd.s32 $0xFFFFFFFF  }
0xa5: {  	s26 =	simm.s32 $execute0_lowered;
	[smem:$0x3FD2] =	sst s25  }
0xa6: {  	s5 =	sshll.u32 s26, $0x1;
	_ =	strace $0x80000049;
	[dreg:$0x1] =	wrdreg $0xFFFFFFFF  }
0xa7: {  	s28 =	simm.s32 $_size_execute0_lowered;
	s3 =	sadd.s32 s3, s5;
	[dreg:$0x0] =	wrdreg $0x0  }
0xa8: {  	s5 =	sshll.u32 s28, $0x1;
	[dreg:$0x2] =	wrdreg s3  }
0xa9: {  	[dreg:$0x3] =	wrdreg s5  }
0xaa: {  	[dreg:$0x4] =	wrdreg $0xC0  }
0xab: {  	_ =	task [dreg:s7], $0x5FFFF  }
0xac: {  	[dreg:$0x1] =	wrdreg $0xFFFFFFFF  }
0xad: {  	[dreg:$0x0] =	wrdreg $0x60  }
0xae: {  	[dreg:$0x2] =	wrdreg s24  }
0xaf: {  	[dreg:$0x3] =	wrdreg s2  }
0xb0: {  	[dreg:$0x4] =	wrdreg $0x90800  }
0xb1: {  	[dreg:$0x5] =	wrdreg $0x9  }
0xb2: {  	_ =	task.clear_ibuf [dreg:s7], $0x6FFFF;
	_ =	strace $0x90000049  }
0xb3: {  	s29 =	simm.s32 $0x9;
	_ =	strace $0x8000004B  }
0xb4: {  	_ =	swait.ge [sflag:s29], $0x1  }
0xb5: {  	[sflag:s29] =	ssyncadd.s32 $0xFFFFFFFF  }
0xb6: {  	_ =	strace $0x9000004B  }
0xb7: {  	_ =	sfence  }
0xb8: {  	s30 =	sld [smem:$0x0];
	_ =	sdelay $0x2  }
0xb9: {  	s31 =	sshll.u32 s1, $0xD;
	s1 =	sshrl.u32 s1, $0x2  }
0xba: {  	s3 =	sand.u32 $0x4000, s31;
	s1 =	sadd.s32 s1, s30  }
0xbb: {  	s0 =	sor.u32 s3, s0;
	s1 =	sshll.u32 s1, $0x11  }
0xbc: {  	s0 =	sor.u32 s1, s0  }
0xbd: {  	s0 =	sadd.s32 $0x8F2B, s0  }
0xbe: {  	[sflag:s0] =	ssyncadd.remote.s32 $0x1  }
0xbf: {  	_ =	sfence.sel $0xFFFF  }
0xc0: {  	[dreg:$0x0] =	wrdreg $0xFFFFFFFF;
	(pc) =	sbr.abs _section_cstart, $3  }
0xc1: {  	[dreg:$0x1] =	wrdreg $0xFFFFFFFF  }
0xc2: {  	_ =	task.clear_ibuf [dreg:s7], $0x2FFFF;
	_ =	strace $0x9FFFFFFF  }
0xc3: {  	(tm) =	ssettm $0x7FFFFFFF  }
tec
execute0_lowered:
.L_overlay_start_1:
0x0: {  	(tag) =	ssettag $0x1  }
0x1: {  	s6 =	rddreg [dreg:$0x0]  }
0x2: {  	s2 =	rddreg [dreg:$0x1]  }
0x3: {  	s0 =	srdreg.scid;
	s3 =	rddreg [dreg:$0x2]  }
0x4: {  	s1 =	rddreg [dreg:$0x3];
	s7 =	sand.u32 $0x1, s0  }
0x5: {  	s0 =	stileid.u32;
	s5 =	smul.u32 $0x50000, s7  }
0x6: {  	s4 =	simm.s32 $0x0;
	s15 =	simm.s32 $0x80;
	s8 =	smul.u32 $0x5000, s0  }
0x7: {  	s16 =	simm.s32 $0x0;
	[smem:$0x7FF] =	sst s4;
	s26 =	smul.u32 $0xA0000, s7  }
0x8: {  	s9 =	sshll.u32 s0, $0x4;
	s10 =	smul.u32 $0xA000, s0;
	_ =	strace $0x8000004A  }
0x9: {  	s28 =	ssub.s32 $0x2, s7;
	s12 =	smul.u32 $0x28000, s0;
	s30 =	sshll.u32 s0, $0x6  }
0xa: {  	s31 =	sshll.u32 s7, $0x8;
	s9 =	sadd.s32 s9, s6;
	s13 =	sshrl.u32 s28, $0x1  }
0xb: {  	s5 =	sadd.s32 s8, s5;
	s8 =	sadd.s32 s10, s26;
	s10 =	ssub.s32 s28, s13  }
0xc: {  	s29 =	sshrl.u32 s12, $0x2;
	s13 =	simm.s32 $0x5000;
	s5 =	sshrl.u32 s5, $0x3  }
.Ltmp0:
0xd: {  	s8 =	sshrl.u32 s8, $0x3;
	s12 =	sadd.s32 s29, s3;
	(pc) =	sbr.rel .LBB2_1-.Ltmp0, $4  }
0xe: {  	s10 =	smax.u32 s10, $0x1;
	s11 =	sadd.s32 s5, s6;
	s5 =	sadd.s32 $0x3800, s6  }
0xf: {  	s14 =	sadd.s32 s8, s6;
	s6 =	sor.u32 $0x1C01, s30;
	s8 =	sadd.s32 s31, s9  }
0x10: {  	s7 =	sadd.s32 $0x21800, s11;
	s8 =	sadd.s32 $0x35800, s8;
	s9 =	sadd.s32 $0x35A00, s14  }
0x11: {  	s11 =	sshrl.u32 s12, $0x3;
	s12 =	simm.s32 $0x1;
	s14 =	simm.s32 $0x5080  }
.LBB2_4:
0x12: {  	[sflag:s12] =	ssyncadd.s32 $0xFFFFC000  }
.LBB2_5:
0x13: {  	s16 =	sadd.s32 $0x1, s16  }
0x14: {  	p0 =	sne.s32 s16, s10  }
.Ltmp1:
0x15: {  	[bflag:$0x0] =	sbarrier.arrive $0xFFFF;
	(pc) =	sbr.rel @!p0 .LBB2_6-.Ltmp1, $4  }
0x16: {  	[hbm:s9], [sflag:s6] =	dma.local [spmem:s11], $0x1400  }
0x17: {  	_ =	swait.ge [sflag:s12], $0x1400  }
0x18: {  	[sflag:s12] =	ssyncset.done $0x0  }
0x19: {  	[sflag:s12] =	ssyncadd.s32 $0xFFFFEC00  }
.LBB2_1:
0x1a: {  	[spmem:s11], [sflag:s6] =	dma.local [hbm:s5], $0x1400  }
0x1b: {  	_ =	swait.ge [sflag:s12], $0x1400  }
0x1c: {  	[sflag:s12] =	ssyncset.done $0x0  }
0x1d: {  	[sflag:s12] =	ssyncadd.s32 $0xFFFFEC00  }
0x1e: {  	[tilespmem:s4], [sflag:$0x1] =	stream.linear.gather [hbm4b:s7+s4], $0x5000, $0x38;
	[tilespmem:$0x13080] =	vst v63  }
0x1f: {  	_ =	swait.ge [sflag:s12], $0x5000  }
0x20: {  	[sflag:s12] =	ssyncset.done $0x0  }
0x21: {  	[sflag:s12] =	ssyncadd.s32 $0xFFFFB000  }
0x22: {  	[tilespmem:s13], [sflag:$0x1] =	stream.linear.gather [hbm4b:s8+s4], $0x80, $0x38;
	[tilespmem:$0x13080] =	vst v63  }
0x23: {  	_ =	swait.ge [sflag:s12], $0x80  }
0x24: {  	[sflag:s12] =	ssyncset.done $0x0  }
0x25: {  	[sflag:s12] =	ssyncadd.s32 $0xFFFFFF80  }
0x26: {  	[tilespmem:s14], [sflag:$0x1] =	stream.linear.gather [hbm4b:s2+s4], $0x4000, $0x38;
	[tilespmem:$0x13080] =	vst v63  }
0x27: {  	_ =	swait.ge [sflag:s12], $0x4000  }
0x28: {  	[sflag:s12] =	ssyncset.done $0x0  }
0x29: {  	[sflag:s12] =	ssyncadd.s32 $0xFFFFC000  }
0x2a: {  	[bflag:$0x0] =	sbarrier.arrive $0xFFFF  }
0x2b: {  	v0 =	vld [tilespmem:$0x5000];
	_ =	sdelay $0x4  }
0x2c: {  	v0 =	vxor.u32 $0x80000000, v0  }
0x2d: {  	(xrf0) =	vmax.scan.msk.u32 $0xffff, v0;
	_ =	sdelay $0x5  }
0x2e: {  	v0, _, _ =	vpop (xrf0)  }
0x2f: {  	(v2sf) =	vpush v0, $0xF;
	_ =	sdelay $0xe  }
0x30: {  	s17 =	spop (v2sf)  }
0x31: {  	s17 =	sxor.u32 $0x80000000, s17  }
0x32: {  	p0 =	slt.s32 s17, $0x1  }
.Ltmp2:
0x33: {  	_ = 	snop;
	(pc) =	sbr.rel @p0 .LBB2_5-.Ltmp2, $1  }
0x34: {  	_ =	sdelay $0x3  }
0x35: {  	p0 =	sne.s32 s17, $0x1  }
.Ltmp3:
0x36: {  	_ = 	snop;
	(pc) =	sbr.rel @!p0 .LBB2_4-.Ltmp3, $4  }
0x37: {  	_ = 	snop  }
0x38: {  	[spmem:s3] =	stream.indirect.scatter.add.f32 [tilespmem:s14], [sflag:$0x1], $0x80, s4, s15, $0xb8;
	[tilespmem:$0x13080] =	vst v63  }
0x39: {  	_ =	swait.ge [sflag:s12], $0x4000  }
0x3a: {  	s17 =	sadd.s32 $0xFFFFFFFF, s17;
	s18 =	simm.s32 $0x0;
	[sflag:s12] =	ssyncset.done $0x0  }
.LBB2_3:
0x3b: {  	p0 =	sne.s32 s17, $0x1;
	[sflag:s12] =	ssyncadd.s32 $0xFFFFC000;
	s18 =	sadd.s32 $0x80, s18  }
.Ltmp4:
0x3c: {  	s17 =	sadd.s32 $0xFFFFFFFF, s17;
	(pc) =	sbr.rel @p0 .LBB2_3-.Ltmp4, $4  }
0x3d: {  	_ = 	snop  }
0x3e: {  	[spmem:s3] =	stream.indirect.scatter.add.f32 [tilespmem:s14], [sflag:$0x1], $0x80, s18, s15, $0xb8;
	[tilespmem:$0x13080] =	vst v63  }
0x3f: {  	_ =	swait.ge [sflag:s12], $0x4000  }
0x40: {  	[sflag:s12] =	ssyncset.done $0x0  }
.Ltmp5:
0x41: {  	_ = 	snop;
	(pc) =	sbr.rel .LBB2_4-.Ltmp5, $1  }
0x42: {  	_ =	sdelay $0x3  }
.LBB2_6:
0x43: {  	_ =	sfence.sel $0x180000  }
0x44: {  	[bflag:$0x0] =	sbarrier.arrive $0xFFFF  }
0x45: {  	p0 =	sne.s32 s0, $0x0;
	_ =	strace $0x9000004A  }
0x46: {  	s0 =	sadd.s32 @!p0 $0x100000, s1;
	[bflag:$0x2] =	sbarrier.arrive $0xFFFF  }
0x47: {  	[sflag:s0] =	ssyncadd.tile.s32 @!p0 $0x1;
	_ =	shalt  }
.Lfunc_end2:
_tile_overlayer_lowered:
.L_overlay_start_2:
0x48: {  	(tag) =	ssettag $0x2  }
0x49: {  	s0 =	rddreg [dreg:$0x0];
	s2 =	stileid.u32  }
0x4a: {  	s1 =	rddreg [dreg:$0x1];
	p0 =	sne.s32 s2, $0x0  }
0x4b: {  	s3 =	rddreg [dreg:$0x2];
	[bflag:$0x3] =	sbarrier.arrive $0xFFFF;
	s2 =	simm.s32 @!p0 $0x1C01  }
0x4c: {  	[timem:s3], [sflag:s2] =	dma.local @!p0 [hbm:s0], s1  }
0x4d: {  	s0 =	simm.s32 @!p0 $0x1  }
0x4e: {  	_ =	swait.ge @!p0 [sflag:s0], s1  }
0x4f: {  	s1 =	ssub.s32 @!p0 $0x0, s1;
	[sflag:s0] =	ssyncset.done @!p0 $0x0  }
0x50: {  	[sflag:s0] =	ssyncadd.s32 @!p0 s1  }
0x51: {  	[bflag:$0x3] =	sbarrier.arrive $0xFFFF  }
0x52: {  	_ =	shalt  }

// kernel: kernel.16.cloned.1.call-start
scs
__scs_entry_jumppad:
0x0: {  	(pc) =	sbr.rel $0x88, $3  }
0x1: {  	(tag) =	ssettag $0x0;
	lr =	simm.s32 $0x1  }
0x2: {  	[smem:$0x3F97] =	sst lr;
	_ =	strace $0xD0000000  }
0x3: {  	_ = 	snop  }
0x4: {  	_ = 	snop  }
0x5: {  	_ = 	snop  }
0x6: {  	_ = 	snop  }
0x7: {  	_ = 	snop  }
__scs_overlays_trampoline_lowered:
0x8: {  	[smem:$0x3FA6] =	sst s0  }
0x9: {  	[smem:$0x3FA7] =	sst s1  }
0xa: {  	[smem:$0x3FA8] =	sst s2  }
0xb: {  	[smem:$0x3FA9] =	sst s3  }
0xc: {  	[smem:$0x3FAA] =	sst s4  }
0xd: {  	[smem:$0x3FAB] =	sst s5  }
0xe: {  	[smem:$0x3FAC] =	sst s6  }
0xf: {  	[smem:$0x3FAD] =	sst s7  }
0x10: {  	[smem:$0x3FAE] =	sst s8  }
0x11: {  	[smem:$0x3FAF] =	sst s9;
	s0 =	simm.s32 @!p0 $0x0  }
0x12: {  	s1 =	sld [smem:$0x3F95];
	s0 =	simm.s32 @p0 $0x1  }
0x13: {  	[smem:$0x3FB0] =	sst s0;
	s0 =	simm.s32 @!p1 $0x0  }
0x14: {  	s2 =	sld [smem:$0x3F94];
	s0 =	simm.s32 @p1 $0x1  }
0x15: {  	[smem:$0x3FB1] =	sst s0;
	s0 =	simm.s32 @!p2 $0x0  }
0x16: {  	s3 =	sld [smem:$0x3FDB];
	s0 =	simm.s32 @p2 $0x1  }
0x17: {  	s4 =	simm.s32 $0x1BF5;
	[smem:$0x3FB3] =	sst s0  }
0x18: {  	s0 =	sld [smem:$0x3F96];
	_ =	swait.ge [sflag:s4], $0x0  }
0x19: {  	s7 =	sld [smem:$0x3F97]  }
0x1a: {  	s8 =	sadd.s32 $0xFFFFE003, lr  }
0x1b: {  	s9 =	sadd.s32 $0xFFFFFEF7, lr;
	s5 =	simm.s32 $0xFFFFFFFF;
	p2 =	slt.u32 s8, $0xFFFFF086  }
0x1c: {  	p1 =	slt.u32 s9, $0xF7A;
	s5 =	simm.s32 @!p2 $0x0  }
0x1d: {  	s5 =	simm.s32 @p1 $0x1;
	p0 =	seq.s32 s7, s2  }
0x1e: {  	s7 =	smul.u32 @!p0 $0xF7A, s2;
	p2 =	seq.s32 @!p0 s5, $0x0  }
0x1f: {  	s9 =	smul.u32 $0xF7A, s1;
	s8 =	simm.s32 @!p0 $0x1BF5;
	p2 =	por !p2, p0  }
0x20: {  	[sflag:s8] =	ssyncset.s32 @!p0 $0xFFFFF086;
	s6 =	sadd.s32 @!p0 s3, s7;
	s7 =	simm.s32 @!p0 $0x108  }
0x21: {  	s3 =	sadd.s32 s3, s9;
	s6 =	sadd.s32 @!p0 $0x88, s6;
	s7 =	simm.s32 @p2 $0x1082  }
0x22: {  	[simem:s7], [sflag:s8] =	dma.local @!p0 [hbm:s6], $0xF7A  }
0x23: {  	s9 =	sor.u32 $0xD0000000, s2;
	s6 =	simm.s32 $0x108;
	_ =	swait.ge @!p0 [sflag:s8], $0x0  }
0x24: {  	s3 =	sadd.s32 $0x88, s3;
	s6 =	simm.s32 @!p1 $0x1082;
	[sflag:s4] =	ssyncset.s32 $0xFFFFF086  }
0x25: {  	[simem:s6], [sflag:s4] =	dma.local [hbm:s3], $0xF7A  }
0x26: {  	[smem:$0x3F97] =	sst s1;
	(tag) =	ssettag s2;
	_ =	strace s9  }
0x27: {  	s1 =	sld [smem:$0x3FA7]  }
0x28: {  	s2 =	sld [smem:$0x3FA8]  }
0x29: {  	s4 =	sld [smem:$0x3FAA]  }
0x2a: {  	p0 =	seq.s32 s5, $0x0;
	s5 =	sld [smem:$0x3FAB]  }
0x2b: {  	s6 =	sld [smem:$0x3FAC]  }
0x2c: {  	s7 =	sld [smem:$0x3FAD]  }
0x2d: {  	s3 =	simm.s32 $0x108;
	s8 =	sld [smem:$0x3FAE]  }
0x2e: {  	s3 =	simm.s32 @!p0 $0x1082;
	s9 =	sld [smem:$0x3FAF]  }
0x2f: {  	lr =	sadd.s32 s0, s3;
	s0 =	sld [smem:$0x3FA6]  }
0x30: {  	s3 =	sld [smem:$0x3FA9]  }
0x31: {  	[smem:$0x3FB2] =	sst s10  }
0x32: {  	s10 =	sld [smem:$0x3FB0];
	_ =	sdelay $0x3  }
0x33: {  	p0 =	seq.s32 s10, $0x1;
	s10 =	sld [smem:$0x3FB2];
	_ =	sdelay $0x3  }
0x34: {  	[smem:$0x3FB2] =	sst s10  }
0x35: {  	s10 =	sld [smem:$0x3FB1];
	_ =	sdelay $0x3  }
0x36: {  	p1 =	seq.s32 s10, $0x1;
	s10 =	sld [smem:$0x3FB2];
	_ =	sdelay $0x3  }
0x37: {  	[smem:$0x3FB2] =	sst s10  }
0x38: {  	s10 =	sld [smem:$0x3FB3]  }
0x39: {  	_ = 	snop;
	(pc) =	sbr.ind lr, $3  }
0x3a: {  	_ = 	snop  }
0x3b: {  	_ = 	snop  }
0x3c: {  	p2 =	seq.s32 s10, $0x1;
	s10 =	sld [smem:$0x3FB2]  }
0x3d: {  	_ =	shalt  }
0x3e: {  	_ =	shalt  }
0x3f: {  	_ =	shalt  }
0x40: {  	_ =	shalt  }
0x41: {  	_ =	shalt  }
0x42: {  	_ =	shalt  }
0x43: {  	_ =	shalt  }
0x44: {  	_ =	shalt  }
0x45: {  	_ =	shalt  }
0x46: {  	_ =	shalt  }
0x47: {  	_ =	shalt  }
0x48: {  	_ =	shalt  }
0x49: {  	_ =	shalt  }
0x4a: {  	_ =	shalt  }
0x4b: {  	_ =	shalt  }
0x4c: {  	_ =	shalt  }
0x4d: {  	_ =	shalt  }
0x4e: {  	_ =	shalt  }
0x4f: {  	_ =	shalt  }
0x50: {  	_ =	shalt  }
0x51: {  	_ =	shalt  }
0x52: {  	_ =	shalt  }
0x53: {  	_ =	shalt  }
0x54: {  	_ =	shalt  }
0x55: {  	_ =	shalt  }
0x56: {  	_ =	shalt  }
0x57: {  	_ =	shalt  }
0x58: {  	_ =	shalt  }
0x59: {  	_ =	shalt  }
0x5a: {  	_ =	shalt  }
0x5b: {  	_ =	shalt  }
0x5c: {  	_ =	shalt  }
0x5d: {  	_ =	shalt  }
0x5e: {  	_ =	shalt  }
0x5f: {  	_ =	shalt  }
0x60: {  	_ =	shalt  }
0x61: {  	_ =	shalt  }
0x62: {  	_ =	shalt  }
0x63: {  	_ =	shalt  }
0x64: {  	_ =	shalt  }
0x65: {  	_ =	shalt  }
0x66: {  	_ =	shalt  }
0x67: {  	_ =	shalt  }
0x68: {  	_ =	shalt  }
0x69: {  	_ =	shalt  }
0x6a: {  	_ =	shalt  }
0x6b: {  	_ =	shalt  }
0x6c: {  	_ =	shalt  }
0x6d: {  	_ =	shalt  }
0x6e: {  	_ =	shalt  }
0x6f: {  	_ =	shalt  }
0x70: {  	_ =	shalt  }
0x71: {  	_ =	shalt  }
0x72: {  	_ =	shalt  }
0x73: {  	_ =	shalt  }
0x74: {  	_ =	shalt  }
0x75: {  	_ =	shalt  }
0x76: {  	_ =	shalt  }
0x77: {  	_ =	shalt  }
0x78: {  	_ =	shalt  }
0x79: {  	_ =	shalt  }
0x7a: {  	_ =	shalt  }
0x7b: {  	_ =	shalt  }
0x7c: {  	_ =	shalt  }
0x7d: {  	_ =	shalt  }
0x7e: {  	_ =	shalt  }
0x7f: {  	_ =	shalt  }
0x80: {  	_ =	shalt  }
0x81: {  	_ =	shalt  }
0x82: {  	_ =	shalt  }
0x83: {  	_ =	shalt  }
0x84: {  	_ =	shalt  }
0x85: {  	_ =	shalt  }
0x86: {  	_ =	shalt  }
0x87: {  	_ =	shalt  }
.Lfunc_end0:
.L_simem_size_0:
called_computation.2_lowered:
.L_overlay_start_0:
0x88: {  	s2 =	sld [smem:$0x3FD9]  }
0x89: {  	s3 =	sld [smem:$0x3FFE];
	_ =	sdelay $0x1  }
0x8a: {  	s1 =	srdreg.scid  }
0x8b: {  	s0 =	sand.u32 $0x1, s1  }
0x8c: {  	s17 =	sshll.u32 s0, $0xA;
	s2 =	sadd.s32 s3, s2  }
0x8d: {  	s2 =	sadd.s32 s2, s17  }
0x8e: {  	[smem:$0x3FBE] =	sst s2  }
0x8f: {  	_ = 	snop  }
0x90: {  	s2 =	sld [smem:$0x3FD0];
	(tm) =	ssettm $0x1  }
0x91: {  	s18 =	sld [smem:$0x3FFB];
	_ =	sdelay $0x3  }
0x92: {  	_ =	strace s18  }
0x93: {  	s3 =	sld [smem:$0x3FFC];
	_ =	sdelay $0x3  }
0x94: {  	_ =	strace s3  }
0x95: {  	s3 =	sld [smem:$0x3FFD];
	_ =	sdelay $0x3  }
0x96: {  	_ =	strace s3  }
0x97: {  	_ =	strace $0x8FFFFFFF  }
0x98: {  	s19 =	sld [smem:$0x3FDB];
	_ =	sdelay $0x1  }
0x99: {  	s4 =	simm.s32 $_scs_section_size  }
0x9a: {  	s5 =	simm.s32 $_size__tile_overlayer_lowered;
	s6 =	simm.s32 $_tile_overlayer_lowered  }
0x9b: {  	s22 =	simm.s32 $0x1BFF;
	s21 =	sshll.u32 s6, $0x1;
	s3 =	sadd.s32 s4, s19  }
0x9c: {  	s7 =	simm.s32 $0x0;
	s20 =	sshll.u32 s5, $0x1;
	s5 =	sadd.s32 s21, s3  }
0x9d: {  	[timem:s7], [sflag:s22] =	dma.local [hbm:s5], s20  }
0x9e: {  	_ =	swait.ge [sflag:s22], s20  }
0x9f: {  	s4 =	ssub.s32 $0x0, s20;
	[sflag:s22] =	ssyncset.done $0x0  }
0xa0: {  	[sflag:s22] =	ssyncadd.s32 s4;
	_ =	sdelay $0x1  }
0xa1: {  	s23 =	simm.s32 $0x1B8B  }
0xa2: {  	_ =	swait.ge [sflag:s23], $0x1  }
0xa3: {  	[sflag:s23] =	ssyncset.done $0x0  }
0xa4: {  	s25 =	simm.s32 $0x1B8E;
	s24 =	sld [smem:$0x3FFE];
	[sflag:s23] =	ssyncadd.s32 $0xFFFFFFFF  }
0xa5: {  	s26 =	simm.s32 $execute0_lowered;
	[smem:$0x3FD2] =	sst s25  }
0xa6: {  	s5 =	sshll.u32 s26, $0x1;
	_ =	strace $0x8000004C;
	[dreg:$0x1] =	wrdreg $0xFFFFFFFF  }
0xa7: {  	s28 =	simm.s32 $_size_execute0_lowered;
	s3 =	sadd.s32 s3, s5;
	[dreg:$0x0] =	wrdreg $0x0  }
0xa8: {  	s5 =	sshll.u32 s28, $0x1;
	[dreg:$0x2] =	wrdreg s3  }
0xa9: {  	[dreg:$0x3] =	wrdreg s5  }
0xaa: {  	[dreg:$0x4] =	wrdreg $0xC0  }
0xab: {  	_ =	task [dreg:s7], $0x5FFFF  }
0xac: {  	[dreg:$0x1] =	wrdreg $0xFFFFFFFF  }
0xad: {  	[dreg:$0x0] =	wrdreg $0x60  }
0xae: {  	[dreg:$0x2] =	wrdreg s2  }
0xaf: {  	[dreg:$0x3] =	wrdreg s24  }
0xb0: {  	[dreg:$0x4] =	wrdreg $0x120800  }
0xb1: {  	[dreg:$0x5] =	wrdreg $0x9  }
0xb2: {  	_ =	task.clear_ibuf [dreg:s7], $0x6FFFF;
	_ =	strace $0x9000004C  }
0xb3: {  	s29 =	simm.s32 $0x9;
	_ =	strace $0x8000004E  }
0xb4: {  	_ =	swait.ge [sflag:s29], $0x1  }
0xb5: {  	[sflag:s29] =	ssyncadd.s32 $0xFFFFFFFF  }
0xb6: {  	_ =	strace $0x9000004E  }
0xb7: {  	_ =	sfence  }
0xb8: {  	s30 =	sld [smem:$0x0];
	_ =	sdelay $0x2  }
0xb9: {  	s31 =	sshll.u32 s1, $0xD;
	s1 =	sshrl.u32 s1, $0x2  }
0xba: {  	s3 =	sand.u32 $0x4000, s31;
	s1 =	sadd.s32 s1, s30  }
0xbb: {  	s0 =	sor.u32 s3, s0;
	s1 =	sshll.u32 s1, $0x11  }
0xbc: {  	s0 =	sor.u32 s1, s0  }
0xbd: {  	s0 =	sadd.s32 $0x8F2B, s0  }
0xbe: {  	[sflag:s0] =	ssyncadd.remote.s32 $0x1  }
0xbf: {  	_ =	sfence.sel $0xFFFF  }
0xc0: {  	[dreg:$0x0] =	wrdreg $0xFFFFFFFF;
	(pc) =	sbr.abs _section_cstart, $3  }
0xc1: {  	[dreg:$0x1] =	wrdreg $0xFFFFFFFF  }
0xc2: {  	_ =	task.clear_ibuf [dreg:s7], $0x2FFFF;
	_ =	strace $0x9FFFFFFF  }
0xc3: {  	(tm) =	ssettm $0x7FFFFFFF  }
tec
execute0_lowered:
.L_overlay_start_1:
0x0: {  	(tag) =	ssettag $0x1  }
0x1: {  	s1 =	rddreg [dreg:$0x0]  }
0x2: {  	s6 =	rddreg [dreg:$0x1]  }
0x3: {  	s3 =	rddreg [dreg:$0x2]  }
0x4: {  	s0 =	srdreg.scid;
	s2 =	rddreg [dreg:$0x3];
	s4 =	simm.s32 $0x0  }
0x5: {  	s15 =	simm.s32 $0x80;
	s16 =	simm.s32 $0xA080;
	s7 =	sand.u32 $0x1, s0  }
0x6: {  	s17 =	simm.s32 $0xE080;
	s0 =	stileid.u32;
	s5 =	smul.u32 $0x50000, s7  }
0x7: {  	s18 =	simm.s32 $0x1;
	s19 =	simm.s32 $0x2;
	s8 =	smul.u32 $0x5000, s0  }
0x8: {  	s20 =	simm.s32 $0x0;
	[smem:$0x7FF] =	sst s4;
	s9 =	smul.u32 $0xA0000, s7  }
0x9: {  	s24 =	smul.u32 $0xA000, s0;
	_ =	strace $0x8000004D;
	s10 =	sshll.u32 s0, $0x4  }
0xa: {  	s26 =	ssub.s32 $0x2, s7;
	s12 =	smul.u32 $0x28000, s0;
	s30 =	sshll.u32 s0, $0x6  }
0xb: {  	s31 =	sshll.u32 s7, $0x8;
	s10 =	sadd.s32 s10, s6;
	s28 =	sshrl.u32 s26, $0x1  }
0xc: {  	s5 =	sadd.s32 s8, s5;
	s25 =	sadd.s32 s24, s9;
	s14 =	ssub.s32 s26, s28  }
0xd: {  	s29 =	sshrl.u32 s12, $0x2;
	s9 =	sadd.s32 s31, s10;
	s5 =	sshrl.u32 s5, $0x3  }
.Ltmp0:
0xe: {  	s8 =	sshrl.u32 s25, $0x3;
	s12 =	sadd.s32 s29, s3;
	(pc) =	sbr.rel .LBB2_1-.Ltmp0, $4  }
0xf: {  	s9 =	sadd.s32 $0x35800, s9;
	s11 =	sadd.s32 s5, s6;
	s5 =	sadd.s32 $0x3800, s6  }
0x10: {  	s13 =	sadd.s32 s8, s6;
	s6 =	sor.u32 $0x1C03, s30;
	s12 =	sshrl.u32 s12, $0x3  }
0x11: {  	s7 =	sadd.s32 $0xD800, s11;
	s8 =	sadd.s32 $0x21800, s11;
	s10 =	sadd.s32 $0x35A00, s13  }
0x12: {  	s11 =	smax.u32 s14, $0x1;
	s13 =	simm.s32 $0x3;
	s14 =	simm.s32 $0xA000  }
.LBB2_3:
0x13: {  	s25 =	simm.s32 $0x5000  }
.LBB2_7:
0x14: {  	s26 =	sadd.s32 $0xFFFFFF80, s24;
	[sflag:s13] =	ssyncadd.s32 @p0 $0xFFFFC000  }
0x15: {  	[tilespmem:s17], [sflag:$0x2] =	stream.indirect.gather [hbm4b:s1+s15], $0x80, s26, s15, $0xb8;
	[tilespmem:$0x1C080] =	vst v63  }
0x16: {  	_ =	swait.ge [sflag:s18], $0x4000  }
0x17: {  	s25 =	sadd.s32 @p0 $0x100, s25;
	[sflag:s18] =	ssyncset.done $0x0  }
0x18: {  	s21 =	smov.u32 @p0 s25;
	[sflag:s18] =	ssyncadd.s32 $0xFFFFC000  }
0x19: {  	[spmem:s3] =	stream.indirect.scatter.add.f32 [tilespmem:s16], [sflag:$0x3], $0x80, s21, s15, $0xb8;
	[tilespmem:$0x1C080] =	vst v63  }
0x1a: {  	_ =	swait.ge [sflag:s13], $0x4000  }
0x1b: {  	[sflag:s13] =	ssyncset.done $0x0  }
0x1c: {  	[sflag:s13] =	ssyncadd.s32 $0xFFFFC000  }
0x1d: {  	[tilespmem:s16], [sflag:$0x1] =	stream.indirect.gather [hbm4b:s1+s15], $0x80, s24, s15, $0xb8;
	[tilespmem:$0x1C080] =	vst v63  }
0x1e: {  	_ =	swait.ge [sflag:s19], $0x4000  }
0x1f: {  	[sflag:s19] =	ssyncset.done $0x0  }
0x20: {  	s21 =	sadd.s32 $0x80, s21;
	[sflag:s19] =	ssyncadd.s32 $0xFFFFC000  }
0x21: {  	[spmem:s3] =	stream.indirect.scatter.add.f32 [tilespmem:s17], [sflag:$0x3], $0x80, s21, s15, $0xb8;
	[tilespmem:$0x1C080] =	vst v63  }
0x22: {  	_ =	swait.ge [sflag:s13], $0x4000  }
0x23: {  	[sflag:s13] =	ssyncset.done $0x0  }
0x24: {  	[sflag:s13] =	ssyncadd.s32 $0xFFFFC000  }
.LBB2_8:
0x25: {  	s21 =	sshll.u32 s23, $0x7  }
0x26: {  	s23 =	sadd.s32 $0xFFFFFF80, s21  }
0x27: {  	[tilespmem:s17], [sflag:$0x2] =	stream.indirect.gather [hbm4b:s1+s15], $0x80, s23, s15, $0xb8;
	[tilespmem:$0x1C080] =	vst v63  }
0x28: {  	s22 =	sshll.u32 s22, $0x9;
	_ =	swait.ge [sflag:s18], $0x4000  }
0x29: {  	s22 =	sshra.s32 s22, $0x2;
	[sflag:s18] =	ssyncset.done $0x0  }
0x2a: {  	s22 =	sadd.s32 $0x5000, s22;
	[sflag:s18] =	ssyncadd.s32 $0xFFFFC000  }
0x2b: {  	[spmem:s3] =	stream.indirect.scatter.add.f32 [tilespmem:s16], [sflag:$0x3], $0x80, s22, s15, $0xb8;
	[tilespmem:$0x1C080] =	vst v63  }
0x2c: {  	_ =	swait.ge [sflag:s13], $0x4000  }
0x2d: {  	[sflag:s13] =	ssyncset.done $0x0  }
0x2e: {  	[sflag:s13] =	ssyncadd.s32 $0xFFFFC000  }
0x2f: {  	_ =	swait.ge [sflag:s19], $0x4000  }
0x30: {  	[sflag:s19] =	ssyncset.done $0x0  }
0x31: {  	s21 =	sadd.s32 $0x4F80, s21;
	[sflag:s19] =	ssyncadd.s32 $0xFFFFC000  }
0x32: {  	[spmem:s3] =	stream.indirect.scatter.add.f32 [tilespmem:s17], [sflag:$0x3], $0x80, s21, s15, $0xb8;
	[tilespmem:$0x1C080] =	vst v63  }
0x33: {  	_ =	swait.ge [sflag:s13], $0x4000  }
0x34: {  	s20 =	sadd.s32 $0x1, s20;
	[sflag:s13] =	ssyncset.done $0x0  }
0x35: {  	p0 =	sne.s32 s20, s11;
	[sflag:s13] =	ssyncadd.s32 $0xFFFFC000  }
.Ltmp1:
0x36: {  	[bflag:$0x0] =	sbarrier.arrive $0xFFFF;
	(pc) =	sbr.rel @!p0 .LBB2_9-.Ltmp1, $4  }
0x37: {  	[hbm:s10], [sflag:s6] =	dma.local [spmem:s12], $0x1400  }
0x38: {  	_ =	swait.ge [sflag:s13], $0x1400  }
0x39: {  	[sflag:s13] =	ssyncset.done $0x0  }
0x3a: {  	[sflag:s13] =	ssyncadd.s32 $0xFFFFEC00  }
.LBB2_1:
0x3b: {  	[spmem:s12], [sflag:s6] =	dma.local [hbm:s5], $0x1400  }
0x3c: {  	_ =	swait.ge [sflag:s13], $0x1400  }
0x3d: {  	[sflag:s13] =	ssyncset.done $0x0  }
0x3e: {  	[sflag:s13] =	ssyncadd.s32 $0xFFFFEC00  }
0x3f: {  	[tilespmem:s4], [sflag:$0x3] =	stream.linear.gather [hbm4b:s7+s4], $0x5000, $0x38;
	[tilespmem:$0x1C080] =	vst v63  }
0x40: {  	_ =	swait.ge [sflag:s13], $0x5000  }
0x41: {  	[sflag:s13] =	ssyncset.done $0x0  }
0x42: {  	s21 =	simm.s32 $0x5000;
	[sflag:s13] =	ssyncadd.s32 $0xFFFFB000  }
0x43: {  	[tilespmem:s21], [sflag:$0x3] =	stream.linear.gather [hbm4b:s8+s4], $0x5000, $0x38;
	[tilespmem:$0x1C080] =	vst v63  }
0x44: {  	_ =	swait.ge [sflag:s13], $0x5000  }
0x45: {  	[sflag:s13] =	ssyncset.done $0x0  }
0x46: {  	[sflag:s13] =	ssyncadd.s32 $0xFFFFB000  }
0x47: {  	[tilespmem:s14], [sflag:$0x3] =	stream.linear.gather [hbm4b:s9+s4], $0x80, $0x38;
	[tilespmem:$0x1C080] =	vst v63  }
0x48: {  	_ =	swait.ge [sflag:s13], $0x80  }
0x49: {  	[sflag:s13] =	ssyncset.done $0x0  }
0x4a: {  	[sflag:s13] =	ssyncadd.s32 $0xFFFFFF80  }
0x4b: {  	[bflag:$0x0] =	sbarrier.arrive $0xFFFF  }
0x4c: {  	v0 =	vld [tilespmem:$0xA000];
	_ =	sdelay $0x4  }
0x4d: {  	v0 =	vxor.u32 $0x80000000, v0  }
0x4e: {  	(xrf0) =	vmax.scan.msk.u32 $0xffff, v0;
	_ =	sdelay $0x5  }
0x4f: {  	v0, _, _ =	vpop (xrf0)  }
0x50: {  	(v2sf) =	vpush v0, $0xF;
	_ =	sdelay $0xe  }
0x51: {  	s23 =	spop (v2sf)  }
0x52: {  	s22 =	sadd.s32 $0x7FFFFFFE, s23  }
0x53: {  	s25 =	sshrl.u32 s22, $0x1  }
0x54: {  	p0 =	seq.s32 s25, $0x0  }
.Ltmp2:
0x55: {  	_ = 	snop;
	(pc) =	sbr.rel @p0 .LBB2_8-.Ltmp2, $3  }
0x56: {  	_ =	sdelay $0x1  }
0x57: {  	s24 =	simm.s32 $0x100  }
0x58: {  	[tilespmem:s16], [sflag:$0x1] =	stream.indirect.gather [hbm4b:s1+s15], $0x80, s4, s15, $0xb8;
	[tilespmem:$0x1C080] =	vst v63  }
0x59: {  	p1 =	sne.s32 s25, $0x1  }
.Ltmp3:
0x5a: {  	_ = 	snop;
	(pc) =	sbr.rel @!p1 .LBB2_3-.Ltmp3, $2  }
0x5b: {  	_ =	sdelay $0x2  }
0x5c: {  	s25 =	sadd.s32 $0xFFFFFFFF, s25;
	p0 =	por $0x0, $0x0  }
0x5d: {  	s26 =	sadd.s32 $0xFFFFFF80, s24  }
0x5e: {  	[tilespmem:s17], [sflag:$0x2] =	stream.indirect.gather [hbm4b:s1+s15], $0x80, s26, s15, $0xb8;
	[tilespmem:$0x1C080] =	vst v63  }
0x5f: {  	_ =	swait.ge [sflag:s18], $0x4000  }
0x60: {  	[sflag:s18] =	ssyncset.done $0x0  }
0x61: {  	[sflag:s18] =	ssyncadd.s32 $0xFFFFC000  }
0x62: {  	[spmem:s3] =	stream.indirect.scatter.add.f32 [tilespmem:s16], [sflag:$0x3], $0x80, s21, s15, $0xb8;
	[tilespmem:$0x1C080] =	vst v63  }
0x63: {  	_ =	swait.ge [sflag:s13], $0x4000  }
0x64: {  	[sflag:s13] =	ssyncset.done $0x0  }
0x65: {  	[sflag:s13] =	ssyncadd.s32 $0xFFFFC000  }
0x66: {  	[tilespmem:s16], [sflag:$0x1] =	stream.indirect.gather [hbm4b:s1+s15], $0x80, s24, s15, $0xb8;
	[tilespmem:$0x1C080] =	vst v63  }
0x67: {  	p1 =	sne.s32 s25, $0x1;
	_ =	swait.ge [sflag:s19], $0x4000  }
.Ltmp4:
0x68: {  	[sflag:s19] =	ssyncset.done $0x0;
	(pc) =	sbr.rel @!p1 .LBB2_5-.Ltmp4, $4  }
0x69: {  	s31 =	sadd.s32 $0x80, s21;
	[sflag:s19] =	ssyncadd.s32 $0xFFFFC000  }
0x6a: {  	[spmem:s3] =	stream.indirect.scatter.add.f32 [tilespmem:s17], [sflag:$0x3], $0x80, s31, s15, $0xb8;
	[tilespmem:$0x1C080] =	vst v63  }
0x6b: {  	p0 =	por $0x1, $0x1;
	s26 =	sadd.s32 $0xFFFFFFFF, s25;
	_ =	swait.ge [sflag:s13], $0x4000  }
0x6c: {  	s25 =	simm.s32 $0x5000;
	s24 =	sadd.s32 $0x100, s24;
	[sflag:s13] =	ssyncset.done $0x0  }
.LBB2_6:
0x6d: {  	s28 =	sadd.s32 $0xFFFFFF80, s24;
	[sflag:s13] =	ssyncadd.s32 $0xFFFFC000;
	s25 =	sadd.s32 $0x100, s25  }
0x6e: {  	[tilespmem:s17], [sflag:$0x2] =	stream.indirect.gather [hbm4b:s1+s15], $0x80, s28, s15, $0xb8;
	[tilespmem:$0x1C080] =	vst v63  }
0x6f: {  	p1 =	sne.s32 s26, $0x1;
	s26 =	sadd.s32 $0xFFFFFFFF, s26;
	_ =	swait.ge [sflag:s18], $0x4000  }
0x70: {  	[sflag:s18] =	ssyncset.done $0x0  }
0x71: {  	[sflag:s18] =	ssyncadd.s32 $0xFFFFC000  }
0x72: {  	[spmem:s3] =	stream.indirect.scatter.add.f32 [tilespmem:s16], [sflag:$0x3], $0x80, s25, s15, $0xb8;
	[tilespmem:$0x1C080] =	vst v63  }
0x73: {  	_ =	swait.ge [sflag:s13], $0x4000  }
0x74: {  	[sflag:s13] =	ssyncset.done $0x0  }
0x75: {  	[sflag:s13] =	ssyncadd.s32 $0xFFFFC000  }
0x76: {  	[tilespmem:s16], [sflag:$0x1] =	stream.indirect.gather [hbm4b:s1+s15], $0x80, s24, s15, $0xb8;
	[tilespmem:$0x1C080] =	vst v63  }
0x77: {  	_ =	swait.ge [sflag:s19], $0x4000  }
.Ltmp5:
0x78: {  	[sflag:s19] =	ssyncset.done $0x0;
	(pc) =	sbr.rel @p1 .LBB2_6-.Ltmp5, $4  }
0x79: {  	s28 =	sadd.s32 $0x80, s25;
	[sflag:s19] =	ssyncadd.s32 $0xFFFFC000  }
0x7a: {  	[spmem:s3] =	stream.indirect.scatter.add.f32 [tilespmem:s17], [sflag:$0x3], $0x80, s28, s15, $0xb8;
	[tilespmem:$0x1C080] =	vst v63  }
0x7b: {  	_ =	swait.ge [sflag:s13], $0x4000  }
0x7c: {  	s24 =	sadd.s32 $0x100, s24;
	[sflag:s13] =	ssyncset.done $0x0  }
.Ltmp6:
0x7d: {  	_ = 	snop;
	(pc) =	sbr.rel .LBB2_7-.Ltmp6, $1  }
0x7e: {  	_ =	sdelay $0x3  }
.LBB2_5:
.Ltmp7:
0x7f: {  	(pc) =	sbr.rel .LBB2_7-.Ltmp7, $2  }
0x80: {  	_ =	sdelay $0x2  }
0x81: {  	s25 =	simm.s32 $0x5000  }
.LBB2_9:
0x82: {  	_ =	sfence.sel $0x180000  }
0x83: {  	[bflag:$0x0] =	sbarrier.arrive $0xFFFF  }
0x84: {  	p0 =	sne.s32 s0, $0x0;
	_ =	strace $0x9000004D  }
0x85: {  	s0 =	sadd.s32 @!p0 $0x100000, s2;
	[bflag:$0x2] =	sbarrier.arrive $0xFFFF  }
0x86: {  	[sflag:s0] =	ssyncadd.tile.s32 @!p0 $0x1;
	_ =	shalt  }
.Lfunc_end2:
_tile_overlayer_lowered:
.L_overlay_start_2:
0x87: {  	(tag) =	ssettag $0x2  }
0x88: {  	s0 =	rddreg [dreg:$0x0];
	s2 =	stileid.u32  }
0x89: {  	s1 =	rddreg [dreg:$0x1];
	p0 =	sne.s32 s2, $0x0  }
0x8a: {  	s3 =	rddreg [dreg:$0x2];
	[bflag:$0x3] =	sbarrier.arrive $0xFFFF;
	s2 =	simm.s32 @!p0 $0x1C03  }
0x8b: {  	[timem:s3], [sflag:s2] =	dma.local @!p0 [hbm:s0], s1  }
0x8c: {  	s0 =	simm.s32 @!p0 $0x3  }
0x8d: {  	_ =	swait.ge @!p0 [sflag:s0], s1  }
0x8e: {  	s1 =	ssub.s32 @!p0 $0x0, s1;
	[sflag:s0] =	ssyncset.done @!p0 $0x0  }
0x8f: {  	[sflag:s0] =	ssyncadd.s32 @!p0 s1  }
0x90: {  	[bflag:$0x3] =	sbarrier.arrive $0xFFFF  }
0x91: {  	_ =	shalt  }

// kernel: kernel.19.cloned.1.call-start
scs
__scs_entry_jumppad:
0x0: {  	(pc) =	sbr.rel $0x88, $3  }
0x1: {  	(tag) =	ssettag $0x0;
	lr =	simm.s32 $0x1  }
0x2: {  	[smem:$0x3F97] =	sst lr;
	_ =	strace $0xD0000000  }
0x3: {  	_ = 	snop  }
0x4: {  	_ = 	snop  }
0x5: {  	_ = 	snop  }
0x6: {  	_ = 	snop  }
0x7: {  	_ = 	snop  }
__scs_overlays_trampoline_lowered:
0x8: {  	[smem:$0x3FA6] =	sst s0  }
0x9: {  	[smem:$0x3FA7] =	sst s1  }
0xa: {  	[smem:$0x3FA8] =	sst s2  }
0xb: {  	[smem:$0x3FA9] =	sst s3  }
0xc: {  	[smem:$0x3FAA] =	sst s4  }
0xd: {  	[smem:$0x3FAB] =	sst s5  }
0xe: {  	[smem:$0x3FAC] =	sst s6  }
0xf: {  	[smem:$0x3FAD] =	sst s7  }
0x10: {  	[smem:$0x3FAE] =	sst s8  }
0x11: {  	[smem:$0x3FAF] =	sst s9;
	s0 =	simm.s32 @!p0 $0x0  }
0x12: {  	s1 =	sld [smem:$0x3F95];
	s0 =	simm.s32 @p0 $0x1  }
0x13: {  	[smem:$0x3FB0] =	sst s0;
	s0 =	simm.s32 @!p1 $0x0  }
0x14: {  	s2 =	sld [smem:$0x3F94];
	s0 =	simm.s32 @p1 $0x1  }
0x15: {  	[smem:$0x3FB1] =	sst s0;
	s0 =	simm.s32 @!p2 $0x0  }
0x16: {  	s3 =	sld [smem:$0x3FDB];
	s0 =	simm.s32 @p2 $0x1  }
0x17: {  	s4 =	simm.s32 $0x1BF5;
	[smem:$0x3FB3] =	sst s0  }
0x18: {  	s0 =	sld [smem:$0x3F96];
	_ =	swait.ge [sflag:s4], $0x0  }
0x19: {  	s7 =	sld [smem:$0x3F97]  }
0x1a: {  	s8 =	sadd.s32 $0xFFFFE003, lr  }
0x1b: {  	s9 =	sadd.s32 $0xFFFFFEF7, lr;
	s5 =	simm.s32 $0xFFFFFFFF;
	p2 =	slt.u32 s8, $0xFFFFF086  }
0x1c: {  	p1 =	slt.u32 s9, $0xF7A;
	s5 =	simm.s32 @!p2 $0x0  }
0x1d: {  	s5 =	simm.s32 @p1 $0x1;
	p0 =	seq.s32 s7, s2  }
0x1e: {  	s7 =	smul.u32 @!p0 $0xF7A, s2;
	p2 =	seq.s32 @!p0 s5, $0x0  }
0x1f: {  	s9 =	smul.u32 $0xF7A, s1;
	s8 =	simm.s32 @!p0 $0x1BF5;
	p2 =	por !p2, p0  }
0x20: {  	[sflag:s8] =	ssyncset.s32 @!p0 $0xFFFFF086;
	s6 =	sadd.s32 @!p0 s3, s7;
	s7 =	simm.s32 @!p0 $0x108  }
0x21: {  	s3 =	sadd.s32 s3, s9;
	s6 =	sadd.s32 @!p0 $0x88, s6;
	s7 =	simm.s32 @p2 $0x1082  }
0x22: {  	[simem:s7], [sflag:s8] =	dma.local @!p0 [hbm:s6], $0xF7A  }
0x23: {  	s9 =	sor.u32 $0xD0000000, s2;
	s6 =	simm.s32 $0x108;
	_ =	swait.ge @!p0 [sflag:s8], $0x0  }
0x24: {  	s3 =	sadd.s32 $0x88, s3;
	s6 =	simm.s32 @!p1 $0x1082;
	[sflag:s4] =	ssyncset.s32 $0xFFFFF086  }
0x25: {  	[simem:s6], [sflag:s4] =	dma.local [hbm:s3], $0xF7A  }
0x26: {  	[smem:$0x3F97] =	sst s1;
	(tag) =	ssettag s2;
	_ =	strace s9  }
0x27: {  	s1 =	sld [smem:$0x3FA7]  }
0x28: {  	s2 =	sld [smem:$0x3FA8]  }
0x29: {  	s4 =	sld [smem:$0x3FAA]  }
0x2a: {  	p0 =	seq.s32 s5, $0x0;
	s5 =	sld [smem:$0x3FAB]  }
0x2b: {  	s6 =	sld [smem:$0x3FAC]  }
0x2c: {  	s7 =	sld [smem:$0x3FAD]  }
0x2d: {  	s3 =	simm.s32 $0x108;
	s8 =	sld [smem:$0x3FAE]  }
0x2e: {  	s3 =	simm.s32 @!p0 $0x1082;
	s9 =	sld [smem:$0x3FAF]  }
0x2f: {  	lr =	sadd.s32 s0, s3;
	s0 =	sld [smem:$0x3FA6]  }
0x30: {  	s3 =	sld [smem:$0x3FA9]  }
0x31: {  	[smem:$0x3FB2] =	sst s10  }
0x32: {  	s10 =	sld [smem:$0x3FB0];
	_ =	sdelay $0x3  }
0x33: {  	p0 =	seq.s32 s10, $0x1;
	s10 =	sld [smem:$0x3FB2];
	_ =	sdelay $0x3  }
0x34: {  	[smem:$0x3FB2] =	sst s10  }
0x35: {  	s10 =	sld [smem:$0x3FB1];
	_ =	sdelay $0x3  }
0x36: {  	p1 =	seq.s32 s10, $0x1;
	s10 =	sld [smem:$0x3FB2];
	_ =	sdelay $0x3  }
0x37: {  	[smem:$0x3FB2] =	sst s10  }
0x38: {  	s10 =	sld [smem:$0x3FB3]  }
0x39: {  	_ = 	snop;
	(pc) =	sbr.ind lr, $3  }
0x3a: {  	_ = 	snop  }
0x3b: {  	_ = 	snop  }
0x3c: {  	p2 =	seq.s32 s10, $0x1;
	s10 =	sld [smem:$0x3FB2]  }
0x3d: {  	_ =	shalt  }
0x3e: {  	_ =	shalt  }
0x3f: {  	_ =	shalt  }
0x40: {  	_ =	shalt  }
0x41: {  	_ =	shalt  }
0x42: {  	_ =	shalt  }
0x43: {  	_ =	shalt  }
0x44: {  	_ =	shalt  }
0x45: {  	_ =	shalt  }
0x46: {  	_ =	shalt  }
0x47: {  	_ =	shalt  }
0x48: {  	_ =	shalt  }
0x49: {  	_ =	shalt  }
0x4a: {  	_ =	shalt  }
0x4b: {  	_ =	shalt  }
0x4c: {  	_ =	shalt  }
0x4d: {  	_ =	shalt  }
0x4e: {  	_ =	shalt  }
0x4f: {  	_ =	shalt  }
0x50: {  	_ =	shalt  }
0x51: {  	_ =	shalt  }
0x52: {  	_ =	shalt  }
0x53: {  	_ =	shalt  }
0x54: {  	_ =	shalt  }
0x55: {  	_ =	shalt  }
0x56: {  	_ =	shalt  }
0x57: {  	_ =	shalt  }
0x58: {  	_ =	shalt  }
0x59: {  	_ =	shalt  }
0x5a: {  	_ =	shalt  }
0x5b: {  	_ =	shalt  }
0x5c: {  	_ =	shalt  }
0x5d: {  	_ =	shalt  }
0x5e: {  	_ =	shalt  }
0x5f: {  	_ =	shalt  }
0x60: {  	_ =	shalt  }
0x61: {  	_ =	shalt  }
0x62: {  	_ =	shalt  }
0x63: {  	_ =	shalt  }
0x64: {  	_ =	shalt  }
0x65: {  	_ =	shalt  }
0x66: {  	_ =	shalt  }
0x67: {  	_ =	shalt  }
0x68: {  	_ =	shalt  }
0x69: {  	_ =	shalt  }
0x6a: {  	_ =	shalt  }
0x6b: {  	_ =	shalt  }
0x6c: {  	_ =	shalt  }
0x6d: {  	_ =	shalt  }
0x6e: {  	_ =	shalt  }
0x6f: {  	_ =	shalt  }
0x70: {  	_ =	shalt  }
0x71: {  	_ =	shalt  }
0x72: {  	_ =	shalt  }
0x73: {  	_ =	shalt  }
0x74: {  	_ =	shalt  }
0x75: {  	_ =	shalt  }
0x76: {  	_ =	shalt  }
0x77: {  	_ =	shalt  }
0x78: {  	_ =	shalt  }
0x79: {  	_ =	shalt  }
0x7a: {  	_ =	shalt  }
0x7b: {  	_ =	shalt  }
0x7c: {  	_ =	shalt  }
0x7d: {  	_ =	shalt  }
0x7e: {  	_ =	shalt  }
0x7f: {  	_ =	shalt  }
0x80: {  	_ =	shalt  }
0x81: {  	_ =	shalt  }
0x82: {  	_ =	shalt  }
0x83: {  	_ =	shalt  }
0x84: {  	_ =	shalt  }
0x85: {  	_ =	shalt  }
0x86: {  	_ =	shalt  }
0x87: {  	_ =	shalt  }
.Lfunc_end0:
.L_simem_size_0:
called_computation.3_lowered:
.L_overlay_start_0:
0x88: {  	s2 =	sld [smem:$0x3FD9]  }
0x89: {  	s3 =	sld [smem:$0x3FFE];
	_ =	sdelay $0x1  }
0x8a: {  	s1 =	srdreg.scid  }
0x8b: {  	s0 =	sand.u32 $0x1, s1  }
0x8c: {  	s17 =	sshll.u32 s0, $0xA;
	s2 =	sadd.s32 s3, s2  }
0x8d: {  	s2 =	sadd.s32 s2, s17  }
0x8e: {  	[smem:$0x3FBE] =	sst s2  }
0x8f: {  	_ = 	snop  }
0x90: {  	s2 =	sld [smem:$0x3FD0];
	(tm) =	ssettm $0x1  }
0x91: {  	s18 =	sld [smem:$0x3FFB];
	_ =	sdelay $0x3  }
0x92: {  	_ =	strace s18  }
0x93: {  	s3 =	sld [smem:$0x3FFC];
	_ =	sdelay $0x3  }
0x94: {  	_ =	strace s3  }
0x95: {  	s3 =	sld [smem:$0x3FFD];
	_ =	sdelay $0x3  }
0x96: {  	_ =	strace s3  }
0x97: {  	_ =	strace $0x8FFFFFFF  }
0x98: {  	s19 =	sld [smem:$0x3FDB];
	_ =	sdelay $0x1  }
0x99: {  	s4 =	simm.s32 $_scs_section_size  }
0x9a: {  	s5 =	simm.s32 $_size__tile_overlayer_lowered;
	s6 =	simm.s32 $_tile_overlayer_lowered  }
0x9b: {  	s22 =	simm.s32 $0x1BFF;
	s21 =	sshll.u32 s6, $0x1;
	s3 =	sadd.s32 s4, s19  }
0x9c: {  	s7 =	simm.s32 $0x0;
	s20 =	sshll.u32 s5, $0x1;
	s5 =	sadd.s32 s21, s3  }
0x9d: {  	[timem:s7], [sflag:s22] =	dma.local [hbm:s5], s20  }
0x9e: {  	_ =	swait.ge [sflag:s22], s20  }
0x9f: {  	s4 =	ssub.s32 $0x0, s20;
	[sflag:s22] =	ssyncset.done $0x0  }
0xa0: {  	[sflag:s22] =	ssyncadd.s32 s4;
	_ =	sdelay $0x1  }
0xa1: {  	s23 =	simm.s32 $0x1B8B  }
0xa2: {  	_ =	swait.ge [sflag:s23], $0x1  }
0xa3: {  	[sflag:s23] =	ssyncset.done $0x0  }
0xa4: {  	s25 =	simm.s32 $0x1B8E;
	s24 =	sld [smem:$0x3FFE];
	[sflag:s23] =	ssyncadd.s32 $0xFFFFFFFF  }
0xa5: {  	s26 =	simm.s32 $execute0_lowered;
	[smem:$0x3FD2] =	sst s25  }
0xa6: {  	s5 =	sshll.u32 s26, $0x1;
	_ =	strace $0x8000004F;
	[dreg:$0x1] =	wrdreg $0xFFFFFFFF  }
0xa7: {  	s28 =	simm.s32 $_size_execute0_lowered;
	s3 =	sadd.s32 s3, s5;
	[dreg:$0x0] =	wrdreg $0x0  }
0xa8: {  	s5 =	sshll.u32 s28, $0x1;
	[dreg:$0x2] =	wrdreg s3  }
0xa9: {  	[dreg:$0x3] =	wrdreg s5  }
0xaa: {  	[dreg:$0x4] =	wrdreg $0xC0  }
0xab: {  	_ =	task [dreg:s7], $0x5FFFF  }
0xac: {  	[dreg:$0x1] =	wrdreg $0xFFFFFFFF  }
0xad: {  	[dreg:$0x0] =	wrdreg $0x60  }
0xae: {  	[dreg:$0x2] =	wrdreg s2  }
0xaf: {  	[dreg:$0x3] =	wrdreg s24  }
0xb0: {  	[dreg:$0x4] =	wrdreg $0x120800  }
0xb1: {  	[dreg:$0x5] =	wrdreg $0x9  }
0xb2: {  	_ =	task.clear_ibuf [dreg:s7], $0x6FFFF;
	_ =	strace $0x9000004F  }
0xb3: {  	s29 =	simm.s32 $0x9;
	_ =	strace $0x80000051  }
0xb4: {  	_ =	swait.ge [sflag:s29], $0x1  }
0xb5: {  	[sflag:s29] =	ssyncadd.s32 $0xFFFFFFFF  }
0xb6: {  	_ =	strace $0x90000051  }
0xb7: {  	_ =	sfence  }
0xb8: {  	s30 =	sld [smem:$0x0];
	_ =	sdelay $0x2  }
0xb9: {  	s31 =	sshll.u32 s1, $0xD;
	s1 =	sshrl.u32 s1, $0x2  }
0xba: {  	s3 =	sand.u32 $0x4000, s31;
	s1 =	sadd.s32 s1, s30  }
0xbb: {  	s0 =	sor.u32 s3, s0;
	s1 =	sshll.u32 s1, $0x11  }
0xbc: {  	s0 =	sor.u32 s1, s0  }
0xbd: {  	s0 =	sadd.s32 $0x8F2B, s0  }
0xbe: {  	[sflag:s0] =	ssyncadd.remote.s32 $0x1  }
0xbf: {  	_ =	sfence.sel $0xFFFF  }
0xc0: {  	[dreg:$0x0] =	wrdreg $0xFFFFFFFF;
	(pc) =	sbr.abs _section_cstart, $3  }
0xc1: {  	[dreg:$0x1] =	wrdreg $0xFFFFFFFF  }
0xc2: {  	_ =	task.clear_ibuf [dreg:s7], $0x2FFFF;
	_ =	strace $0x9FFFFFFF  }
0xc3: {  	(tm) =	ssettm $0x7FFFFFFF  }
tec
execute0_lowered:
.L_overlay_start_1:
0x0: {  	(tag) =	ssettag $0x1  }
0x1: {  	s1 =	rddreg [dreg:$0x0]  }
0x2: {  	s6 =	rddreg [dreg:$0x1]  }
0x3: {  	s3 =	rddreg [dreg:$0x2]  }
0x4: {  	s0 =	srdreg.scid;
	s2 =	rddreg [dreg:$0x3];
	s4 =	simm.s32 $0x0  }
0x5: {  	s15 =	simm.s32 $0x80;
	s16 =	simm.s32 $0xA080;
	s7 =	sand.u32 $0x1, s0  }
0x6: {  	s17 =	simm.s32 $0xE080;
	s0 =	stileid.u32;
	s5 =	smul.u32 $0x50000, s7  }
0x7: {  	s18 =	simm.s32 $0x1;
	s19 =	simm.s32 $0x2;
	s8 =	smul.u32 $0x5000, s0  }
0x8: {  	s20 =	simm.s32 $0x0;
	[smem:$0x7FF] =	sst s4;
	s9 =	smul.u32 $0xA0000, s7  }
0x9: {  	s24 =	smul.u32 $0xA000, s0;
	_ =	strace $0x80000050;
	s10 =	sshll.u32 s0, $0x4  }
0xa: {  	s26 =	ssub.s32 $0x2, s7;
	s12 =	smul.u32 $0x28000, s0;
	s30 =	sshll.u32 s0, $0x6  }
0xb: {  	s31 =	sshll.u32 s7, $0x8;
	s10 =	sadd.s32 s10, s6;
	s28 =	sshrl.u32 s26, $0x1  }
0xc: {  	s5 =	sadd.s32 s8, s5;
	s25 =	sadd.s32 s24, s9;
	s14 =	ssub.s32 s26, s28  }
0xd: {  	s29 =	sshrl.u32 s12, $0x2;
	s9 =	sadd.s32 s31, s10;
	s5 =	sshrl.u32 s5, $0x3  }
.Ltmp0:
0xe: {  	s8 =	sshrl.u32 s25, $0x3;
	s12 =	sadd.s32 s29, s3;
	(pc) =	sbr.rel .LBB2_1-.Ltmp0, $4  }
0xf: {  	s9 =	sadd.s32 $0x35800, s9;
	s11 =	sadd.s32 s5, s6;
	s5 =	sadd.s32 $0x3800, s6  }
0x10: {  	s13 =	sadd.s32 s8, s6;
	s6 =	sor.u32 $0x1C03, s30;
	s12 =	sshrl.u32 s12, $0x3  }
0x11: {  	s7 =	sadd.s32 $0xD800, s11;
	s8 =	sadd.s32 $0x21800, s11;
	s10 =	sadd.s32 $0x35A00, s13  }
0x12: {  	s11 =	smax.u32 s14, $0x1;
	s13 =	simm.s32 $0x3;
	s14 =	simm.s32 $0xA000  }
.LBB2_3:
0x13: {  	s25 =	simm.s32 $0x5000  }
.LBB2_7:
0x14: {  	s26 =	sadd.s32 $0xFFFFFF80, s24;
	[sflag:s13] =	ssyncadd.s32 @p0 $0xFFFFC000  }
0x15: {  	[tilespmem:s17], [sflag:$0x2] =	stream.indirect.gather [hbm4b:s1+s15], $0x80, s26, s15, $0xb8;
	[tilespmem:$0x1C080] =	vst v63  }
0x16: {  	_ =	swait.ge [sflag:s18], $0x4000  }
0x17: {  	s25 =	sadd.s32 @p0 $0x100, s25;
	[sflag:s18] =	ssyncset.done $0x0  }
0x18: {  	s21 =	smov.u32 @p0 s25;
	[sflag:s18] =	ssyncadd.s32 $0xFFFFC000  }
0x19: {  	[spmem:s3] =	stream.indirect.scatter.add.f32 [tilespmem:s16], [sflag:$0x3], $0x80, s21, s15, $0xb8;
	[tilespmem:$0x1C080] =	vst v63  }
0x1a: {  	_ =	swait.ge [sflag:s13], $0x4000  }
0x1b: {  	[sflag:s13] =	ssyncset.done $0x0  }
0x1c: {  	[sflag:s13] =	ssyncadd.s32 $0xFFFFC000  }
0x1d: {  	[tilespmem:s16], [sflag:$0x1] =	stream.indirect.gather [hbm4b:s1+s15], $0x80, s24, s15, $0xb8;
	[tilespmem:$0x1C080] =	vst v63  }
0x1e: {  	_ =	swait.ge [sflag:s19], $0x4000  }
0x1f: {  	[sflag:s19] =	ssyncset.done $0x0  }
0x20: {  	s21 =	sadd.s32 $0x80, s21;
	[sflag:s19] =	ssyncadd.s32 $0xFFFFC000  }
0x21: {  	[spmem:s3] =	stream.indirect.scatter.add.f32 [tilespmem:s17], [sflag:$0x3], $0x80, s21, s15, $0xb8;
	[tilespmem:$0x1C080] =	vst v63  }
0x22: {  	_ =	swait.ge [sflag:s13], $0x4000  }
0x23: {  	[sflag:s13] =	ssyncset.done $0x0  }
0x24: {  	[sflag:s13] =	ssyncadd.s32 $0xFFFFC000  }
.LBB2_8:
0x25: {  	s21 =	sshll.u32 s23, $0x7  }
0x26: {  	s23 =	sadd.s32 $0xFFFFFF80, s21  }
0x27: {  	[tilespmem:s17], [sflag:$0x2] =	stream.indirect.gather [hbm4b:s1+s15], $0x80, s23, s15, $0xb8;
	[tilespmem:$0x1C080] =	vst v63  }
0x28: {  	s22 =	sshll.u32 s22, $0x9;
	_ =	swait.ge [sflag:s18], $0x4000  }
0x29: {  	s22 =	sshra.s32 s22, $0x2;
	[sflag:s18] =	ssyncset.done $0x0  }
0x2a: {  	s22 =	sadd.s32 $0x5000, s22;
	[sflag:s18] =	ssyncadd.s32 $0xFFFFC000  }
0x2b: {  	[spmem:s3] =	stream.indirect.scatter.add.f32 [tilespmem:s16], [sflag:$0x3], $0x80, s22, s15, $0xb8;
	[tilespmem:$0x1C080] =	vst v63  }
0x2c: {  	_ =	swait.ge [sflag:s13], $0x4000  }
0x2d: {  	[sflag:s13] =	ssyncset.done $0x0  }
0x2e: {  	[sflag:s13] =	ssyncadd.s32 $0xFFFFC000  }
0x2f: {  	_ =	swait.ge [sflag:s19], $0x4000  }
0x30: {  	[sflag:s19] =	ssyncset.done $0x0  }
0x31: {  	s21 =	sadd.s32 $0x4F80, s21;
	[sflag:s19] =	ssyncadd.s32 $0xFFFFC000  }
0x32: {  	[spmem:s3] =	stream.indirect.scatter.add.f32 [tilespmem:s17], [sflag:$0x3], $0x80, s21, s15, $0xb8;
	[tilespmem:$0x1C080] =	vst v63  }
0x33: {  	_ =	swait.ge [sflag:s13], $0x4000  }
0x34: {  	s20 =	sadd.s32 $0x1, s20;
	[sflag:s13] =	ssyncset.done $0x0  }
0x35: {  	p0 =	sne.s32 s20, s11;
	[sflag:s13] =	ssyncadd.s32 $0xFFFFC000  }
.Ltmp1:
0x36: {  	[bflag:$0x0] =	sbarrier.arrive $0xFFFF;
	(pc) =	sbr.rel @!p0 .LBB2_9-.Ltmp1, $4  }
0x37: {  	[hbm:s10], [sflag:s6] =	dma.local [spmem:s12], $0x1400  }
0x38: {  	_ =	swait.ge [sflag:s13], $0x1400  }
0x39: {  	[sflag:s13] =	ssyncset.done $0x0  }
0x3a: {  	[sflag:s13] =	ssyncadd.s32 $0xFFFFEC00  }
.LBB2_1:
0x3b: {  	[spmem:s12], [sflag:s6] =	dma.local [hbm:s5], $0x1400  }
0x3c: {  	_ =	swait.ge [sflag:s13], $0x1400  }
0x3d: {  	[sflag:s13] =	ssyncset.done $0x0  }
0x3e: {  	[sflag:s13] =	ssyncadd.s32 $0xFFFFEC00  }
0x3f: {  	[tilespmem:s4], [sflag:$0x3] =	stream.linear.gather [hbm4b:s7+s4], $0x5000, $0x38;
	[tilespmem:$0x1C080] =	vst v63  }
0x40: {  	_ =	swait.ge [sflag:s13], $0x5000  }
0x41: {  	[sflag:s13] =	ssyncset.done $0x0  }
0x42: {  	s21 =	simm.s32 $0x5000;
	[sflag:s13] =	ssyncadd.s32 $0xFFFFB000  }
0x43: {  	[tilespmem:s21], [sflag:$0x3] =	stream.linear.gather [hbm4b:s8+s4], $0x5000, $0x38;
	[tilespmem:$0x1C080] =	vst v63  }
0x44: {  	_ =	swait.ge [sflag:s13], $0x5000  }
0x45: {  	[sflag:s13] =	ssyncset.done $0x0  }
0x46: {  	[sflag:s13] =	ssyncadd.s32 $0xFFFFB000  }
0x47: {  	[tilespmem:s14], [sflag:$0x3] =	stream.linear.gather [hbm4b:s9+s4], $0x80, $0x38;
	[tilespmem:$0x1C080] =	vst v63  }
0x48: {  	_ =	swait.ge [sflag:s13], $0x80  }
0x49: {  	[sflag:s13] =	ssyncset.done $0x0  }
0x4a: {  	[sflag:s13] =	ssyncadd.s32 $0xFFFFFF80  }
0x4b: {  	[bflag:$0x0] =	sbarrier.arrive $0xFFFF  }
0x4c: {  	v0 =	vld [tilespmem:$0xA000];
	_ =	sdelay $0x4  }
0x4d: {  	v0 =	vxor.u32 $0x80000000, v0  }
0x4e: {  	(xrf0) =	vmax.scan.msk.u32 $0xffff, v0;
	_ =	sdelay $0x5  }
0x4f: {  	v0, _, _ =	vpop (xrf0)  }
0x50: {  	(v2sf) =	vpush v0, $0xF;
	_ =	sdelay $0xe  }
0x51: {  	s23 =	spop (v2sf)  }
0x52: {  	s22 =	sadd.s32 $0x7FFFFFFE, s23  }
0x53: {  	s25 =	sshrl.u32 s22, $0x1  }
0x54: {  	p0 =	seq.s32 s25, $0x0  }
.Ltmp2:
0x55: {  	_ = 	snop;
	(pc) =	sbr.rel @p0 .LBB2_8-.Ltmp2, $3  }
0x56: {  	_ =	sdelay $0x1  }
0x57: {  	s24 =	simm.s32 $0x100  }
0x58: {  	[tilespmem:s16], [sflag:$0x1] =	stream.indirect.gather [hbm4b:s1+s15], $0x80, s4, s15, $0xb8;
	[tilespmem:$0x1C080] =	vst v63  }
0x59: {  	p1 =	sne.s32 s25, $0x1  }
.Ltmp3:
0x5a: {  	_ = 	snop;
	(pc) =	sbr.rel @!p1 .LBB2_3-.Ltmp3, $2  }
0x5b: {  	_ =	sdelay $0x2  }
0x5c: {  	s25 =	sadd.s32 $0xFFFFFFFF, s25;
	p0 =	por $0x0, $0x0  }
0x5d: {  	s26 =	sadd.s32 $0xFFFFFF80, s24  }
0x5e: {  	[tilespmem:s17], [sflag:$0x2] =	stream.indirect.gather [hbm4b:s1+s15], $0x80, s26, s15, $0xb8;
	[tilespmem:$0x1C080] =	vst v63  }
0x5f: {  	_ =	swait.ge [sflag:s18], $0x4000  }
0x60: {  	[sflag:s18] =	ssyncset.done $0x0  }
0x61: {  	[sflag:s18] =	ssyncadd.s32 $0xFFFFC000  }
0x62: {  	[spmem:s3] =	stream.indirect.scatter.add.f32 [tilespmem:s16], [sflag:$0x3], $0x80, s21, s15, $0xb8;
	[tilespmem:$0x1C080] =	vst v63  }
0x63: {  	_ =	swait.ge [sflag:s13], $0x4000  }
0x64: {  	[sflag:s13] =	ssyncset.done $0x0  }
0x65: {  	[sflag:s13] =	ssyncadd.s32 $0xFFFFC000  }
0x66: {  	[tilespmem:s16], [sflag:$0x1] =	stream.indirect.gather [hbm4b:s1+s15], $0x80, s24, s15, $0xb8;
	[tilespmem:$0x1C080] =	vst v63  }
0x67: {  	p1 =	sne.s32 s25, $0x1;
	_ =	swait.ge [sflag:s19], $0x4000  }
.Ltmp4:
0x68: {  	[sflag:s19] =	ssyncset.done $0x0;
	(pc) =	sbr.rel @!p1 .LBB2_5-.Ltmp4, $4  }
0x69: {  	s31 =	sadd.s32 $0x80, s21;
	[sflag:s19] =	ssyncadd.s32 $0xFFFFC000  }
0x6a: {  	[spmem:s3] =	stream.indirect.scatter.add.f32 [tilespmem:s17], [sflag:$0x3], $0x80, s31, s15, $0xb8;
	[tilespmem:$0x1C080] =	vst v63  }
0x6b: {  	p0 =	por $0x1, $0x1;
	s26 =	sadd.s32 $0xFFFFFFFF, s25;
	_ =	swait.ge [sflag:s13], $0x4000  }
0x6c: {  	s25 =	simm.s32 $0x5000;
	s24 =	sadd.s32 $0x100, s24;
	[sflag:s13] =	ssyncset.done $0x0  }
.LBB2_6:
0x6d: {  	s28 =	sadd.s32 $0xFFFFFF80, s24;
	[sflag:s13] =	ssyncadd.s32 $0xFFFFC000;
	s25 =	sadd.s32 $0x100, s25  }
0x6e: {  	[tilespmem:s17], [sflag:$0x2] =	stream.indirect.gather [hbm4b:s1+s15], $0x80, s28, s15, $0xb8;
	[tilespmem:$0x1C080] =	vst v63  }
0x6f: {  	p1 =	sne.s32 s26, $0x1;
	s26 =	sadd.s32 $0xFFFFFFFF, s26;
	_ =	swait.ge [sflag:s18], $0x4000  }
0x70: {  	[sflag:s18] =	ssyncset.done $0x0  }
0x71: {  	[sflag:s18] =	ssyncadd.s32 $0xFFFFC000  }
0x72: {  	[spmem:s3] =	stream.indirect.scatter.add.f32 [tilespmem:s16], [sflag:$0x3], $0x80, s25, s15, $0xb8;
	[tilespmem:$0x1C080] =	vst v63  }
0x73: {  	_ =	swait.ge [sflag:s13], $0x4000  }
0x74: {  	[sflag:s13] =	ssyncset.done $0x0  }
0x75: {  	[sflag:s13] =	ssyncadd.s32 $0xFFFFC000  }
0x76: {  	[tilespmem:s16], [sflag:$0x1] =	stream.indirect.gather [hbm4b:s1+s15], $0x80, s24, s15, $0xb8;
	[tilespmem:$0x1C080] =	vst v63  }
0x77: {  	_ =	swait.ge [sflag:s19], $0x4000  }
.Ltmp5:
0x78: {  	[sflag:s19] =	ssyncset.done $0x0;
	(pc) =	sbr.rel @p1 .LBB2_6-.Ltmp5, $4  }
0x79: {  	s28 =	sadd.s32 $0x80, s25;
	[sflag:s19] =	ssyncadd.s32 $0xFFFFC000  }
0x7a: {  	[spmem:s3] =	stream.indirect.scatter.add.f32 [tilespmem:s17], [sflag:$0x3], $0x80, s28, s15, $0xb8;
	[tilespmem:$0x1C080] =	vst v63  }
0x7b: {  	_ =	swait.ge [sflag:s13], $0x4000  }
0x7c: {  	s24 =	sadd.s32 $0x100, s24;
	[sflag:s13] =	ssyncset.done $0x0  }
.Ltmp6:
0x7d: {  	_ = 	snop;
	(pc) =	sbr.rel .LBB2_7-.Ltmp6, $1  }
0x7e: {  	_ =	sdelay $0x3  }
.LBB2_5:
.Ltmp7:
0x7f: {  	(pc) =	sbr.rel .LBB2_7-.Ltmp7, $2  }
0x80: {  	_ =	sdelay $0x2  }
0x81: {  	s25 =	simm.s32 $0x5000  }
.LBB2_9:
0x82: {  	_ =	sfence.sel $0x180000  }
0x83: {  	[bflag:$0x0] =	sbarrier.arrive $0xFFFF  }
0x84: {  	p0 =	sne.s32 s0, $0x0;
	_ =	strace $0x90000050  }
0x85: {  	s0 =	sadd.s32 @!p0 $0x100000, s2;
	[bflag:$0x2] =	sbarrier.arrive $0xFFFF  }
0x86: {  	[sflag:s0] =	ssyncadd.tile.s32 @!p0 $0x1;
	_ =	shalt  }
.Lfunc_end2:
_tile_overlayer_lowered:
.L_overlay_start_2:
0x87: {  	(tag) =	ssettag $0x2  }
0x88: {  	s0 =	rddreg [dreg:$0x0];
	s2 =	stileid.u32  }
0x89: {  	s1 =	rddreg [dreg:$0x1];
	p0 =	sne.s32 s2, $0x0  }
0x8a: {  	s3 =	rddreg [dreg:$0x2];
	[bflag:$0x3] =	sbarrier.arrive $0xFFFF;
	s2 =	simm.s32 @!p0 $0x1C03  }
0x8b: {  	[timem:s3], [sflag:s2] =	dma.local @!p0 [hbm:s0], s1  }
0x8c: {  	s0 =	simm.s32 @!p0 $0x3  }
0x8d: {  	_ =	swait.ge @!p0 [sflag:s0], s1  }
0x8e: {  	s1 =	ssub.s32 @!p0 $0x0, s1;
	[sflag:s0] =	ssyncset.done @!p0 $0x0  }
0x8f: {  	[sflag:s0] =	ssyncadd.s32 @!p0 s1  }
0x90: {  	[bflag:$0x3] =	sbarrier.arrive $0xFFFF  }
0x91: {  	_ =	shalt  }

</sc_bundles>
